<compile_context>
chip_gen: v7x
topology: tpu7x:2x2x1
jax: 0.10.2.dev20260603
libtpu: 0.0.44.dev20260713+nightly
codegen_flags: <defaults>
</compile_context>

<pallas_src>
import functools

import jax
import jax.numpy as jnp
from jax import lax
from jax.experimental import pallas as pl
from jax.experimental.pallas import tpu as pltpu
from jax.experimental.pallas import tpu_sc as plsc

N_NODES = 10000
N_EDGES = 320000
D = 128
NPAD = 10240
NC, NS, L = 2, 16, 16
DH = D // NC
EPT2 = N_EDGES // NS
K = 512
NCHUNK = EPT2 // K
TAIL = EPT2 - NCHUNK * K
CNT_HALF = (NCHUNK + 1) // 2
NPAIR = (NCHUNK + 1) // 2
RPT = NPAD // NS
RBLK = 160


def _sc_body(eidx_hbm, feat_hbm, zrows_hbm, zcnt_hbm, ones_hbm,
             out_sums, out_cnt0, out_cnt1,
             idx0, idx1, rows0, rows1, tidx, onesbuf, redin, redout,
             acc, cnt_acc, isem0, isem1, gsem0, gsem1, ssem0, ssem1):
    c = lax.axis_index("c")
    s = lax.axis_index("s")
    ebase = s * EPT2
    rslice = pl.ds(s * RPT, RPT)

    pltpu.async_copy(zrows_hbm, acc.at[rslice], ssem0)
    pltpu.async_copy(zcnt_hbm, cnt_acc.at[rslice], ssem0)
    pltpu.async_copy(ones_hbm, onesbuf, ssem1)

    idxbufs = (idx0, idx1)
    rowbufs = (rows0, rows1)
    isems = (isem0, isem1)
    gsems = (gsem0, gsem1)
    ssems = (ssem0, ssem1)
    cnt_lo = c * CNT_HALF
    cbase = c * N_NODES

    def eslice(k):
        return eidx_hbm.at[:, pl.ds(ebase + k * K, K)]

    def add_cbase(ib):
        for j in range(K // L):
            js = pl.ds(j * L, L)
            ib[1, js] = ib[1, js] + cbase

    pltpu.sync_copy(eslice(0), idx0)
    add_cbase(idx0)
    pltpu.async_copy(feat_hbm.at[idx0.at[1]], rows0, gsem0)
    pltpu.async_copy(eslice(1), idx1, isem1)

    pltpu.make_async_copy(zrows_hbm, acc.at[rslice], ssem0).wait()
    pltpu.make_async_copy(zcnt_hbm, cnt_acc.at[rslice], ssem0).wait()
    pltpu.make_async_copy(ones_hbm, onesbuf, ssem1).wait()
    plsc.subcore_barrier()

    def chunk_step(k, b):
        b1 = 1 - b
        ib, ib1 = idxbufs[b], idxbufs[b1]
        rb, rb1 = rowbufs[b], rowbufs[b1]
        in_cnt_window = (k >= cnt_lo) & (k < cnt_lo + CNT_HALF)
        pltpu.make_async_copy(feat_hbm.at[ib.at[1]], rb,
                              gsems[b]).wait()

        pltpu.async_copy(rb, acc.at[ib.at[0]], ssems[b], add=True)

        @pl.when(in_cnt_window)
        def _():
            pltpu.async_copy(onesbuf, cnt_acc.at[ib.at[0]], ssems[b],
                             add=True)

        @pl.when(k + 1 < NCHUNK)
        def _():
            pltpu.make_async_copy(eslice(k + 1), ib1, isems[b1]).wait()
            add_cbase(ib1)
            pltpu.async_copy(feat_hbm.at[ib1.at[1]], rb1, gsems[b1])

        pltpu.make_async_copy(rb, acc.at[ib.at[0]], ssems[b]).wait()

        @pl.when(in_cnt_window)
        def _():
            pltpu.make_async_copy(onesbuf, cnt_acc.at[ib.at[0]],
                                  ssems[b]).wait()

        @pl.when(k + 2 < NCHUNK)
        def _():
            pltpu.async_copy(eslice(k + 2), ib, isems[b])

    def pair_body(g, carry):
        for b in (0, 1):
            k = 2 * g + b

            @pl.when(k < NCHUNK)
            def _(k=k, b=b):
                chunk_step(k, b)

        return carry

    lax.fori_loop(0, NPAIR, pair_body, 0)

    trows = rows0.at[pl.ds(0, TAIL)]
    pltpu.sync_copy(eidx_hbm.at[:, pl.ds(ebase + NCHUNK * K, TAIL)], tidx)
    for j in range(TAIL // L):
        js = pl.ds(j * L, L)
        tidx[1, js] = tidx[1, js] + cbase
    pltpu.async_copy(feat_hbm.at[tidx.at[1]], trows, gsem0).wait()
    pltpu.sync_copy(trows, acc.at[tidx.at[0]], add=True)

    @pl.when(c == 1)
    def _():
        pltpu.sync_copy(onesbuf.at[pl.ds(0, TAIL)],
                        cnt_acc.at[tidx.at[0]], add=True)

    plsc.subcore_barrier()

    pltpu.async_copy(acc.at[rslice], out_sums.at[c, rslice], gsem0)

    lanes = lax.iota(jnp.int32, L)

    def red_blk(blk, carry):
        pltpu.sync_copy(cnt_acc.at[pl.ds(s * RPT + blk * RBLK, RBLK)], redin)

        def red_body(j, carry2):
            base = j * L
            v = redin[base]
            for t in range(1, L):
                v = jnp.where(lanes == t, redin[base + t], v)
            redout[pl.ds(blk * RBLK + base, L)] = v
            return carry2

        lax.fori_loop(0, RBLK // L, red_body, 0)
        return carry

    lax.fori_loop(0, RPT // RBLK, red_blk, 0)

    @pl.when(c == 0)
    def _():
        pltpu.sync_copy(redout, out_cnt0.at[rslice])

    @pl.when(c == 1)
    def _():
        pltpu.sync_copy(redout, out_cnt1.at[rslice])

    pltpu.make_async_copy(acc.at[rslice], out_sums.at[c, rslice],
                          gsem0).wait()


@functools.lru_cache(maxsize=1)
def _get_sc_call():
  return pl.kernel(
    _sc_body,
    out_type=[
        jax.ShapeDtypeStruct((NC, NPAD, DH), jnp.float32),
        jax.ShapeDtypeStruct((NPAD,), jnp.float32),
        jax.ShapeDtypeStruct((NPAD,), jnp.float32),
    ],
    mesh=plsc.VectorSubcoreMesh(core_axis_name="c", subcore_axis_name="s",
                                num_cores=NC, num_subcores=NS),
    compiler_params=pltpu.CompilerParams(use_tc_tiling_on_sc=False),
    scratch_types=[
        pltpu.VMEM((2, K), jnp.int32),
        pltpu.VMEM((2, K), jnp.int32),
        pltpu.VMEM((K, DH), jnp.float32),
        pltpu.VMEM((K, DH), jnp.float32),
        pltpu.VMEM((2, TAIL), jnp.int32),
        pltpu.VMEM((K, L), jnp.float32),
        pltpu.VMEM((RBLK, L), jnp.float32),
        pltpu.VMEM((RPT,), jnp.float32),
        pltpu.VMEM_SHARED((NPAD, DH), jnp.float32),
        pltpu.VMEM_SHARED((NPAD, L), jnp.float32),
        pltpu.SemaphoreType.DMA,
        pltpu.SemaphoreType.DMA,
        pltpu.SemaphoreType.DMA,
        pltpu.SemaphoreType.DMA,
        pltpu.SemaphoreType.DMA,
        pltpu.SemaphoreType.DMA,
    ],
  )

RB = 1024


def _tc_body(feat_ref, w_ref, sums_ref, cnt0_ref, cnt1_ref, out_ref):
    w = w_ref[...]
    f = feat_ref[...]
    cnt = cnt0_ref[...] + cnt1_ref[...]
    h1 = jnp.dot(f, w, preferred_element_type=jnp.float32)
    h2 = (jnp.dot(sums_ref[0], w[:DH], preferred_element_type=jnp.float32)
          + jnp.dot(sums_ref[1], w[DH:], preferred_element_type=jnp.float32))
    inv = 1.0 / jnp.maximum(cnt, 1.0)
    h2 = (h2.reshape(RB // 128, 128, D) * inv[:, :, None]).reshape(RB, D)
    out_ref[:, :D] = h1
    out_ref[:, D:] = h2


def _tc_call(features, W, sums, cnt0, cnt1):
    return pl.pallas_call(
        _tc_body,
        grid=(NPAD // RB,),
        in_specs=[
            pl.BlockSpec((RB, D), lambda i: (i, 0)),
            pl.BlockSpec((D, D), lambda i: (0, 0)),
            pl.BlockSpec((NC, RB, DH), lambda i: (0, i, 0)),
            pl.BlockSpec((RB // 128, 128), lambda i: (i, 0)),
            pl.BlockSpec((RB // 128, 128), lambda i: (i, 0)),
        ],
        out_specs=pl.BlockSpec((RB, 2 * D), lambda i: (i, 0)),
        out_shape=jax.ShapeDtypeStruct((N_NODES, 2 * D), jnp.float32),
    )(features, W, sums, cnt0, cnt1)


def kernel(features, edge_index, W):
    feat2 = jnp.concatenate([features[:, :DH], features[:, DH:]], axis=0)
    zrows = jnp.zeros((RPT, DH), jnp.float32)
    zcnt = jnp.zeros((RPT, L), jnp.float32)
    ones = jnp.ones((K, L), jnp.float32)
    sums, cnt0, cnt1 = _get_sc_call()(edge_index, feat2, zrows, zcnt, ones)
    return _tc_call(features, W, sums,
                    cnt0.reshape(NPAD // 128, 128),
                    cnt1.reshape(NPAD // 128, 128))

# --- scband reference (transcript-rebuilt; emitter-appended) ---
"""Pipeline reference for scband-graph-conv-11974368821886 (READ-ONLY COPY).

The authoritative reference and input builder live on the scoring server;
editing this copy changes nothing except your own understanding.
"""

import jax, jax.numpy as jnp
import numpy as np

N_NODES = 10000
N_EDGES = 320000
IN_FEAT = 128
OUT_FEAT = 128


def setup_inputs(seed: int = 0) -> dict:
    key = jax.random.key(seed)
    k1, k2, k3 = jax.random.split(key, 3)
    features = jax.random.normal(k1, (N_NODES, IN_FEAT), dtype=jnp.float32)
    edge_index = jax.random.randint(k2, (2, N_EDGES), 0, N_NODES, dtype=jnp.int32)
    # glorot uniform for weight (in_feat, out_feat)
    limit = float(np.sqrt(6.0 / (IN_FEAT + OUT_FEAT)))
    W = jax.random.uniform(k3, (IN_FEAT, OUT_FEAT), dtype=jnp.float32, minval=-limit, maxval=limit)
    return {"features": features, "edge_index": edge_index, "W": W}


def reference(features, edge_index, W):
    # nodes_representation = features @ W
    nodes_representation = jnp.matmul(features, W)
    # gather neighbour representations by source of message (edges[1])
    neighbour_representations = jnp.take(features, edge_index[1], axis=0)
    # unsorted_segment_mean over destination nodes (edges[0])
    seg = edge_index[0]
    sums = jax.ops.segment_sum(neighbour_representations, seg, num_segments=N_NODES)
    counts = jax.ops.segment_sum(jnp.ones((N_EDGES,), dtype=features.dtype), seg, num_segments=N_NODES)
    mean = sums / jnp.maximum(counts, 1.0)[:, None]
    aggregated_messages = jnp.matmul(mean, W)
    # combination_type == 'concat', activation None (identity)
    h = jnp.concatenate([nodes_representation, aggregated_messages], axis=-1)
    return h

if __name__ == "__main__":
    import jax
    _d = setup_inputs()
    print(jax.jit(kernel)(*tuple(_d.values())))

</pallas_src>

<mosaic_0001>
#map = affine_map<(d0, d1) -> (0, 0)>
#map1 = affine_map<(d0, d1) -> (0, 0, 0)>
#map2 = affine_map<(d0, d1) -> (0)>
module attributes {stable_mosaic.version = 14 : i64} {
  func.func @_sc_body(%arg0: i32, %arg1: i32, %arg2: memref<2x320000xi32, #tpu.memory_space<hbm>>, %arg3: memref<20000x64xf32, #tpu.memory_space<hbm>>, %arg4: memref<640x64xf32, #tpu.memory_space<hbm>>, %arg5: memref<640x16xf32, #tpu.memory_space<hbm>>, %arg6: memref<512x16xf32, #tpu.memory_space<hbm>>, %arg7: memref<2x10240x64xf32, #tpu.memory_space<hbm>>, %arg8: memref<10240xf32, #tpu.memory_space<hbm>>, %arg9: memref<10240xf32, #tpu.memory_space<hbm>>, %arg10: memref<2x512xi32, #tpu.memory_space<vmem>>, %arg11: memref<2x512xi32, #tpu.memory_space<vmem>>, %arg12: memref<512x64xf32, #tpu.memory_space<vmem>>, %arg13: memref<512x64xf32, #tpu.memory_space<vmem>>, %arg14: memref<2x32xi32, #tpu.memory_space<vmem>>, %arg15: memref<512x16xf32, #tpu.memory_space<vmem>>, %arg16: memref<160x16xf32, #tpu.memory_space<vmem>>, %arg17: memref<640xf32, #tpu.memory_space<vmem>>, %arg18: memref<10240x64xf32, #tpu.memory_space<vmem_shared>>, %arg19: memref<10240x16xf32, #tpu.memory_space<vmem_shared>>, %arg20: memref<!tpu.dma_semaphore, #tpu.memory_space<semaphore_mem>>, %arg21: memref<!tpu.dma_semaphore, #tpu.memory_space<semaphore_mem>>, %arg22: memref<!tpu.dma_semaphore, #tpu.memory_space<semaphore_mem>>, %arg23: memref<!tpu.dma_semaphore, #tpu.memory_space<semaphore_mem>>, %arg24: memref<!tpu.dma_semaphore, #tpu.memory_space<semaphore_mem>>, %arg25: memref<!tpu.dma_semaphore, #tpu.memory_space<semaphore_mem>>) attributes {dimension_semantics = [#tpu.dimension_semantics<core_parallel>, #tpu.dimension_semantics<subcore_parallel>], iteration_bounds = array<i64: 2, 16>, scalar_prefetch = 0 : i64, scratch_operands = 16 : i64, tpu.core_type = #tpu.core_type<sc_vector_subcore>, window_params = [{transform_indices = #map}, {transform_indices = #map}, {transform_indices = #map}, {transform_indices = #map}, {transform_indices = #map}, {transform_indices = #map1}, {transform_indices = #map2}, {transform_indices = #map2}]} {
    %mul3A = arith.constant 20000 : i32
    %mul3A_0 = arith.muli %arg1, %mul3A : i32
    %mul3A_1 = arith.constant 640 : i32
    %mul3A_2 = arith.muli %arg1, %mul3A_1 : i32
    %dma_start3A = arith.constant 0 : i32
    %dma_start3A_3 = tpu.memref_slice %arg18[%mul3A_2, %dma_start3A] : memref<10240x64xf32, #tpu.memory_space<vmem_shared>> -> memref<640x64xf32, #tpu.memory_space<vmem_shared>>
    tpu.enqueue_dma source(%arg4 : memref<640x64xf32, #tpu.memory_space<hbm>>) target(%dma_start3A_3 : memref<640x64xf32, #tpu.memory_space<vmem_shared>>) target_semaphore(%arg24 : memref<!tpu.dma_semaphore, #tpu.memory_space<semaphore_mem>>)
    %dma_start3A_4 = arith.constant 0 : i32
    %dma_start3A_5 = tpu.memref_slice %arg19[%mul3A_2, %dma_start3A_4] : memref<10240x16xf32, #tpu.memory_space<vmem_shared>> -> memref<640x16xf32, #tpu.memory_space<vmem_shared>>
    tpu.enqueue_dma source(%arg5 : memref<640x16xf32, #tpu.memory_space<hbm>>) target(%dma_start3A_5 : memref<640x16xf32, #tpu.memory_space<vmem_shared>>) target_semaphore(%arg24 : memref<!tpu.dma_semaphore, #tpu.memory_space<semaphore_mem>>)
    tpu.enqueue_dma source(%arg6 : memref<512x16xf32, #tpu.memory_space<hbm>>) target(%arg15 : memref<512x16xf32, #tpu.memory_space<vmem>>) target_semaphore(%arg25 : memref<!tpu.dma_semaphore, #tpu.memory_space<semaphore_mem>>)
    %mul3A_6 = arith.constant 20 : i32
    %mul3A_7 = arith.muli %arg0, %mul3A_6 : i32
    %mul3A_8 = arith.constant 10000 : i32
    %mul3A_9 = arith.muli %arg0, %mul3A_8 : i32
    %add3A = arith.constant 0 : i32
    %add3A_10 = arith.addi %mul3A_0, %add3A : i32
    "tpu.region"() ({
      %run_scoped3A_523 = tpu.sem_alloc : memref<!tpu.dma_semaphore, #tpu.memory_space<semaphore_mem>>
      %dma_start3A_524 = arith.constant 0 : i32
      %dma_start3A_525 = tpu.memref_slice %arg2[%dma_start3A_524, %add3A_10] : memref<2x320000xi32, #tpu.memory_space<hbm>> -> memref<2x512xi32, #tpu.memory_space<hbm>>
      %dma_start3A_526 = arith.constant 0 : i32
      %dma_start3A_527 = tpu.memref_slice %arg2[%dma_start3A_526, %add3A_10] : memref<2x320000xi32, #tpu.memory_space<hbm>> -> memref<2x512xi32, #tpu.memory_space<hbm>>
      tpu.enqueue_dma source(%dma_start3A_527 : memref<2x512xi32, #tpu.memory_space<hbm>>) target(%arg10 : memref<2x512xi32, #tpu.memory_space<vmem>>) target_semaphore(%run_scoped3A_523 : memref<!tpu.dma_semaphore, #tpu.memory_space<semaphore_mem>>)
      %dma_wait3A_528 = arith.constant 0 : i32
      %dma_wait3A_529 = tpu.memref_slice %arg2[%dma_wait3A_528, %add3A_10] : memref<2x320000xi32, #tpu.memory_space<hbm>> -> memref<2x512xi32, #tpu.memory_space<hbm>>
      %dma_wait3A_530 = arith.constant 0 : i32
      %dma_wait3A_531 = tpu.memref_slice %arg2[%dma_wait3A_530, %add3A_10] : memref<2x320000xi32, #tpu.memory_space<hbm>> -> memref<2x512xi32, #tpu.memory_space<hbm>>
      tpu.wait_dma2 semaphore(%run_scoped3A_523 : memref<!tpu.dma_semaphore, #tpu.memory_space<semaphore_mem>>) src(%dma_wait3A_531 : memref<2x512xi32, #tpu.memory_space<hbm>>) dst(%arg10 : memref<2x512xi32, #tpu.memory_space<vmem>>)
      tpu.yield
    }) : () -> ()
    %get3A = arith.constant 1 : i32
    %get3A_11 = arith.index_cast %get3A : i32 to index
    %get3A_12 = arith.constant 0 : index
    %get3A_13 = tpu.vector_load %arg10[%get3A_11, %get3A_12] {strides = array<i32>} : memref<2x512xi32, #tpu.memory_space<vmem>>, vector<1x16xi32>,
    %get3A_14 = vector.shape_cast %get3A_13 : vector<1x16xi32> to vector<16xi32>
    %add3A_15 = vector.broadcast %mul3A_9 : i32 to vector<16xi32>
    %add3A_16 = arith.addi %get3A_14, %add3A_15 : vector<16xi32>
    %swap3A = arith.constant 1 : i32
    %swap3A_17 = arith.index_cast %swap3A : i32 to index
    %swap3A_18 = arith.constant 0 : index
    %swap3A_19 = tpu.vector_load %arg10[%swap3A_17, %swap3A_18] {strides = array<i32>} : memref<2x512xi32, #tpu.memory_space<vmem>>, vector<1x16xi32>,
    %swap3A_20 = vector.shape_cast %swap3A_19 : vector<1x16xi32> to vector<16xi32>
    %swap3A_21 = vector.shape_cast %add3A_16 : vector<16xi32> to vector<1x16xi32>
    tpu.vector_store %arg10[%swap3A_17, %swap3A_18], %swap3A_21 {strides = array<i32>} : memref<2x512xi32, #tpu.memory_space<vmem>>, vector<1x16xi32>,
    %get3A_22 = arith.constant 1 : i32
    %get3A_23 = arith.index_cast %get3A_22 : i32 to index
    %get3A_24 = arith.constant 16 : index
    %get3A_25 = tpu.vector_load %arg10[%get3A_23, %get3A_24] {strides = array<i32>} : memref<2x512xi32, #tpu.memory_space<vmem>>, vector<1x16xi32>,
    %get3A_26 = vector.shape_cast %get3A_25 : vector<1x16xi32> to vector<16xi32>
    %add3A_27 = vector.broadcast %mul3A_9 : i32 to vector<16xi32>
    %add3A_28 = arith.addi %get3A_26, %add3A_27 : vector<16xi32>
    %swap3A_29 = arith.constant 1 : i32
    %swap3A_30 = arith.index_cast %swap3A_29 : i32 to index
    %swap3A_31 = arith.constant 16 : index
    %swap3A_32 = tpu.vector_load %arg10[%swap3A_30, %swap3A_31] {strides = array<i32>} : memref<2x512xi32, #tpu.memory_space<vmem>>, vector<1x16xi32>,
    %swap3A_33 = vector.shape_cast %swap3A_32 : vector<1x16xi32> to vector<16xi32>
    %swap3A_34 = vector.shape_cast %add3A_28 : vector<16xi32> to vector<1x16xi32>
    tpu.vector_store %arg10[%swap3A_30, %swap3A_31], %swap3A_34 {strides = array<i32>} : memref<2x512xi32, #tpu.memory_space<vmem>>, vector<1x16xi32>,
    %get3A_35 = arith.constant 1 : i32
    %get3A_36 = arith.index_cast %get3A_35 : i32 to index
    %get3A_37 = arith.constant 32 : index
    %get3A_38 = tpu.vector_load %arg10[%get3A_36, %get3A_37] {strides = array<i32>} : memref<2x512xi32, #tpu.memory_space<vmem>>, vector<1x16xi32>,
    %get3A_39 = vector.shape_cast %get3A_38 : vector<1x16xi32> to vector<16xi32>
    %add3A_40 = vector.broadcast %mul3A_9 : i32 to vector<16xi32>
    %add3A_41 = arith.addi %get3A_39, %add3A_40 : vector<16xi32>
    %swap3A_42 = arith.constant 1 : i32
    %swap3A_43 = arith.index_cast %swap3A_42 : i32 to index
    %swap3A_44 = arith.constant 32 : index
    %swap3A_45 = tpu.vector_load %arg10[%swap3A_43, %swap3A_44] {strides = array<i32>} : memref<2x512xi32, #tpu.memory_space<vmem>>, vector<1x16xi32>,
    %swap3A_46 = vector.shape_cast %swap3A_45 : vector<1x16xi32> to vector<16xi32>
    %swap3A_47 = vector.shape_cast %add3A_41 : vector<16xi32> to vector<1x16xi32>
    tpu.vector_store %arg10[%swap3A_43, %swap3A_44], %swap3A_47 {strides = array<i32>} : memref<2x512xi32, #tpu.memory_space<vmem>>, vector<1x16xi32>,
    %get3A_48 = arith.constant 1 : i32
    %get3A_49 = arith.index_cast %get3A_48 : i32 to index
    %get3A_50 = arith.constant 48 : index
    %get3A_51 = tpu.vector_load %arg10[%get3A_49, %get3A_50] {strides = array<i32>} : memref<2x512xi32, #tpu.memory_space<vmem>>, vector<1x16xi32>,
    %get3A_52 = vector.shape_cast %get3A_51 : vector<1x16xi32> to vector<16xi32>
    %add3A_53 = vector.broadcast %mul3A_9 : i32 to vector<16xi32>
    %add3A_54 = arith.addi %get3A_52, %add3A_53 : vector<16xi32>
    %swap3A_55 = arith.constant 1 : i32
    %swap3A_56 = arith.index_cast %swap3A_55 : i32 to index
    %swap3A_57 = arith.constant 48 : index
    %swap3A_58 = tpu.vector_load %arg10[%swap3A_56, %swap3A_57] {strides = array<i32>} : memref<2x512xi32, #tpu.memory_space<vmem>>, vector<1x16xi32>,
    %swap3A_59 = vector.shape_cast %swap3A_58 : vector<1x16xi32> to vector<16xi32>
    %swap3A_60 = vector.shape_cast %add3A_54 : vector<16xi32> to vector<1x16xi32>
    tpu.vector_store %arg10[%swap3A_56, %swap3A_57], %swap3A_60 {strides = array<i32>} : memref<2x512xi32, #tpu.memory_space<vmem>>, vector<1x16xi32>,
    %get3A_61 = arith.constant 1 : i32
    %get3A_62 = arith.index_cast %get3A_61 : i32 to index
    %get3A_63 = arith.constant 64 : index
    %get3A_64 = tpu.vector_load %arg10[%get3A_62, %get3A_63] {strides = array<i32>} : memref<2x512xi32, #tpu.memory_space<vmem>>, vector<1x16xi32>,
    %get3A_65 = vector.shape_cast %get3A_64 : vector<1x16xi32> to vector<16xi32>
    %add3A_66 = vector.broadcast %mul3A_9 : i32 to vector<16xi32>
    %add3A_67 = arith.addi %get3A_65, %add3A_66 : vector<16xi32>
    %swap3A_68 = arith.constant 1 : i32
    %swap3A_69 = arith.index_cast %swap3A_68 : i32 to index
    %swap3A_70 = arith.constant 64 : index
    %swap3A_71 = tpu.vector_load %arg10[%swap3A_69, %swap3A_70] {strides = array<i32>} : memref<2x512xi32, #tpu.memory_space<vmem>>, vector<1x16xi32>,
    %swap3A_72 = vector.shape_cast %swap3A_71 : vector<1x16xi32> to vector<16xi32>
    %swap3A_73 = vector.shape_cast %add3A_67 : vector<16xi32> to vector<1x16xi32>
    tpu.vector_store %arg10[%swap3A_69, %swap3A_70], %swap3A_73 {strides = array<i32>} : memref<2x512xi32, #tpu.memory_space<vmem>>, vector<1x16xi32>,
    %get3A_74 = arith.constant 1 : i32
    %get3A_75 = arith.index_cast %get3A_74 : i32 to index
    %get3A_76 = arith.constant 80 : index
    %get3A_77 = tpu.vector_load %arg10[%get3A_75, %get3A_76] {strides = array<i32>} : memref<2x512xi32, #tpu.memory_space<vmem>>, vector<1x16xi32>,
    %get3A_78 = vector.shape_cast %get3A_77 : vector<1x16xi32> to vector<16xi32>
    %add3A_79 = vector.broadcast %mul3A_9 : i32 to vector<16xi32>
    %add3A_80 = arith.addi %get3A_78, %add3A_79 : vector<16xi32>
    %swap3A_81 = arith.constant 1 : i32
    %swap3A_82 = arith.index_cast %swap3A_81 : i32 to index
    %swap3A_83 = arith.constant 80 : index
    %swap3A_84 = tpu.vector_load %arg10[%swap3A_82, %swap3A_83] {strides = array<i32>} : memref<2x512xi32, #tpu.memory_space<vmem>>, vector<1x16xi32>,
    %swap3A_85 = vector.shape_cast %swap3A_84 : vector<1x16xi32> to vector<16xi32>
    %swap3A_86 = vector.shape_cast %add3A_80 : vector<16xi32> to vector<1x16xi32>
    tpu.vector_store %arg10[%swap3A_82, %swap3A_83], %swap3A_86 {strides = array<i32>} : memref<2x512xi32, #tpu.memory_space<vmem>>, vector<1x16xi32>,
    %get3A_87 = arith.constant 1 : i32
    %get3A_88 = arith.index_cast %get3A_87 : i32 to index
    %get3A_89 = arith.constant 96 : index
    %get3A_90 = tpu.vector_load %arg10[%get3A_88, %get3A_89] {strides = array<i32>} : memref<2x512xi32, #tpu.memory_space<vmem>>, vector<1x16xi32>,
    %get3A_91 = vector.shape_cast %get3A_90 : vector<1x16xi32> to vector<16xi32>
    %add3A_92 = vector.broadcast %mul3A_9 : i32 to vector<16xi32>
    %add3A_93 = arith.addi %get3A_91, %add3A_92 : vector<16xi32>
    %swap3A_94 = arith.constant 1 : i32
    %swap3A_95 = arith.index_cast %swap3A_94 : i32 to index
    %swap3A_96 = arith.constant 96 : index
    %swap3A_97 = tpu.vector_load %arg10[%swap3A_95, %swap3A_96] {strides = array<i32>} : memref<2x512xi32, #tpu.memory_space<vmem>>, vector<1x16xi32>,
    %swap3A_98 = vector.shape_cast %swap3A_97 : vector<1x16xi32> to vector<16xi32>
    %swap3A_99 = vector.shape_cast %add3A_93 : vector<16xi32> to vector<1x16xi32>
    tpu.vector_store %arg10[%swap3A_95, %swap3A_96], %swap3A_99 {strides = array<i32>} : memref<2x512xi32, #tpu.memory_space<vmem>>, vector<1x16xi32>,
    %get3A_100 = arith.constant 1 : i32
    %get3A_101 = arith.index_cast %get3A_100 : i32 to index
    %get3A_102 = arith.constant 112 : index
    %get3A_103 = tpu.vector_load %arg10[%get3A_101, %get3A_102] {strides = array<i32>} : memref<2x512xi32, #tpu.memory_space<vmem>>, vector<1x16xi32>,
    %get3A_104 = vector.shape_cast %get3A_103 : vector<1x16xi32> to vector<16xi32>
    %add3A_105 = vector.broadcast %mul3A_9 : i32 to vector<16xi32>
    %add3A_106 = arith.addi %get3A_104, %add3A_105 : vector<16xi32>
    %swap3A_107 = arith.constant 1 : i32
    %swap3A_108 = arith.index_cast %swap3A_107 : i32 to index
    %swap3A_109 = arith.constant 112 : index
    %swap3A_110 = tpu.vector_load %arg10[%swap3A_108, %swap3A_109] {strides = array<i32>} : memref<2x512xi32, #tpu.memory_space<vmem>>, vector<1x16xi32>,
    %swap3A_111 = vector.shape_cast %swap3A_110 : vector<1x16xi32> to vector<16xi32>
    %swap3A_112 = vector.shape_cast %add3A_106 : vector<16xi32> to vector<1x16xi32>
    tpu.vector_store %arg10[%swap3A_108, %swap3A_109], %swap3A_112 {strides = array<i32>} : memref<2x512xi32, #tpu.memory_space<vmem>>, vector<1x16xi32>,
    %get3A_113 = arith.constant 1 : i32
    %get3A_114 = arith.index_cast %get3A_113 : i32 to index
    %get3A_115 = arith.constant 128 : index
    %get3A_116 = tpu.vector_load %arg10[%get3A_114, %get3A_115] {strides = array<i32>} : memref<2x512xi32, #tpu.memory_space<vmem>>, vector<1x16xi32>,
    %get3A_117 = vector.shape_cast %get3A_116 : vector<1x16xi32> to vector<16xi32>
    %add3A_118 = vector.broadcast %mul3A_9 : i32 to vector<16xi32>
    %add3A_119 = arith.addi %get3A_117, %add3A_118 : vector<16xi32>
    %swap3A_120 = arith.constant 1 : i32
    %swap3A_121 = arith.index_cast %swap3A_120 : i32 to index
    %swap3A_122 = arith.constant 128 : index
    %swap3A_123 = tpu.vector_load %arg10[%swap3A_121, %swap3A_122] {strides = array<i32>} : memref<2x512xi32, #tpu.memory_space<vmem>>, vector<1x16xi32>,
    %swap3A_124 = vector.shape_cast %swap3A_123 : vector<1x16xi32> to vector<16xi32>
    %swap3A_125 = vector.shape_cast %add3A_119 : vector<16xi32> to vector<1x16xi32>
    tpu.vector_store %arg10[%swap3A_121, %swap3A_122], %swap3A_125 {strides = array<i32>} : memref<2x512xi32, #tpu.memory_space<vmem>>, vector<1x16xi32>,
    %get3A_126 = arith.constant 1 : i32
    %get3A_127 = arith.index_cast %get3A_126 : i32 to index
    %get3A_128 = arith.constant 144 : index
    %get3A_129 = tpu.vector_load %arg10[%get3A_127, %get3A_128] {strides = array<i32>} : memref<2x512xi32, #tpu.memory_space<vmem>>, vector<1x16xi32>,
    %get3A_130 = vector.shape_cast %get3A_129 : vector<1x16xi32> to vector<16xi32>
    %add3A_131 = vector.broadcast %mul3A_9 : i32 to vector<16xi32>
    %add3A_132 = arith.addi %get3A_130, %add3A_131 : vector<16xi32>
    %swap3A_133 = arith.constant 1 : i32
    %swap3A_134 = arith.index_cast %swap3A_133 : i32 to index
    %swap3A_135 = arith.constant 144 : index
    %swap3A_136 = tpu.vector_load %arg10[%swap3A_134, %swap3A_135] {strides = array<i32>} : memref<2x512xi32, #tpu.memory_space<vmem>>, vector<1x16xi32>,
    %swap3A_137 = vector.shape_cast %swap3A_136 : vector<1x16xi32> to vector<16xi32>
    %swap3A_138 = vector.shape_cast %add3A_132 : vector<16xi32> to vector<1x16xi32>
    tpu.vector_store %arg10[%swap3A_134, %swap3A_135], %swap3A_138 {strides = array<i32>} : memref<2x512xi32, #tpu.memory_space<vmem>>, vector<1x16xi32>,
    %get3A_139 = arith.constant 1 : i32
    %get3A_140 = arith.index_cast %get3A_139 : i32 to index
    %get3A_141 = arith.constant 160 : index
    %get3A_142 = tpu.vector_load %arg10[%get3A_140, %get3A_141] {strides = array<i32>} : memref<2x512xi32, #tpu.memory_space<vmem>>, vector<1x16xi32>,
    %get3A_143 = vector.shape_cast %get3A_142 : vector<1x16xi32> to vector<16xi32>
    %add3A_144 = vector.broadcast %mul3A_9 : i32 to vector<16xi32>
    %add3A_145 = arith.addi %get3A_143, %add3A_144 : vector<16xi32>
    %swap3A_146 = arith.constant 1 : i32
    %swap3A_147 = arith.index_cast %swap3A_146 : i32 to index
    %swap3A_148 = arith.constant 160 : index
    %swap3A_149 = tpu.vector_load %arg10[%swap3A_147, %swap3A_148] {strides = array<i32>} : memref<2x512xi32, #tpu.memory_space<vmem>>, vector<1x16xi32>,
    %swap3A_150 = vector.shape_cast %swap3A_149 : vector<1x16xi32> to vector<16xi32>
    %swap3A_151 = vector.shape_cast %add3A_145 : vector<16xi32> to vector<1x16xi32>
    tpu.vector_store %arg10[%swap3A_147, %swap3A_148], %swap3A_151 {strides = array<i32>} : memref<2x512xi32, #tpu.memory_space<vmem>>, vector<1x16xi32>,
    %get3A_152 = arith.constant 1 : i32
    %get3A_153 = arith.index_cast %get3A_152 : i32 to index
    %get3A_154 = arith.constant 176 : index
    %get3A_155 = tpu.vector_load %arg10[%get3A_153, %get3A_154] {strides = array<i32>} : memref<2x512xi32, #tpu.memory_space<vmem>>, vector<1x16xi32>,
    %get3A_156 = vector.shape_cast %get3A_155 : vector<1x16xi32> to vector<16xi32>
    %add3A_157 = vector.broadcast %mul3A_9 : i32 to vector<16xi32>
    %add3A_158 = arith.addi %get3A_156, %add3A_157 : vector<16xi32>
    %swap3A_159 = arith.constant 1 : i32
    %swap3A_160 = arith.index_cast %swap3A_159 : i32 to index
    %swap3A_161 = arith.constant 176 : index
    %swap3A_162 = tpu.vector_load %arg10[%swap3A_160, %swap3A_161] {strides = array<i32>} : memref<2x512xi32, #tpu.memory_space<vmem>>, vector<1x16xi32>,
    %swap3A_163 = vector.shape_cast %swap3A_162 : vector<1x16xi32> to vector<16xi32>
    %swap3A_164 = vector.shape_cast %add3A_158 : vector<16xi32> to vector<1x16xi32>
    tpu.vector_store %arg10[%swap3A_160, %swap3A_161], %swap3A_164 {strides = array<i32>} : memref<2x512xi32, #tpu.memory_space<vmem>>, vector<1x16xi32>,
    %get3A_165 = arith.constant 1 : i32
    %get3A_166 = arith.index_cast %get3A_165 : i32 to index
    %get3A_167 = arith.constant 192 : index
    %get3A_168 = tpu.vector_load %arg10[%get3A_166, %get3A_167] {strides = array<i32>} : memref<2x512xi32, #tpu.memory_space<vmem>>, vector<1x16xi32>,
    %get3A_169 = vector.shape_cast %get3A_168 : vector<1x16xi32> to vector<16xi32>
    %add3A_170 = vector.broadcast %mul3A_9 : i32 to vector<16xi32>
    %add3A_171 = arith.addi %get3A_169, %add3A_170 : vector<16xi32>
    %swap3A_172 = arith.constant 1 : i32
    %swap3A_173 = arith.index_cast %swap3A_172 : i32 to index
    %swap3A_174 = arith.constant 192 : index
    %swap3A_175 = tpu.vector_load %arg10[%swap3A_173, %swap3A_174] {strides = array<i32>} : memref<2x512xi32, #tpu.memory_space<vmem>>, vector<1x16xi32>,
    %swap3A_176 = vector.shape_cast %swap3A_175 : vector<1x16xi32> to vector<16xi32>
    %swap3A_177 = vector.shape_cast %add3A_171 : vector<16xi32> to vector<1x16xi32>
    tpu.vector_store %arg10[%swap3A_173, %swap3A_174], %swap3A_177 {strides = array<i32>} : memref<2x512xi32, #tpu.memory_space<vmem>>, vector<1x16xi32>,
    %get3A_178 = arith.constant 1 : i32
    %get3A_179 = arith.index_cast %get3A_178 : i32 to index
    %get3A_180 = arith.constant 208 : index
    %get3A_181 = tpu.vector_load %arg10[%get3A_179, %get3A_180] {strides = array<i32>} : memref<2x512xi32, #tpu.memory_space<vmem>>, vector<1x16xi32>,
    %get3A_182 = vector.shape_cast %get3A_181 : vector<1x16xi32> to vector<16xi32>
    %add3A_183 = vector.broadcast %mul3A_9 : i32 to vector<16xi32>
    %add3A_184 = arith.addi %get3A_182, %add3A_183 : vector<16xi32>
    %swap3A_185 = arith.constant 1 : i32
    %swap3A_186 = arith.index_cast %swap3A_185 : i32 to index
    %swap3A_187 = arith.constant 208 : index
    %swap3A_188 = tpu.vector_load %arg10[%swap3A_186, %swap3A_187] {strides = array<i32>} : memref<2x512xi32, #tpu.memory_space<vmem>>, vector<1x16xi32>,
    %swap3A_189 = vector.shape_cast %swap3A_188 : vector<1x16xi32> to vector<16xi32>
    %swap3A_190 = vector.shape_cast %add3A_184 : vector<16xi32> to vector<1x16xi32>
    tpu.vector_store %arg10[%swap3A_186, %swap3A_187], %swap3A_190 {strides = array<i32>} : memref<2x512xi32, #tpu.memory_space<vmem>>, vector<1x16xi32>,
    %get3A_191 = arith.constant 1 : i32
    %get3A_192 = arith.index_cast %get3A_191 : i32 to index
    %get3A_193 = arith.constant 224 : index
    %get3A_194 = tpu.vector_load %arg10[%get3A_192, %get3A_193] {strides = array<i32>} : memref<2x512xi32, #tpu.memory_space<vmem>>, vector<1x16xi32>,
    %get3A_195 = vector.shape_cast %get3A_194 : vector<1x16xi32> to vector<16xi32>
    %add3A_196 = vector.broadcast %mul3A_9 : i32 to vector<16xi32>
    %add3A_197 = arith.addi %get3A_195, %add3A_196 : vector<16xi32>
    %swap3A_198 = arith.constant 1 : i32
    %swap3A_199 = arith.index_cast %swap3A_198 : i32 to index
    %swap3A_200 = arith.constant 224 : index
    %swap3A_201 = tpu.vector_load %arg10[%swap3A_199, %swap3A_200] {strides = array<i32>} : memref<2x512xi32, #tpu.memory_space<vmem>>, vector<1x16xi32>,
    %swap3A_202 = vector.shape_cast %swap3A_201 : vector<1x16xi32> to vector<16xi32>
    %swap3A_203 = vector.shape_cast %add3A_197 : vector<16xi32> to vector<1x16xi32>
    tpu.vector_store %arg10[%swap3A_199, %swap3A_200], %swap3A_203 {strides = array<i32>} : memref<2x512xi32, #tpu.memory_space<vmem>>, vector<1x16xi32>,
    %get3A_204 = arith.constant 1 : i32
    %get3A_205 = arith.index_cast %get3A_204 : i32 to index
    %get3A_206 = arith.constant 240 : index
    %get3A_207 = tpu.vector_load %arg10[%get3A_205, %get3A_206] {strides = array<i32>} : memref<2x512xi32, #tpu.memory_space<vmem>>, vector<1x16xi32>,
    %get3A_208 = vector.shape_cast %get3A_207 : vector<1x16xi32> to vector<16xi32>
    %add3A_209 = vector.broadcast %mul3A_9 : i32 to vector<16xi32>
    %add3A_210 = arith.addi %get3A_208, %add3A_209 : vector<16xi32>
    %swap3A_211 = arith.constant 1 : i32
    %swap3A_212 = arith.index_cast %swap3A_211 : i32 to index
    %swap3A_213 = arith.constant 240 : index
    %swap3A_214 = tpu.vector_load %arg10[%swap3A_212, %swap3A_213] {strides = array<i32>} : memref<2x512xi32, #tpu.memory_space<vmem>>, vector<1x16xi32>,
    %swap3A_215 = vector.shape_cast %swap3A_214 : vector<1x16xi32> to vector<16xi32>
    %swap3A_216 = vector.shape_cast %add3A_210 : vector<16xi32> to vector<1x16xi32>
    tpu.vector_store %arg10[%swap3A_212, %swap3A_213], %swap3A_216 {strides = array<i32>} : memref<2x512xi32, #tpu.memory_space<vmem>>, vector<1x16xi32>,
    %get3A_217 = arith.constant 1 : i32
    %get3A_218 = arith.index_cast %get3A_217 : i32 to index
    %get3A_219 = arith.constant 256 : index
    %get3A_220 = tpu.vector_load %arg10[%get3A_218, %get3A_219] {strides = array<i32>} : memref<2x512xi32, #tpu.memory_space<vmem>>, vector<1x16xi32>,
    %get3A_221 = vector.shape_cast %get3A_220 : vector<1x16xi32> to vector<16xi32>
    %add3A_222 = vector.broadcast %mul3A_9 : i32 to vector<16xi32>
    %add3A_223 = arith.addi %get3A_221, %add3A_222 : vector<16xi32>
    %swap3A_224 = arith.constant 1 : i32
    %swap3A_225 = arith.index_cast %swap3A_224 : i32 to index
    %swap3A_226 = arith.constant 256 : index
    %swap3A_227 = tpu.vector_load %arg10[%swap3A_225, %swap3A_226] {strides = array<i32>} : memref<2x512xi32, #tpu.memory_space<vmem>>, vector<1x16xi32>,
    %swap3A_228 = vector.shape_cast %swap3A_227 : vector<1x16xi32> to vector<16xi32>
    %swap3A_229 = vector.shape_cast %add3A_223 : vector<16xi32> to vector<1x16xi32>
    tpu.vector_store %arg10[%swap3A_225, %swap3A_226], %swap3A_229 {strides = array<i32>} : memref<2x512xi32, #tpu.memory_space<vmem>>, vector<1x16xi32>,
    %get3A_230 = arith.constant 1 : i32
    %get3A_231 = arith.index_cast %get3A_230 : i32 to index
    %get3A_232 = arith.constant 272 : index
    %get3A_233 = tpu.vector_load %arg10[%get3A_231, %get3A_232] {strides = array<i32>} : memref<2x512xi32, #tpu.memory_space<vmem>>, vector<1x16xi32>,
    %get3A_234 = vector.shape_cast %get3A_233 : vector<1x16xi32> to vector<16xi32>
    %add3A_235 = vector.broadcast %mul3A_9 : i32 to vector<16xi32>
    %add3A_236 = arith.addi %get3A_234, %add3A_235 : vector<16xi32>
    %swap3A_237 = arith.constant 1 : i32
    %swap3A_238 = arith.index_cast %swap3A_237 : i32 to index
    %swap3A_239 = arith.constant 272 : index
    %swap3A_240 = tpu.vector_load %arg10[%swap3A_238, %swap3A_239] {strides = array<i32>} : memref<2x512xi32, #tpu.memory_space<vmem>>, vector<1x16xi32>,
    %swap3A_241 = vector.shape_cast %swap3A_240 : vector<1x16xi32> to vector<16xi32>
    %swap3A_242 = vector.shape_cast %add3A_236 : vector<16xi32> to vector<1x16xi32>
    tpu.vector_store %arg10[%swap3A_238, %swap3A_239], %swap3A_242 {strides = array<i32>} : memref<2x512xi32, #tpu.memory_space<vmem>>, vector<1x16xi32>,
    %get3A_243 = arith.constant 1 : i32
    %get3A_244 = arith.index_cast %get3A_243 : i32 to index
    %get3A_245 = arith.constant 288 : index
    %get3A_246 = tpu.vector_load %arg10[%get3A_244, %get3A_245] {strides = array<i32>} : memref<2x512xi32, #tpu.memory_space<vmem>>, vector<1x16xi32>,
    %get3A_247 = vector.shape_cast %get3A_246 : vector<1x16xi32> to vector<16xi32>
    %add3A_248 = vector.broadcast %mul3A_9 : i32 to vector<16xi32>
    %add3A_249 = arith.addi %get3A_247, %add3A_248 : vector<16xi32>
    %swap3A_250 = arith.constant 1 : i32
    %swap3A_251 = arith.index_cast %swap3A_250 : i32 to index
    %swap3A_252 = arith.constant 288 : index
    %swap3A_253 = tpu.vector_load %arg10[%swap3A_251, %swap3A_252] {strides = array<i32>} : memref<2x512xi32, #tpu.memory_space<vmem>>, vector<1x16xi32>,
    %swap3A_254 = vector.shape_cast %swap3A_253 : vector<1x16xi32> to vector<16xi32>
    %swap3A_255 = vector.shape_cast %add3A_249 : vector<16xi32> to vector<1x16xi32>
    tpu.vector_store %arg10[%swap3A_251, %swap3A_252], %swap3A_255 {strides = array<i32>} : memref<2x512xi32, #tpu.memory_space<vmem>>, vector<1x16xi32>,
    %get3A_256 = arith.constant 1 : i32
    %get3A_257 = arith.index_cast %get3A_256 : i32 to index
    %get3A_258 = arith.constant 304 : index
    %get3A_259 = tpu.vector_load %arg10[%get3A_257, %get3A_258] {strides = array<i32>} : memref<2x512xi32, #tpu.memory_space<vmem>>, vector<1x16xi32>,
    %get3A_260 = vector.shape_cast %get3A_259 : vector<1x16xi32> to vector<16xi32>
    %add3A_261 = vector.broadcast %mul3A_9 : i32 to vector<16xi32>
    %add3A_262 = arith.addi %get3A_260, %add3A_261 : vector<16xi32>
    %swap3A_263 = arith.constant 1 : i32
    %swap3A_264 = arith.index_cast %swap3A_263 : i32 to index
    %swap3A_265 = arith.constant 304 : index
    %swap3A_266 = tpu.vector_load %arg10[%swap3A_264, %swap3A_265] {strides = array<i32>} : memref<2x512xi32, #tpu.memory_space<vmem>>, vector<1x16xi32>,
    %swap3A_267 = vector.shape_cast %swap3A_266 : vector<1x16xi32> to vector<16xi32>
    %swap3A_268 = vector.shape_cast %add3A_262 : vector<16xi32> to vector<1x16xi32>
    tpu.vector_store %arg10[%swap3A_264, %swap3A_265], %swap3A_268 {strides = array<i32>} : memref<2x512xi32, #tpu.memory_space<vmem>>, vector<1x16xi32>,
    %get3A_269 = arith.constant 1 : i32
    %get3A_270 = arith.index_cast %get3A_269 : i32 to index
    %get3A_271 = arith.constant 320 : index
    %get3A_272 = tpu.vector_load %arg10[%get3A_270, %get3A_271] {strides = array<i32>} : memref<2x512xi32, #tpu.memory_space<vmem>>, vector<1x16xi32>,
    %get3A_273 = vector.shape_cast %get3A_272 : vector<1x16xi32> to vector<16xi32>
    %add3A_274 = vector.broadcast %mul3A_9 : i32 to vector<16xi32>
    %add3A_275 = arith.addi %get3A_273, %add3A_274 : vector<16xi32>
    %swap3A_276 = arith.constant 1 : i32
    %swap3A_277 = arith.index_cast %swap3A_276 : i32 to index
    %swap3A_278 = arith.constant 320 : index
    %swap3A_279 = tpu.vector_load %arg10[%swap3A_277, %swap3A_278] {strides = array<i32>} : memref<2x512xi32, #tpu.memory_space<vmem>>, vector<1x16xi32>,
    %swap3A_280 = vector.shape_cast %swap3A_279 : vector<1x16xi32> to vector<16xi32>
    %swap3A_281 = vector.shape_cast %add3A_275 : vector<16xi32> to vector<1x16xi32>
    tpu.vector_store %arg10[%swap3A_277, %swap3A_278], %swap3A_281 {strides = array<i32>} : memref<2x512xi32, #tpu.memory_space<vmem>>, vector<1x16xi32>,
    %get3A_282 = arith.constant 1 : i32
    %get3A_283 = arith.index_cast %get3A_282 : i32 to index
    %get3A_284 = arith.constant 336 : index
    %get3A_285 = tpu.vector_load %arg10[%get3A_283, %get3A_284] {strides = array<i32>} : memref<2x512xi32, #tpu.memory_space<vmem>>, vector<1x16xi32>,
    %get3A_286 = vector.shape_cast %get3A_285 : vector<1x16xi32> to vector<16xi32>
    %add3A_287 = vector.broadcast %mul3A_9 : i32 to vector<16xi32>
    %add3A_288 = arith.addi %get3A_286, %add3A_287 : vector<16xi32>
    %swap3A_289 = arith.constant 1 : i32
    %swap3A_290 = arith.index_cast %swap3A_289 : i32 to index
    %swap3A_291 = arith.constant 336 : index
    %swap3A_292 = tpu.vector_load %arg10[%swap3A_290, %swap3A_291] {strides = array<i32>} : memref<2x512xi32, #tpu.memory_space<vmem>>, vector<1x16xi32>,
    %swap3A_293 = vector.shape_cast %swap3A_292 : vector<1x16xi32> to vector<16xi32>
    %swap3A_294 = vector.shape_cast %add3A_288 : vector<16xi32> to vector<1x16xi32>
    tpu.vector_store %arg10[%swap3A_290, %swap3A_291], %swap3A_294 {strides = array<i32>} : memref<2x512xi32, #tpu.memory_space<vmem>>, vector<1x16xi32>,
    %get3A_295 = arith.constant 1 : i32
    %get3A_296 = arith.index_cast %get3A_295 : i32 to index
    %get3A_297 = arith.constant 352 : index
    %get3A_298 = tpu.vector_load %arg10[%get3A_296, %get3A_297] {strides = array<i32>} : memref<2x512xi32, #tpu.memory_space<vmem>>, vector<1x16xi32>,
    %get3A_299 = vector.shape_cast %get3A_298 : vector<1x16xi32> to vector<16xi32>
    %add3A_300 = vector.broadcast %mul3A_9 : i32 to vector<16xi32>
    %add3A_301 = arith.addi %get3A_299, %add3A_300 : vector<16xi32>
    %swap3A_302 = arith.constant 1 : i32
    %swap3A_303 = arith.index_cast %swap3A_302 : i32 to index
    %swap3A_304 = arith.constant 352 : index
    %swap3A_305 = tpu.vector_load %arg10[%swap3A_303, %swap3A_304] {strides = array<i32>} : memref<2x512xi32, #tpu.memory_space<vmem>>, vector<1x16xi32>,
    %swap3A_306 = vector.shape_cast %swap3A_305 : vector<1x16xi32> to vector<16xi32>
    %swap3A_307 = vector.shape_cast %add3A_301 : vector<16xi32> to vector<1x16xi32>
    tpu.vector_store %arg10[%swap3A_303, %swap3A_304], %swap3A_307 {strides = array<i32>} : memref<2x512xi32, #tpu.memory_space<vmem>>, vector<1x16xi32>,
    %get3A_308 = arith.constant 1 : i32
    %get3A_309 = arith.index_cast %get3A_308 : i32 to index
    %get3A_310 = arith.constant 368 : index
    %get3A_311 = tpu.vector_load %arg10[%get3A_309, %get3A_310] {strides = array<i32>} : memref<2x512xi32, #tpu.memory_space<vmem>>, vector<1x16xi32>,
    %get3A_312 = vector.shape_cast %get3A_311 : vector<1x16xi32> to vector<16xi32>
    %add3A_313 = vector.broadcast %mul3A_9 : i32 to vector<16xi32>
    %add3A_314 = arith.addi %get3A_312, %add3A_313 : vector<16xi32>
    %swap3A_315 = arith.constant 1 : i32
    %swap3A_316 = arith.index_cast %swap3A_315 : i32 to index
    %swap3A_317 = arith.constant 368 : index
    %swap3A_318 = tpu.vector_load %arg10[%swap3A_316, %swap3A_317] {strides = array<i32>} : memref<2x512xi32, #tpu.memory_space<vmem>>, vector<1x16xi32>,
    %swap3A_319 = vector.shape_cast %swap3A_318 : vector<1x16xi32> to vector<16xi32>
    %swap3A_320 = vector.shape_cast %add3A_314 : vector<16xi32> to vector<1x16xi32>
    tpu.vector_store %arg10[%swap3A_316, %swap3A_317], %swap3A_320 {strides = array<i32>} : memref<2x512xi32, #tpu.memory_space<vmem>>, vector<1x16xi32>,
    %get3A_321 = arith.constant 1 : i32
    %get3A_322 = arith.index_cast %get3A_321 : i32 to index
    %get3A_323 = arith.constant 384 : index
    %get3A_324 = tpu.vector_load %arg10[%get3A_322, %get3A_323] {strides = array<i32>} : memref<2x512xi32, #tpu.memory_space<vmem>>, vector<1x16xi32>,
    %get3A_325 = vector.shape_cast %get3A_324 : vector<1x16xi32> to vector<16xi32>
    %add3A_326 = vector.broadcast %mul3A_9 : i32 to vector<16xi32>
    %add3A_327 = arith.addi %get3A_325, %add3A_326 : vector<16xi32>
    %swap3A_328 = arith.constant 1 : i32
    %swap3A_329 = arith.index_cast %swap3A_328 : i32 to index
    %swap3A_330 = arith.constant 384 : index
    %swap3A_331 = tpu.vector_load %arg10[%swap3A_329, %swap3A_330] {strides = array<i32>} : memref<2x512xi32, #tpu.memory_space<vmem>>, vector<1x16xi32>,
    %swap3A_332 = vector.shape_cast %swap3A_331 : vector<1x16xi32> to vector<16xi32>
    %swap3A_333 = vector.shape_cast %add3A_327 : vector<16xi32> to vector<1x16xi32>
    tpu.vector_store %arg10[%swap3A_329, %swap3A_330], %swap3A_333 {strides = array<i32>} : memref<2x512xi32, #tpu.memory_space<vmem>>, vector<1x16xi32>,
    %get3A_334 = arith.constant 1 : i32
    %get3A_335 = arith.index_cast %get3A_334 : i32 to index
    %get3A_336 = arith.constant 400 : index
    %get3A_337 = tpu.vector_load %arg10[%get3A_335, %get3A_336] {strides = array<i32>} : memref<2x512xi32, #tpu.memory_space<vmem>>, vector<1x16xi32>,
    %get3A_338 = vector.shape_cast %get3A_337 : vector<1x16xi32> to vector<16xi32>
    %add3A_339 = vector.broadcast %mul3A_9 : i32 to vector<16xi32>
    %add3A_340 = arith.addi %get3A_338, %add3A_339 : vector<16xi32>
    %swap3A_341 = arith.constant 1 : i32
    %swap3A_342 = arith.index_cast %swap3A_341 : i32 to index
    %swap3A_343 = arith.constant 400 : index
    %swap3A_344 = tpu.vector_load %arg10[%swap3A_342, %swap3A_343] {strides = array<i32>} : memref<2x512xi32, #tpu.memory_space<vmem>>, vector<1x16xi32>,
    %swap3A_345 = vector.shape_cast %swap3A_344 : vector<1x16xi32> to vector<16xi32>
    %swap3A_346 = vector.shape_cast %add3A_340 : vector<16xi32> to vector<1x16xi32>
    tpu.vector_store %arg10[%swap3A_342, %swap3A_343], %swap3A_346 {strides = array<i32>} : memref<2x512xi32, #tpu.memory_space<vmem>>, vector<1x16xi32>,
    %get3A_347 = arith.constant 1 : i32
    %get3A_348 = arith.index_cast %get3A_347 : i32 to index
    %get3A_349 = arith.constant 416 : index
    %get3A_350 = tpu.vector_load %arg10[%get3A_348, %get3A_349] {strides = array<i32>} : memref<2x512xi32, #tpu.memory_space<vmem>>, vector<1x16xi32>,
    %get3A_351 = vector.shape_cast %get3A_350 : vector<1x16xi32> to vector<16xi32>
    %add3A_352 = vector.broadcast %mul3A_9 : i32 to vector<16xi32>
    %add3A_353 = arith.addi %get3A_351, %add3A_352 : vector<16xi32>
    %swap3A_354 = arith.constant 1 : i32
    %swap3A_355 = arith.index_cast %swap3A_354 : i32 to index
    %swap3A_356 = arith.constant 416 : index
    %swap3A_357 = tpu.vector_load %arg10[%swap3A_355, %swap3A_356] {strides = array<i32>} : memref<2x512xi32, #tpu.memory_space<vmem>>, vector<1x16xi32>,
    %swap3A_358 = vector.shape_cast %swap3A_357 : vector<1x16xi32> to vector<16xi32>
    %swap3A_359 = vector.shape_cast %add3A_353 : vector<16xi32> to vector<1x16xi32>
    tpu.vector_store %arg10[%swap3A_355, %swap3A_356], %swap3A_359 {strides = array<i32>} : memref<2x512xi32, #tpu.memory_space<vmem>>, vector<1x16xi32>,
    %get3A_360 = arith.constant 1 : i32
    %get3A_361 = arith.index_cast %get3A_360 : i32 to index
    %get3A_362 = arith.constant 432 : index
    %get3A_363 = tpu.vector_load %arg10[%get3A_361, %get3A_362] {strides = array<i32>} : memref<2x512xi32, #tpu.memory_space<vmem>>, vector<1x16xi32>,
    %get3A_364 = vector.shape_cast %get3A_363 : vector<1x16xi32> to vector<16xi32>
    %add3A_365 = vector.broadcast %mul3A_9 : i32 to vector<16xi32>
    %add3A_366 = arith.addi %get3A_364, %add3A_365 : vector<16xi32>
    %swap3A_367 = arith.constant 1 : i32
    %swap3A_368 = arith.index_cast %swap3A_367 : i32 to index
    %swap3A_369 = arith.constant 432 : index
    %swap3A_370 = tpu.vector_load %arg10[%swap3A_368, %swap3A_369] {strides = array<i32>} : memref<2x512xi32, #tpu.memory_space<vmem>>, vector<1x16xi32>,
    %swap3A_371 = vector.shape_cast %swap3A_370 : vector<1x16xi32> to vector<16xi32>
    %swap3A_372 = vector.shape_cast %add3A_366 : vector<16xi32> to vector<1x16xi32>
    tpu.vector_store %arg10[%swap3A_368, %swap3A_369], %swap3A_372 {strides = array<i32>} : memref<2x512xi32, #tpu.memory_space<vmem>>, vector<1x16xi32>,
    %get3A_373 = arith.constant 1 : i32
    %get3A_374 = arith.index_cast %get3A_373 : i32 to index
    %get3A_375 = arith.constant 448 : index
    %get3A_376 = tpu.vector_load %arg10[%get3A_374, %get3A_375] {strides = array<i32>} : memref<2x512xi32, #tpu.memory_space<vmem>>, vector<1x16xi32>,
    %get3A_377 = vector.shape_cast %get3A_376 : vector<1x16xi32> to vector<16xi32>
    %add3A_378 = vector.broadcast %mul3A_9 : i32 to vector<16xi32>
    %add3A_379 = arith.addi %get3A_377, %add3A_378 : vector<16xi32>
    %swap3A_380 = arith.constant 1 : i32
    %swap3A_381 = arith.index_cast %swap3A_380 : i32 to index
    %swap3A_382 = arith.constant 448 : index
    %swap3A_383 = tpu.vector_load %arg10[%swap3A_381, %swap3A_382] {strides = array<i32>} : memref<2x512xi32, #tpu.memory_space<vmem>>, vector<1x16xi32>,
    %swap3A_384 = vector.shape_cast %swap3A_383 : vector<1x16xi32> to vector<16xi32>
    %swap3A_385 = vector.shape_cast %add3A_379 : vector<16xi32> to vector<1x16xi32>
    tpu.vector_store %arg10[%swap3A_381, %swap3A_382], %swap3A_385 {strides = array<i32>} : memref<2x512xi32, #tpu.memory_space<vmem>>, vector<1x16xi32>,
    %get3A_386 = arith.constant 1 : i32
    %get3A_387 = arith.index_cast %get3A_386 : i32 to index
    %get3A_388 = arith.constant 464 : index
    %get3A_389 = tpu.vector_load %arg10[%get3A_387, %get3A_388] {strides = array<i32>} : memref<2x512xi32, #tpu.memory_space<vmem>>, vector<1x16xi32>,
    %get3A_390 = vector.shape_cast %get3A_389 : vector<1x16xi32> to vector<16xi32>
    %add3A_391 = vector.broadcast %mul3A_9 : i32 to vector<16xi32>
    %add3A_392 = arith.addi %get3A_390, %add3A_391 : vector<16xi32>
    %swap3A_393 = arith.constant 1 : i32
    %swap3A_394 = arith.index_cast %swap3A_393 : i32 to index
    %swap3A_395 = arith.constant 464 : index
    %swap3A_396 = tpu.vector_load %arg10[%swap3A_394, %swap3A_395] {strides = array<i32>} : memref<2x512xi32, #tpu.memory_space<vmem>>, vector<1x16xi32>,
    %swap3A_397 = vector.shape_cast %swap3A_396 : vector<1x16xi32> to vector<16xi32>
    %swap3A_398 = vector.shape_cast %add3A_392 : vector<16xi32> to vector<1x16xi32>
    tpu.vector_store %arg10[%swap3A_394, %swap3A_395], %swap3A_398 {strides = array<i32>} : memref<2x512xi32, #tpu.memory_space<vmem>>, vector<1x16xi32>,
    %get3A_399 = arith.constant 1 : i32
    %get3A_400 = arith.index_cast %get3A_399 : i32 to index
    %get3A_401 = arith.constant 480 : index
    %get3A_402 = tpu.vector_load %arg10[%get3A_400, %get3A_401] {strides = array<i32>} : memref<2x512xi32, #tpu.memory_space<vmem>>, vector<1x16xi32>,
    %get3A_403 = vector.shape_cast %get3A_402 : vector<1x16xi32> to vector<16xi32>
    %add3A_404 = vector.broadcast %mul3A_9 : i32 to vector<16xi32>
    %add3A_405 = arith.addi %get3A_403, %add3A_404 : vector<16xi32>
    %swap3A_406 = arith.constant 1 : i32
    %swap3A_407 = arith.index_cast %swap3A_406 : i32 to index
    %swap3A_408 = arith.constant 480 : index
    %swap3A_409 = tpu.vector_load %arg10[%swap3A_407, %swap3A_408] {strides = array<i32>} : memref<2x512xi32, #tpu.memory_space<vmem>>, vector<1x16xi32>,
    %swap3A_410 = vector.shape_cast %swap3A_409 : vector<1x16xi32> to vector<16xi32>
    %swap3A_411 = vector.shape_cast %add3A_405 : vector<16xi32> to vector<1x16xi32>
    tpu.vector_store %arg10[%swap3A_407, %swap3A_408], %swap3A_411 {strides = array<i32>} : memref<2x512xi32, #tpu.memory_space<vmem>>, vector<1x16xi32>,
    %get3A_412 = arith.constant 1 : i32
    %get3A_413 = arith.index_cast %get3A_412 : i32 to index
    %get3A_414 = arith.constant 496 : index
    %get3A_415 = tpu.vector_load %arg10[%get3A_413, %get3A_414] {strides = array<i32>} : memref<2x512xi32, #tpu.memory_space<vmem>>, vector<1x16xi32>,
    %get3A_416 = vector.shape_cast %get3A_415 : vector<1x16xi32> to vector<16xi32>
    %add3A_417 = vector.broadcast %mul3A_9 : i32 to vector<16xi32>
    %add3A_418 = arith.addi %get3A_416, %add3A_417 : vector<16xi32>
    %swap3A_419 = arith.constant 1 : i32
    %swap3A_420 = arith.index_cast %swap3A_419 : i32 to index
    %swap3A_421 = arith.constant 496 : index
    %swap3A_422 = tpu.vector_load %arg10[%swap3A_420, %swap3A_421] {strides = array<i32>} : memref<2x512xi32, #tpu.memory_space<vmem>>, vector<1x16xi32>,
    %swap3A_423 = vector.shape_cast %swap3A_422 : vector<1x16xi32> to vector<16xi32>
    %swap3A_424 = vector.shape_cast %add3A_418 : vector<16xi32> to vector<1x16xi32>
    tpu.vector_store %arg10[%swap3A_420, %swap3A_421], %swap3A_424 {strides = array<i32>} : memref<2x512xi32, #tpu.memory_space<vmem>>, vector<1x16xi32>,
    %dma_start3A_425 = arith.constant 1 : i32
    %dma_start3A_426 = arith.constant 0 : i32
    %dma_start3A_427 = tpu.memref_slice %arg10[%dma_start3A_425, %dma_start3A_426] : memref<2x512xi32, #tpu.memory_space<vmem>> -> memref<1x512xi32, #tpu.memory_space<vmem>>
    %dma_start3A_428 = tpu.memref_squeeze %dma_start3A_427 : memref<1x512xi32, #tpu.memory_space<vmem>> -> memref<512xi32, #tpu.memory_space<vmem>>
    %dma_start3A_429 = arith.constant 0 : i32
    %dma_start3A_430 = arith.constant 0 : i32
    %dma_start3A_431 = tpu.memref_slice %arg3[%dma_start3A_429, %dma_start3A_430] : memref<20000x64xf32, #tpu.memory_space<hbm>> -> memref<20000x64xf32, #tpu.memory_space<hbm>>
    tpu.enqueue_indirect_dma source(%dma_start3A_431 : memref<20000x64xf32, #tpu.memory_space<hbm>>) target(%arg12 : memref<512x64xf32, #tpu.memory_space<vmem>>) offsets(%dma_start3A_428 : memref<512xi32, #tpu.memory_space<vmem>>) semaphore(%arg22 : memref<!tpu.dma_semaphore, #tpu.memory_space<semaphore_mem>>)
    %add3A_432 = arith.constant 512 : i32
    %add3A_433 = arith.addi %mul3A_0, %add3A_432 : i32
    %dma_start3A_434 = arith.constant 0 : i32
    %dma_start3A_435 = tpu.memref_slice %arg2[%dma_start3A_434, %add3A_433] : memref<2x320000xi32, #tpu.memory_space<hbm>> -> memref<2x512xi32, #tpu.memory_space<hbm>>
    %dma_start3A_436 = arith.constant 0 : i32
    %dma_start3A_437 = tpu.memref_slice %arg2[%dma_start3A_436, %add3A_433] : memref<2x320000xi32, #tpu.memory_space<hbm>> -> memref<2x512xi32, #tpu.memory_space<hbm>>
    tpu.enqueue_dma source(%dma_start3A_437 : memref<2x512xi32, #tpu.memory_space<hbm>>) target(%arg11 : memref<2x512xi32, #tpu.memory_space<vmem>>) target_semaphore(%arg21 : memref<!tpu.dma_semaphore, #tpu.memory_space<semaphore_mem>>)
    %dma_wait3A = arith.constant 0 : i32
    %dma_wait3A_438 = tpu.memref_slice %arg18[%mul3A_2, %dma_wait3A] : memref<10240x64xf32, #tpu.memory_space<vmem_shared>> -> memref<640x64xf32, #tpu.memory_space<vmem_shared>>
    tpu.wait_dma2 semaphore(%arg24 : memref<!tpu.dma_semaphore, #tpu.memory_space<semaphore_mem>>) src(%arg4 : memref<640x64xf32, #tpu.memory_space<hbm>>) dst(%dma_wait3A_438 : memref<640x64xf32, #tpu.memory_space<vmem_shared>>)
    %dma_wait3A_439 = arith.constant 0 : i32
    %dma_wait3A_440 = tpu.memref_slice %arg19[%mul3A_2, %dma_wait3A_439] : memref<10240x16xf32, #tpu.memory_space<vmem_shared>> -> memref<640x16xf32, #tpu.memory_space<vmem_shared>>
    tpu.wait_dma2 semaphore(%arg24 : memref<!tpu.dma_semaphore, #tpu.memory_space<semaphore_mem>>) src(%arg5 : memref<640x16xf32, #tpu.memory_space<hbm>>) dst(%dma_wait3A_440 : memref<640x16xf32, #tpu.memory_space<vmem_shared>>)
    tpu.wait_dma2 semaphore(%arg25 : memref<!tpu.dma_semaphore, #tpu.memory_space<semaphore_mem>>) src(%arg6 : memref<512x16xf32, #tpu.memory_space<hbm>>) dst(%arg15 : memref<512x16xf32, #tpu.memory_space<vmem>>)
    %barrier3A = arith.constant 0 : index
    tpu.barrier barrier_id(%barrier3A)
    %scan3A = arith.constant 0 : i32
    %scan3A_441 = arith.constant 0 : i32
    %scan3A_442 = arith.constant 20 : i32
    %scan3A_443 = arith.addi %scan3A_441, %scan3A_442 : i32
    %scan3A_444 = arith.constant 1 : i32
    scf.for %scan3A_523 = %scan3A_441 to %scan3A_443 step %scan3A_444  : i32 {
      %mul3A_524 = arith.constant 2 : i32
      %mul3A_525 = arith.muli %mul3A_524, %scan3A_523 : i32
      %add3A_526 = arith.constant 0 : i32
      %add3A_527 = arith.addi %mul3A_525, %add3A_526 : i32
      %lt3A = arith.constant 39 : i32
      %lt3A_528 = arith.cmpi slt, %add3A_527, %lt3A : i32
      %convert_element_type3A_529 = arith.extui %lt3A_528 : i1 to i32
      %cond3A_530 = arith.constant 0 : i32
      %cond3A_531 = arith.cmpi ne, %convert_element_type3A_529, %cond3A_530 : i32
      scf.if %cond3A_531 {
        %ge3A = arith.cmpi sge, %add3A_527, %mul3A_7 : i32
        %add3A_541 = arith.constant 20 : i32
        %add3A_542 = arith.addi %mul3A_7, %add3A_541 : i32
        %lt3A_543 = arith.cmpi slt, %add3A_527, %add3A_542 : i32
        %and3A = arith.andi %ge3A, %lt3A_543 : i1
        %dma_wait3A_544 = arith.constant 1 : i32
        %dma_wait3A_545 = arith.constant 0 : i32
        %dma_wait3A_546 = tpu.memref_slice %arg10[%dma_wait3A_544, %dma_wait3A_545] : memref<2x512xi32, #tpu.memory_space<vmem>> -> memref<1x512xi32, #tpu.memory_space<vmem>>
        %dma_wait3A_547 = tpu.memref_squeeze %dma_wait3A_546 : memref<1x512xi32, #tpu.memory_space<vmem>> -> memref<512xi32, #tpu.memory_space<vmem>>
        %dma_wait3A_548 = arith.constant 0 : i32
        %dma_wait3A_549 = arith.constant 0 : i32
        %dma_wait3A_550 = tpu.memref_slice %arg3[%dma_wait3A_548, %dma_wait3A_549] : memref<20000x64xf32, #tpu.memory_space<hbm>> -> memref<20000x64xf32, #tpu.memory_space<hbm>>
        tpu.wait_indirect_dma semaphore(%arg22 : memref<!tpu.dma_semaphore, #tpu.memory_space<semaphore_mem>>) src(%dma_wait3A_550 : memref<20000x64xf32, #tpu.memory_space<hbm>>) dst(%arg12 : memref<512x64xf32, #tpu.memory_space<vmem>>)
        %dma_start3A_551 = arith.constant 0 : i32
        %dma_start3A_552 = arith.constant 0 : i32
        %dma_start3A_553 = tpu.memref_slice %arg10[%dma_start3A_551, %dma_start3A_552] : memref<2x512xi32, #tpu.memory_space<vmem>> -> memref<1x512xi32, #tpu.memory_space<vmem>>
        %dma_start3A_554 = tpu.memref_squeeze %dma_start3A_553 : memref<1x512xi32, #tpu.memory_space<vmem>> -> memref<512xi32, #tpu.memory_space<vmem>>
        %dma_start3A_555 = arith.constant 0 : i32
        %dma_start3A_556 = arith.constant 0 : i32
        %dma_start3A_557 = tpu.memref_slice %arg18[%dma_start3A_555, %dma_start3A_556] : memref<10240x64xf32, #tpu.memory_space<vmem_shared>> -> memref<10240x64xf32, #tpu.memory_space<vmem_shared>>
        tpu.enqueue_indirect_dma source(%arg12 : memref<512x64xf32, #tpu.memory_space<vmem>>) target(%dma_start3A_557 : memref<10240x64xf32, #tpu.memory_space<vmem_shared>>) offsets(%dma_start3A_554 : memref<512xi32, #tpu.memory_space<vmem>>) semaphore(%arg24 : memref<!tpu.dma_semaphore, #tpu.memory_space<semaphore_mem>>) {add = true}
        %convert_element_type3A_558 = arith.extui %and3A : i1 to i32
        %cond3A_559 = arith.constant 0 : i32
        %cond3A_560 = arith.cmpi ne, %convert_element_type3A_558, %cond3A_559 : i32
        scf.if %cond3A_560 {
          %dma_start3A_585 = arith.constant 0 : i32
          %dma_start3A_586 = arith.constant 0 : i32
          %dma_start3A_587 = tpu.memref_slice %arg10[%dma_start3A_585, %dma_start3A_586] : memref<2x512xi32, #tpu.memory_space<vmem>> -> memref<1x512xi32, #tpu.memory_space<vmem>>
          %dma_start3A_588 = tpu.memref_squeeze %dma_start3A_587 : memref<1x512xi32, #tpu.memory_space<vmem>> -> memref<512xi32, #tpu.memory_space<vmem>>
          %dma_start3A_589 = arith.constant 0 : i32
          %dma_start3A_590 = arith.constant 0 : i32
          %dma_start3A_591 = tpu.memref_slice %arg19[%dma_start3A_589, %dma_start3A_590] : memref<10240x16xf32, #tpu.memory_space<vmem_shared>> -> memref<10240x16xf32, #tpu.memory_space<vmem_shared>>
          tpu.enqueue_indirect_dma source(%arg15 : memref<512x16xf32, #tpu.memory_space<vmem>>) target(%dma_start3A_591 : memref<10240x16xf32, #tpu.memory_space<vmem_shared>>) offsets(%dma_start3A_588 : memref<512xi32, #tpu.memory_space<vmem>>) semaphore(%arg24 : memref<!tpu.dma_semaphore, #tpu.memory_space<semaphore_mem>>) {add = true}
        } else {
        }
        %add3A_561 = arith.constant 1 : i32
        %add3A_562 = arith.addi %add3A_527, %add3A_561 : i32
        %lt3A_563 = arith.constant 39 : i32
        %lt3A_564 = arith.cmpi slt, %add3A_562, %lt3A_563 : i32
        %convert_element_type3A_565 = arith.extui %lt3A_564 : i1 to i32
        %cond3A_566 = arith.constant 0 : i32
        %cond3A_567 = arith.cmpi ne, %convert_element_type3A_565, %cond3A_566 : i32
        scf.if %cond3A_567 {
          %add3A_585 = arith.constant 1 : i32
          %add3A_586 = arith.addi %add3A_527, %add3A_585 : i32
          %mul3A_587 = arith.constant 512 : i32
          %mul3A_588 = arith.muli %add3A_586, %mul3A_587 : i32
          %add3A_589 = arith.addi %mul3A_0, %mul3A_588 : i32
          %dma_wait3A_590 = arith.constant 0 : i32
          %dma_wait3A_591 = tpu.memref_slice %arg2[%dma_wait3A_590, %add3A_589] : memref<2x320000xi32, #tpu.memory_space<hbm>> -> memref<2x512xi32, #tpu.memory_space<hbm>>
          %dma_wait3A_592 = arith.constant 0 : i32
          %dma_wait3A_593 = tpu.memref_slice %arg2[%dma_wait3A_592, %add3A_589] : memref<2x320000xi32, #tpu.memory_space<hbm>> -> memref<2x512xi32, #tpu.memory_space<hbm>>
          tpu.wait_dma2 semaphore(%arg21 : memref<!tpu.dma_semaphore, #tpu.memory_space<semaphore_mem>>) src(%dma_wait3A_593 : memref<2x512xi32, #tpu.memory_space<hbm>>) dst(%arg11 : memref<2x512xi32, #tpu.memory_space<vmem>>)
          %get3A_594 = arith.constant 1 : i32
          %get3A_595 = arith.index_cast %get3A_594 : i32 to index
          %get3A_596 = arith.constant 0 : index
          %get3A_597 = tpu.vector_load %arg11[%get3A_595, %get3A_596] {strides = array<i32>} : memref<2x512xi32, #tpu.memory_space<vmem>>, vector<1x16xi32>,
          %get3A_598 = vector.shape_cast %get3A_597 : vector<1x16xi32> to vector<16xi32>
          %add3A_599 = vector.broadcast %mul3A_9 : i32 to vector<16xi32>
          %add3A_600 = arith.addi %get3A_598, %add3A_599 : vector<16xi32>
          %swap3A_601 = arith.constant 1 : i32
          %swap3A_602 = arith.index_cast %swap3A_601 : i32 to index
          %swap3A_603 = arith.constant 0 : index
          %swap3A_604 = tpu.vector_load %arg11[%swap3A_602, %swap3A_603] {strides = array<i32>} : memref<2x512xi32, #tpu.memory_space<vmem>>, vector<1x16xi32>,
          %swap3A_605 = vector.shape_cast %swap3A_604 : vector<1x16xi32> to vector<16xi32>
          %swap3A_606 = vector.shape_cast %add3A_600 : vector<16xi32> to vector<1x16xi32>
          tpu.vector_store %arg11[%swap3A_602, %swap3A_603], %swap3A_606 {strides = array<i32>} : memref<2x512xi32, #tpu.memory_space<vmem>>, vector<1x16xi32>,
          %get3A_607 = arith.constant 1 : i32
          %get3A_608 = arith.index_cast %get3A_607 : i32 to index
          %get3A_609 = arith.constant 16 : index
          %get3A_610 = tpu.vector_load %arg11[%get3A_608, %get3A_609] {strides = array<i32>} : memref<2x512xi32, #tpu.memory_space<vmem>>, vector<1x16xi32>,
          %get3A_611 = vector.shape_cast %get3A_610 : vector<1x16xi32> to vector<16xi32>
          %add3A_612 = vector.broadcast %mul3A_9 : i32 to vector<16xi32>
          %add3A_613 = arith.addi %get3A_611, %add3A_612 : vector<16xi32>
          %swap3A_614 = arith.constant 1 : i32
          %swap3A_615 = arith.index_cast %swap3A_614 : i32 to index
          %swap3A_616 = arith.constant 16 : index
          %swap3A_617 = tpu.vector_load %arg11[%swap3A_615, %swap3A_616] {strides = array<i32>} : memref<2x512xi32, #tpu.memory_space<vmem>>, vector<1x16xi32>,
          %swap3A_618 = vector.shape_cast %swap3A_617 : vector<1x16xi32> to vector<16xi32>
          %swap3A_619 = vector.shape_cast %add3A_613 : vector<16xi32> to vector<1x16xi32>
          tpu.vector_store %arg11[%swap3A_615, %swap3A_616], %swap3A_619 {strides = array<i32>} : memref<2x512xi32, #tpu.memory_space<vmem>>, vector<1x16xi32>,
          %get3A_620 = arith.constant 1 : i32
          %get3A_621 = arith.index_cast %get3A_620 : i32 to index
          %get3A_622 = arith.constant 32 : index
          %get3A_623 = tpu.vector_load %arg11[%get3A_621, %get3A_622] {strides = array<i32>} : memref<2x512xi32, #tpu.memory_space<vmem>>, vector<1x16xi32>,
          %get3A_624 = vector.shape_cast %get3A_623 : vector<1x16xi32> to vector<16xi32>
          %add3A_625 = vector.broadcast %mul3A_9 : i32 to vector<16xi32>
          %add3A_626 = arith.addi %get3A_624, %add3A_625 : vector<16xi32>
          %swap3A_627 = arith.constant 1 : i32
          %swap3A_628 = arith.index_cast %swap3A_627 : i32 to index
          %swap3A_629 = arith.constant 32 : index
          %swap3A_630 = tpu.vector_load %arg11[%swap3A_628, %swap3A_629] {strides = array<i32>} : memref<2x512xi32, #tpu.memory_space<vmem>>, vector<1x16xi32>,
          %swap3A_631 = vector.shape_cast %swap3A_630 : vector<1x16xi32> to vector<16xi32>
          %swap3A_632 = vector.shape_cast %add3A_626 : vector<16xi32> to vector<1x16xi32>
          tpu.vector_store %arg11[%swap3A_628, %swap3A_629], %swap3A_632 {strides = array<i32>} : memref<2x512xi32, #tpu.memory_space<vmem>>, vector<1x16xi32>,
          %get3A_633 = arith.constant 1 : i32
          %get3A_634 = arith.index_cast %get3A_633 : i32 to index
          %get3A_635 = arith.constant 48 : index
          %get3A_636 = tpu.vector_load %arg11[%get3A_634, %get3A_635] {strides = array<i32>} : memref<2x512xi32, #tpu.memory_space<vmem>>, vector<1x16xi32>,
          %get3A_637 = vector.shape_cast %get3A_636 : vector<1x16xi32> to vector<16xi32>
          %add3A_638 = vector.broadcast %mul3A_9 : i32 to vector<16xi32>
          %add3A_639 = arith.addi %get3A_637, %add3A_638 : vector<16xi32>
          %swap3A_640 = arith.constant 1 : i32
          %swap3A_641 = arith.index_cast %swap3A_640 : i32 to index
          %swap3A_642 = arith.constant 48 : index
          %swap3A_643 = tpu.vector_load %arg11[%swap3A_641, %swap3A_642] {strides = array<i32>} : memref<2x512xi32, #tpu.memory_space<vmem>>, vector<1x16xi32>,
          %swap3A_644 = vector.shape_cast %swap3A_643 : vector<1x16xi32> to vector<16xi32>
          %swap3A_645 = vector.shape_cast %add3A_639 : vector<16xi32> to vector<1x16xi32>
          tpu.vector_store %arg11[%swap3A_641, %swap3A_642], %swap3A_645 {strides = array<i32>} : memref<2x512xi32, #tpu.memory_space<vmem>>, vector<1x16xi32>,
          %get3A_646 = arith.constant 1 : i32
          %get3A_647 = arith.index_cast %get3A_646 : i32 to index
          %get3A_648 = arith.constant 64 : index
          %get3A_649 = tpu.vector_load %arg11[%get3A_647, %get3A_648] {strides = array<i32>} : memref<2x512xi32, #tpu.memory_space<vmem>>, vector<1x16xi32>,
          %get3A_650 = vector.shape_cast %get3A_649 : vector<1x16xi32> to vector<16xi32>
          %add3A_651 = vector.broadcast %mul3A_9 : i32 to vector<16xi32>
          %add3A_652 = arith.addi %get3A_650, %add3A_651 : vector<16xi32>
          %swap3A_653 = arith.constant 1 : i32
          %swap3A_654 = arith.index_cast %swap3A_653 : i32 to index
          %swap3A_655 = arith.constant 64 : index
          %swap3A_656 = tpu.vector_load %arg11[%swap3A_654, %swap3A_655] {strides = array<i32>} : memref<2x512xi32, #tpu.memory_space<vmem>>, vector<1x16xi32>,
          %swap3A_657 = vector.shape_cast %swap3A_656 : vector<1x16xi32> to vector<16xi32>
          %swap3A_658 = vector.shape_cast %add3A_652 : vector<16xi32> to vector<1x16xi32>
          tpu.vector_store %arg11[%swap3A_654, %swap3A_655], %swap3A_658 {strides = array<i32>} : memref<2x512xi32, #tpu.memory_space<vmem>>, vector<1x16xi32>,
          %get3A_659 = arith.constant 1 : i32
          %get3A_660 = arith.index_cast %get3A_659 : i32 to index
          %get3A_661 = arith.constant 80 : index
          %get3A_662 = tpu.vector_load %arg11[%get3A_660, %get3A_661] {strides = array<i32>} : memref<2x512xi32, #tpu.memory_space<vmem>>, vector<1x16xi32>,
          %get3A_663 = vector.shape_cast %get3A_662 : vector<1x16xi32> to vector<16xi32>
          %add3A_664 = vector.broadcast %mul3A_9 : i32 to vector<16xi32>
          %add3A_665 = arith.addi %get3A_663, %add3A_664 : vector<16xi32>
          %swap3A_666 = arith.constant 1 : i32
          %swap3A_667 = arith.index_cast %swap3A_666 : i32 to index
          %swap3A_668 = arith.constant 80 : index
          %swap3A_669 = tpu.vector_load %arg11[%swap3A_667, %swap3A_668] {strides = array<i32>} : memref<2x512xi32, #tpu.memory_space<vmem>>, vector<1x16xi32>,
          %swap3A_670 = vector.shape_cast %swap3A_669 : vector<1x16xi32> to vector<16xi32>
          %swap3A_671 = vector.shape_cast %add3A_665 : vector<16xi32> to vector<1x16xi32>
          tpu.vector_store %arg11[%swap3A_667, %swap3A_668], %swap3A_671 {strides = array<i32>} : memref<2x512xi32, #tpu.memory_space<vmem>>, vector<1x16xi32>,
          %get3A_672 = arith.constant 1 : i32
          %get3A_673 = arith.index_cast %get3A_672 : i32 to index
          %get3A_674 = arith.constant 96 : index
          %get3A_675 = tpu.vector_load %arg11[%get3A_673, %get3A_674] {strides = array<i32>} : memref<2x512xi32, #tpu.memory_space<vmem>>, vector<1x16xi32>,
          %get3A_676 = vector.shape_cast %get3A_675 : vector<1x16xi32> to vector<16xi32>
          %add3A_677 = vector.broadcast %mul3A_9 : i32 to vector<16xi32>
          %add3A_678 = arith.addi %get3A_676, %add3A_677 : vector<16xi32>
          %swap3A_679 = arith.constant 1 : i32
          %swap3A_680 = arith.index_cast %swap3A_679 : i32 to index
          %swap3A_681 = arith.constant 96 : index
          %swap3A_682 = tpu.vector_load %arg11[%swap3A_680, %swap3A_681] {strides = array<i32>} : memref<2x512xi32, #tpu.memory_space<vmem>>, vector<1x16xi32>,
          %swap3A_683 = vector.shape_cast %swap3A_682 : vector<1x16xi32> to vector<16xi32>
          %swap3A_684 = vector.shape_cast %add3A_678 : vector<16xi32> to vector<1x16xi32>
          tpu.vector_store %arg11[%swap3A_680, %swap3A_681], %swap3A_684 {strides = array<i32>} : memref<2x512xi32, #tpu.memory_space<vmem>>, vector<1x16xi32>,
          %get3A_685 = arith.constant 1 : i32
          %get3A_686 = arith.index_cast %get3A_685 : i32 to index
          %get3A_687 = arith.constant 112 : index
          %get3A_688 = tpu.vector_load %arg11[%get3A_686, %get3A_687] {strides = array<i32>} : memref<2x512xi32, #tpu.memory_space<vmem>>, vector<1x16xi32>,
          %get3A_689 = vector.shape_cast %get3A_688 : vector<1x16xi32> to vector<16xi32>
          %add3A_690 = vector.broadcast %mul3A_9 : i32 to vector<16xi32>
          %add3A_691 = arith.addi %get3A_689, %add3A_690 : vector<16xi32>
          %swap3A_692 = arith.constant 1 : i32
          %swap3A_693 = arith.index_cast %swap3A_692 : i32 to index
          %swap3A_694 = arith.constant 112 : index
          %swap3A_695 = tpu.vector_load %arg11[%swap3A_693, %swap3A_694] {strides = array<i32>} : memref<2x512xi32, #tpu.memory_space<vmem>>, vector<1x16xi32>,
          %swap3A_696 = vector.shape_cast %swap3A_695 : vector<1x16xi32> to vector<16xi32>
          %swap3A_697 = vector.shape_cast %add3A_691 : vector<16xi32> to vector<1x16xi32>
          tpu.vector_store %arg11[%swap3A_693, %swap3A_694], %swap3A_697 {strides = array<i32>} : memref<2x512xi32, #tpu.memory_space<vmem>>, vector<1x16xi32>,
          %get3A_698 = arith.constant 1 : i32
          %get3A_699 = arith.index_cast %get3A_698 : i32 to index
          %get3A_700 = arith.constant 128 : index
          %get3A_701 = tpu.vector_load %arg11[%get3A_699, %get3A_700] {strides = array<i32>} : memref<2x512xi32, #tpu.memory_space<vmem>>, vector<1x16xi32>,
          %get3A_702 = vector.shape_cast %get3A_701 : vector<1x16xi32> to vector<16xi32>
          %add3A_703 = vector.broadcast %mul3A_9 : i32 to vector<16xi32>
          %add3A_704 = arith.addi %get3A_702, %add3A_703 : vector<16xi32>
          %swap3A_705 = arith.constant 1 : i32
          %swap3A_706 = arith.index_cast %swap3A_705 : i32 to index
          %swap3A_707 = arith.constant 128 : index
          %swap3A_708 = tpu.vector_load %arg11[%swap3A_706, %swap3A_707] {strides = array<i32>} : memref<2x512xi32, #tpu.memory_space<vmem>>, vector<1x16xi32>,
          %swap3A_709 = vector.shape_cast %swap3A_708 : vector<1x16xi32> to vector<16xi32>
          %swap3A_710 = vector.shape_cast %add3A_704 : vector<16xi32> to vector<1x16xi32>
          tpu.vector_store %arg11[%swap3A_706, %swap3A_707], %swap3A_710 {strides = array<i32>} : memref<2x512xi32, #tpu.memory_space<vmem>>, vector<1x16xi32>,
          %get3A_711 = arith.constant 1 : i32
          %get3A_712 = arith.index_cast %get3A_711 : i32 to index
          %get3A_713 = arith.constant 144 : index
          %get3A_714 = tpu.vector_load %arg11[%get3A_712, %get3A_713] {strides = array<i32>} : memref<2x512xi32, #tpu.memory_space<vmem>>, vector<1x16xi32>,
          %get3A_715 = vector.shape_cast %get3A_714 : vector<1x16xi32> to vector<16xi32>
          %add3A_716 = vector.broadcast %mul3A_9 : i32 to vector<16xi32>
          %add3A_717 = arith.addi %get3A_715, %add3A_716 : vector<16xi32>
          %swap3A_718 = arith.constant 1 : i32
          %swap3A_719 = arith.index_cast %swap3A_718 : i32 to index
          %swap3A_720 = arith.constant 144 : index
          %swap3A_721 = tpu.vector_load %arg11[%swap3A_719, %swap3A_720] {strides = array<i32>} : memref<2x512xi32, #tpu.memory_space<vmem>>, vector<1x16xi32>,
          %swap3A_722 = vector.shape_cast %swap3A_721 : vector<1x16xi32> to vector<16xi32>
          %swap3A_723 = vector.shape_cast %add3A_717 : vector<16xi32> to vector<1x16xi32>
          tpu.vector_store %arg11[%swap3A_719, %swap3A_720], %swap3A_723 {strides = array<i32>} : memref<2x512xi32, #tpu.memory_space<vmem>>, vector<1x16xi32>,
          %get3A_724 = arith.constant 1 : i32
          %get3A_725 = arith.index_cast %get3A_724 : i32 to index
          %get3A_726 = arith.constant 160 : index
          %get3A_727 = tpu.vector_load %arg11[%get3A_725, %get3A_726] {strides = array<i32>} : memref<2x512xi32, #tpu.memory_space<vmem>>, vector<1x16xi32>,
          %get3A_728 = vector.shape_cast %get3A_727 : vector<1x16xi32> to vector<16xi32>
          %add3A_729 = vector.broadcast %mul3A_9 : i32 to vector<16xi32>
          %add3A_730 = arith.addi %get3A_728, %add3A_729 : vector<16xi32>
          %swap3A_731 = arith.constant 1 : i32
          %swap3A_732 = arith.index_cast %swap3A_731 : i32 to index
          %swap3A_733 = arith.constant 160 : index
          %swap3A_734 = tpu.vector_load %arg11[%swap3A_732, %swap3A_733] {strides = array<i32>} : memref<2x512xi32, #tpu.memory_space<vmem>>, vector<1x16xi32>,
          %swap3A_735 = vector.shape_cast %swap3A_734 : vector<1x16xi32> to vector<16xi32>
          %swap3A_736 = vector.shape_cast %add3A_730 : vector<16xi32> to vector<1x16xi32>
          tpu.vector_store %arg11[%swap3A_732, %swap3A_733], %swap3A_736 {strides = array<i32>} : memref<2x512xi32, #tpu.memory_space<vmem>>, vector<1x16xi32>,
          %get3A_737 = arith.constant 1 : i32
          %get3A_738 = arith.index_cast %get3A_737 : i32 to index
          %get3A_739 = arith.constant 176 : index
          %get3A_740 = tpu.vector_load %arg11[%get3A_738, %get3A_739] {strides = array<i32>} : memref<2x512xi32, #tpu.memory_space<vmem>>, vector<1x16xi32>,
          %get3A_741 = vector.shape_cast %get3A_740 : vector<1x16xi32> to vector<16xi32>
          %add3A_742 = vector.broadcast %mul3A_9 : i32 to vector<16xi32>
          %add3A_743 = arith.addi %get3A_741, %add3A_742 : vector<16xi32>
          %swap3A_744 = arith.constant 1 : i32
          %swap3A_745 = arith.index_cast %swap3A_744 : i32 to index
          %swap3A_746 = arith.constant 176 : index
          %swap3A_747 = tpu.vector_load %arg11[%swap3A_745, %swap3A_746] {strides = array<i32>} : memref<2x512xi32, #tpu.memory_space<vmem>>, vector<1x16xi32>,
          %swap3A_748 = vector.shape_cast %swap3A_747 : vector<1x16xi32> to vector<16xi32>
          %swap3A_749 = vector.shape_cast %add3A_743 : vector<16xi32> to vector<1x16xi32>
          tpu.vector_store %arg11[%swap3A_745, %swap3A_746], %swap3A_749 {strides = array<i32>} : memref<2x512xi32, #tpu.memory_space<vmem>>, vector<1x16xi32>,
          %get3A_750 = arith.constant 1 : i32
          %get3A_751 = arith.index_cast %get3A_750 : i32 to index
          %get3A_752 = arith.constant 192 : index
          %get3A_753 = tpu.vector_load %arg11[%get3A_751, %get3A_752] {strides = array<i32>} : memref<2x512xi32, #tpu.memory_space<vmem>>, vector<1x16xi32>,
          %get3A_754 = vector.shape_cast %get3A_753 : vector<1x16xi32> to vector<16xi32>
          %add3A_755 = vector.broadcast %mul3A_9 : i32 to vector<16xi32>
          %add3A_756 = arith.addi %get3A_754, %add3A_755 : vector<16xi32>
          %swap3A_757 = arith.constant 1 : i32
          %swap3A_758 = arith.index_cast %swap3A_757 : i32 to index
          %swap3A_759 = arith.constant 192 : index
          %swap3A_760 = tpu.vector_load %arg11[%swap3A_758, %swap3A_759] {strides = array<i32>} : memref<2x512xi32, #tpu.memory_space<vmem>>, vector<1x16xi32>,
          %swap3A_761 = vector.shape_cast %swap3A_760 : vector<1x16xi32> to vector<16xi32>
          %swap3A_762 = vector.shape_cast %add3A_756 : vector<16xi32> to vector<1x16xi32>
          tpu.vector_store %arg11[%swap3A_758, %swap3A_759], %swap3A_762 {strides = array<i32>} : memref<2x512xi32, #tpu.memory_space<vmem>>, vector<1x16xi32>,
          %get3A_763 = arith.constant 1 : i32
          %get3A_764 = arith.index_cast %get3A_763 : i32 to index
          %get3A_765 = arith.constant 208 : index
          %get3A_766 = tpu.vector_load %arg11[%get3A_764, %get3A_765] {strides = array<i32>} : memref<2x512xi32, #tpu.memory_space<vmem>>, vector<1x16xi32>,
          %get3A_767 = vector.shape_cast %get3A_766 : vector<1x16xi32> to vector<16xi32>
          %add3A_768 = vector.broadcast %mul3A_9 : i32 to vector<16xi32>
          %add3A_769 = arith.addi %get3A_767, %add3A_768 : vector<16xi32>
          %swap3A_770 = arith.constant 1 : i32
          %swap3A_771 = arith.index_cast %swap3A_770 : i32 to index
          %swap3A_772 = arith.constant 208 : index
          %swap3A_773 = tpu.vector_load %arg11[%swap3A_771, %swap3A_772] {strides = array<i32>} : memref<2x512xi32, #tpu.memory_space<vmem>>, vector<1x16xi32>,
          %swap3A_774 = vector.shape_cast %swap3A_773 : vector<1x16xi32> to vector<16xi32>
          %swap3A_775 = vector.shape_cast %add3A_769 : vector<16xi32> to vector<1x16xi32>
          tpu.vector_store %arg11[%swap3A_771, %swap3A_772], %swap3A_775 {strides = array<i32>} : memref<2x512xi32, #tpu.memory_space<vmem>>, vector<1x16xi32>,
          %get3A_776 = arith.constant 1 : i32
          %get3A_777 = arith.index_cast %get3A_776 : i32 to index
          %get3A_778 = arith.constant 224 : index
          %get3A_779 = tpu.vector_load %arg11[%get3A_777, %get3A_778] {strides = array<i32>} : memref<2x512xi32, #tpu.memory_space<vmem>>, vector<1x16xi32>,
          %get3A_780 = vector.shape_cast %get3A_779 : vector<1x16xi32> to vector<16xi32>
          %add3A_781 = vector.broadcast %mul3A_9 : i32 to vector<16xi32>
          %add3A_782 = arith.addi %get3A_780, %add3A_781 : vector<16xi32>
          %swap3A_783 = arith.constant 1 : i32
          %swap3A_784 = arith.index_cast %swap3A_783 : i32 to index
          %swap3A_785 = arith.constant 224 : index
          %swap3A_786 = tpu.vector_load %arg11[%swap3A_784, %swap3A_785] {strides = array<i32>} : memref<2x512xi32, #tpu.memory_space<vmem>>, vector<1x16xi32>,
          %swap3A_787 = vector.shape_cast %swap3A_786 : vector<1x16xi32> to vector<16xi32>
          %swap3A_788 = vector.shape_cast %add3A_782 : vector<16xi32> to vector<1x16xi32>
          tpu.vector_store %arg11[%swap3A_784, %swap3A_785], %swap3A_788 {strides = array<i32>} : memref<2x512xi32, #tpu.memory_space<vmem>>, vector<1x16xi32>,
          %get3A_789 = arith.constant 1 : i32
          %get3A_790 = arith.index_cast %get3A_789 : i32 to index
          %get3A_791 = arith.constant 240 : index
          %get3A_792 = tpu.vector_load %arg11[%get3A_790, %get3A_791] {strides = array<i32>} : memref<2x512xi32, #tpu.memory_space<vmem>>, vector<1x16xi32>,
          %get3A_793 = vector.shape_cast %get3A_792 : vector<1x16xi32> to vector<16xi32>
          %add3A_794 = vector.broadcast %mul3A_9 : i32 to vector<16xi32>
          %add3A_795 = arith.addi %get3A_793, %add3A_794 : vector<16xi32>
          %swap3A_796 = arith.constant 1 : i32
          %swap3A_797 = arith.index_cast %swap3A_796 : i32 to index
          %swap3A_798 = arith.constant 240 : index
          %swap3A_799 = tpu.vector_load %arg11[%swap3A_797, %swap3A_798] {strides = array<i32>} : memref<2x512xi32, #tpu.memory_space<vmem>>, vector<1x16xi32>,
          %swap3A_800 = vector.shape_cast %swap3A_799 : vector<1x16xi32> to vector<16xi32>
          %swap3A_801 = vector.shape_cast %add3A_795 : vector<16xi32> to vector<1x16xi32>
          tpu.vector_store %arg11[%swap3A_797, %swap3A_798], %swap3A_801 {strides = array<i32>} : memref<2x512xi32, #tpu.memory_space<vmem>>, vector<1x16xi32>,
          %get3A_802 = arith.constant 1 : i32
          %get3A_803 = arith.index_cast %get3A_802 : i32 to index
          %get3A_804 = arith.constant 256 : index
          %get3A_805 = tpu.vector_load %arg11[%get3A_803, %get3A_804] {strides = array<i32>} : memref<2x512xi32, #tpu.memory_space<vmem>>, vector<1x16xi32>,
          %get3A_806 = vector.shape_cast %get3A_805 : vector<1x16xi32> to vector<16xi32>
          %add3A_807 = vector.broadcast %mul3A_9 : i32 to vector<16xi32>
          %add3A_808 = arith.addi %get3A_806, %add3A_807 : vector<16xi32>
          %swap3A_809 = arith.constant 1 : i32
          %swap3A_810 = arith.index_cast %swap3A_809 : i32 to index
          %swap3A_811 = arith.constant 256 : index
          %swap3A_812 = tpu.vector_load %arg11[%swap3A_810, %swap3A_811] {strides = array<i32>} : memref<2x512xi32, #tpu.memory_space<vmem>>, vector<1x16xi32>,
          %swap3A_813 = vector.shape_cast %swap3A_812 : vector<1x16xi32> to vector<16xi32>
          %swap3A_814 = vector.shape_cast %add3A_808 : vector<16xi32> to vector<1x16xi32>
          tpu.vector_store %arg11[%swap3A_810, %swap3A_811], %swap3A_814 {strides = array<i32>} : memref<2x512xi32, #tpu.memory_space<vmem>>, vector<1x16xi32>,
          %get3A_815 = arith.constant 1 : i32
          %get3A_816 = arith.index_cast %get3A_815 : i32 to index
          %get3A_817 = arith.constant 272 : index
          %get3A_818 = tpu.vector_load %arg11[%get3A_816, %get3A_817] {strides = array<i32>} : memref<2x512xi32, #tpu.memory_space<vmem>>, vector<1x16xi32>,
          %get3A_819 = vector.shape_cast %get3A_818 : vector<1x16xi32> to vector<16xi32>
          %add3A_820 = vector.broadcast %mul3A_9 : i32 to vector<16xi32>
          %add3A_821 = arith.addi %get3A_819, %add3A_820 : vector<16xi32>
          %swap3A_822 = arith.constant 1 : i32
          %swap3A_823 = arith.index_cast %swap3A_822 : i32 to index
          %swap3A_824 = arith.constant 272 : index
          %swap3A_825 = tpu.vector_load %arg11[%swap3A_823, %swap3A_824] {strides = array<i32>} : memref<2x512xi32, #tpu.memory_space<vmem>>, vector<1x16xi32>,
          %swap3A_826 = vector.shape_cast %swap3A_825 : vector<1x16xi32> to vector<16xi32>
          %swap3A_827 = vector.shape_cast %add3A_821 : vector<16xi32> to vector<1x16xi32>
          tpu.vector_store %arg11[%swap3A_823, %swap3A_824], %swap3A_827 {strides = array<i32>} : memref<2x512xi32, #tpu.memory_space<vmem>>, vector<1x16xi32>,
          %get3A_828 = arith.constant 1 : i32
          %get3A_829 = arith.index_cast %get3A_828 : i32 to index
          %get3A_830 = arith.constant 288 : index
          %get3A_831 = tpu.vector_load %arg11[%get3A_829, %get3A_830] {strides = array<i32>} : memref<2x512xi32, #tpu.memory_space<vmem>>, vector<1x16xi32>,
          %get3A_832 = vector.shape_cast %get3A_831 : vector<1x16xi32> to vector<16xi32>
          %add3A_833 = vector.broadcast %mul3A_9 : i32 to vector<16xi32>
          %add3A_834 = arith.addi %get3A_832, %add3A_833 : vector<16xi32>
          %swap3A_835 = arith.constant 1 : i32
          %swap3A_836 = arith.index_cast %swap3A_835 : i32 to index
          %swap3A_837 = arith.constant 288 : index
          %swap3A_838 = tpu.vector_load %arg11[%swap3A_836, %swap3A_837] {strides = array<i32>} : memref<2x512xi32, #tpu.memory_space<vmem>>, vector<1x16xi32>,
          %swap3A_839 = vector.shape_cast %swap3A_838 : vector<1x16xi32> to vector<16xi32>
          %swap3A_840 = vector.shape_cast %add3A_834 : vector<16xi32> to vector<1x16xi32>
          tpu.vector_store %arg11[%swap3A_836, %swap3A_837], %swap3A_840 {strides = array<i32>} : memref<2x512xi32, #tpu.memory_space<vmem>>, vector<1x16xi32>,
          %get3A_841 = arith.constant 1 : i32
          %get3A_842 = arith.index_cast %get3A_841 : i32 to index
          %get3A_843 = arith.constant 304 : index
          %get3A_844 = tpu.vector_load %arg11[%get3A_842, %get3A_843] {strides = array<i32>} : memref<2x512xi32, #tpu.memory_space<vmem>>, vector<1x16xi32>,
          %get3A_845 = vector.shape_cast %get3A_844 : vector<1x16xi32> to vector<16xi32>
          %add3A_846 = vector.broadcast %mul3A_9 : i32 to vector<16xi32>
          %add3A_847 = arith.addi %get3A_845, %add3A_846 : vector<16xi32>
          %swap3A_848 = arith.constant 1 : i32
          %swap3A_849 = arith.index_cast %swap3A_848 : i32 to index
          %swap3A_850 = arith.constant 304 : index
          %swap3A_851 = tpu.vector_load %arg11[%swap3A_849, %swap3A_850] {strides = array<i32>} : memref<2x512xi32, #tpu.memory_space<vmem>>, vector<1x16xi32>,
          %swap3A_852 = vector.shape_cast %swap3A_851 : vector<1x16xi32> to vector<16xi32>
          %swap3A_853 = vector.shape_cast %add3A_847 : vector<16xi32> to vector<1x16xi32>
          tpu.vector_store %arg11[%swap3A_849, %swap3A_850], %swap3A_853 {strides = array<i32>} : memref<2x512xi32, #tpu.memory_space<vmem>>, vector<1x16xi32>,
          %get3A_854 = arith.constant 1 : i32
          %get3A_855 = arith.index_cast %get3A_854 : i32 to index
          %get3A_856 = arith.constant 320 : index
          %get3A_857 = tpu.vector_load %arg11[%get3A_855, %get3A_856] {strides = array<i32>} : memref<2x512xi32, #tpu.memory_space<vmem>>, vector<1x16xi32>,
          %get3A_858 = vector.shape_cast %get3A_857 : vector<1x16xi32> to vector<16xi32>
          %add3A_859 = vector.broadcast %mul3A_9 : i32 to vector<16xi32>
          %add3A_860 = arith.addi %get3A_858, %add3A_859 : vector<16xi32>
          %swap3A_861 = arith.constant 1 : i32
          %swap3A_862 = arith.index_cast %swap3A_861 : i32 to index
          %swap3A_863 = arith.constant 320 : index
          %swap3A_864 = tpu.vector_load %arg11[%swap3A_862, %swap3A_863] {strides = array<i32>} : memref<2x512xi32, #tpu.memory_space<vmem>>, vector<1x16xi32>,
          %swap3A_865 = vector.shape_cast %swap3A_864 : vector<1x16xi32> to vector<16xi32>
          %swap3A_866 = vector.shape_cast %add3A_860 : vector<16xi32> to vector<1x16xi32>
          tpu.vector_store %arg11[%swap3A_862, %swap3A_863], %swap3A_866 {strides = array<i32>} : memref<2x512xi32, #tpu.memory_space<vmem>>, vector<1x16xi32>,
          %get3A_867 = arith.constant 1 : i32
          %get3A_868 = arith.index_cast %get3A_867 : i32 to index
          %get3A_869 = arith.constant 336 : index
          %get3A_870 = tpu.vector_load %arg11[%get3A_868, %get3A_869] {strides = array<i32>} : memref<2x512xi32, #tpu.memory_space<vmem>>, vector<1x16xi32>,
          %get3A_871 = vector.shape_cast %get3A_870 : vector<1x16xi32> to vector<16xi32>
          %add3A_872 = vector.broadcast %mul3A_9 : i32 to vector<16xi32>
          %add3A_873 = arith.addi %get3A_871, %add3A_872 : vector<16xi32>
          %swap3A_874 = arith.constant 1 : i32
          %swap3A_875 = arith.index_cast %swap3A_874 : i32 to index
          %swap3A_876 = arith.constant 336 : index
          %swap3A_877 = tpu.vector_load %arg11[%swap3A_875, %swap3A_876] {strides = array<i32>} : memref<2x512xi32, #tpu.memory_space<vmem>>, vector<1x16xi32>,
          %swap3A_878 = vector.shape_cast %swap3A_877 : vector<1x16xi32> to vector<16xi32>
          %swap3A_879 = vector.shape_cast %add3A_873 : vector<16xi32> to vector<1x16xi32>
          tpu.vector_store %arg11[%swap3A_875, %swap3A_876], %swap3A_879 {strides = array<i32>} : memref<2x512xi32, #tpu.memory_space<vmem>>, vector<1x16xi32>,
          %get3A_880 = arith.constant 1 : i32
          %get3A_881 = arith.index_cast %get3A_880 : i32 to index
          %get3A_882 = arith.constant 352 : index
          %get3A_883 = tpu.vector_load %arg11[%get3A_881, %get3A_882] {strides = array<i32>} : memref<2x512xi32, #tpu.memory_space<vmem>>, vector<1x16xi32>,
          %get3A_884 = vector.shape_cast %get3A_883 : vector<1x16xi32> to vector<16xi32>
          %add3A_885 = vector.broadcast %mul3A_9 : i32 to vector<16xi32>
          %add3A_886 = arith.addi %get3A_884, %add3A_885 : vector<16xi32>
          %swap3A_887 = arith.constant 1 : i32
          %swap3A_888 = arith.index_cast %swap3A_887 : i32 to index
          %swap3A_889 = arith.constant 352 : index
          %swap3A_890 = tpu.vector_load %arg11[%swap3A_888, %swap3A_889] {strides = array<i32>} : memref<2x512xi32, #tpu.memory_space<vmem>>, vector<1x16xi32>,
          %swap3A_891 = vector.shape_cast %swap3A_890 : vector<1x16xi32> to vector<16xi32>
          %swap3A_892 = vector.shape_cast %add3A_886 : vector<16xi32> to vector<1x16xi32>
          tpu.vector_store %arg11[%swap3A_888, %swap3A_889], %swap3A_892 {strides = array<i32>} : memref<2x512xi32, #tpu.memory_space<vmem>>, vector<1x16xi32>,
          %get3A_893 = arith.constant 1 : i32
          %get3A_894 = arith.index_cast %get3A_893 : i32 to index
          %get3A_895 = arith.constant 368 : index
          %get3A_896 = tpu.vector_load %arg11[%get3A_894, %get3A_895] {strides = array<i32>} : memref<2x512xi32, #tpu.memory_space<vmem>>, vector<1x16xi32>,
          %get3A_897 = vector.shape_cast %get3A_896 : vector<1x16xi32> to vector<16xi32>
          %add3A_898 = vector.broadcast %mul3A_9 : i32 to vector<16xi32>
          %add3A_899 = arith.addi %get3A_897, %add3A_898 : vector<16xi32>
          %swap3A_900 = arith.constant 1 : i32
          %swap3A_901 = arith.index_cast %swap3A_900 : i32 to index
          %swap3A_902 = arith.constant 368 : index
          %swap3A_903 = tpu.vector_load %arg11[%swap3A_901, %swap3A_902] {strides = array<i32>} : memref<2x512xi32, #tpu.memory_space<vmem>>, vector<1x16xi32>,
          %swap3A_904 = vector.shape_cast %swap3A_903 : vector<1x16xi32> to vector<16xi32>
          %swap3A_905 = vector.shape_cast %add3A_899 : vector<16xi32> to vector<1x16xi32>
          tpu.vector_store %arg11[%swap3A_901, %swap3A_902], %swap3A_905 {strides = array<i32>} : memref<2x512xi32, #tpu.memory_space<vmem>>, vector<1x16xi32>,
          %get3A_906 = arith.constant 1 : i32
          %get3A_907 = arith.index_cast %get3A_906 : i32 to index
          %get3A_908 = arith.constant 384 : index
          %get3A_909 = tpu.vector_load %arg11[%get3A_907, %get3A_908] {strides = array<i32>} : memref<2x512xi32, #tpu.memory_space<vmem>>, vector<1x16xi32>,
          %get3A_910 = vector.shape_cast %get3A_909 : vector<1x16xi32> to vector<16xi32>
          %add3A_911 = vector.broadcast %mul3A_9 : i32 to vector<16xi32>
          %add3A_912 = arith.addi %get3A_910, %add3A_911 : vector<16xi32>
          %swap3A_913 = arith.constant 1 : i32
          %swap3A_914 = arith.index_cast %swap3A_913 : i32 to index
          %swap3A_915 = arith.constant 384 : index
          %swap3A_916 = tpu.vector_load %arg11[%swap3A_914, %swap3A_915] {strides = array<i32>} : memref<2x512xi32, #tpu.memory_space<vmem>>, vector<1x16xi32>,
          %swap3A_917 = vector.shape_cast %swap3A_916 : vector<1x16xi32> to vector<16xi32>
          %swap3A_918 = vector.shape_cast %add3A_912 : vector<16xi32> to vector<1x16xi32>
          tpu.vector_store %arg11[%swap3A_914, %swap3A_915], %swap3A_918 {strides = array<i32>} : memref<2x512xi32, #tpu.memory_space<vmem>>, vector<1x16xi32>,
          %get3A_919 = arith.constant 1 : i32
          %get3A_920 = arith.index_cast %get3A_919 : i32 to index
          %get3A_921 = arith.constant 400 : index
          %get3A_922 = tpu.vector_load %arg11[%get3A_920, %get3A_921] {strides = array<i32>} : memref<2x512xi32, #tpu.memory_space<vmem>>, vector<1x16xi32>,
          %get3A_923 = vector.shape_cast %get3A_922 : vector<1x16xi32> to vector<16xi32>
          %add3A_924 = vector.broadcast %mul3A_9 : i32 to vector<16xi32>
          %add3A_925 = arith.addi %get3A_923, %add3A_924 : vector<16xi32>
          %swap3A_926 = arith.constant 1 : i32
          %swap3A_927 = arith.index_cast %swap3A_926 : i32 to index
          %swap3A_928 = arith.constant 400 : index
          %swap3A_929 = tpu.vector_load %arg11[%swap3A_927, %swap3A_928] {strides = array<i32>} : memref<2x512xi32, #tpu.memory_space<vmem>>, vector<1x16xi32>,
          %swap3A_930 = vector.shape_cast %swap3A_929 : vector<1x16xi32> to vector<16xi32>
          %swap3A_931 = vector.shape_cast %add3A_925 : vector<16xi32> to vector<1x16xi32>
          tpu.vector_store %arg11[%swap3A_927, %swap3A_928], %swap3A_931 {strides = array<i32>} : memref<2x512xi32, #tpu.memory_space<vmem>>, vector<1x16xi32>,
          %get3A_932 = arith.constant 1 : i32
          %get3A_933 = arith.index_cast %get3A_932 : i32 to index
          %get3A_934 = arith.constant 416 : index
          %get3A_935 = tpu.vector_load %arg11[%get3A_933, %get3A_934] {strides = array<i32>} : memref<2x512xi32, #tpu.memory_space<vmem>>, vector<1x16xi32>,
          %get3A_936 = vector.shape_cast %get3A_935 : vector<1x16xi32> to vector<16xi32>
          %add3A_937 = vector.broadcast %mul3A_9 : i32 to vector<16xi32>
          %add3A_938 = arith.addi %get3A_936, %add3A_937 : vector<16xi32>
          %swap3A_939 = arith.constant 1 : i32
          %swap3A_940 = arith.index_cast %swap3A_939 : i32 to index
          %swap3A_941 = arith.constant 416 : index
          %swap3A_942 = tpu.vector_load %arg11[%swap3A_940, %swap3A_941] {strides = array<i32>} : memref<2x512xi32, #tpu.memory_space<vmem>>, vector<1x16xi32>,
          %swap3A_943 = vector.shape_cast %swap3A_942 : vector<1x16xi32> to vector<16xi32>
          %swap3A_944 = vector.shape_cast %add3A_938 : vector<16xi32> to vector<1x16xi32>
          tpu.vector_store %arg11[%swap3A_940, %swap3A_941], %swap3A_944 {strides = array<i32>} : memref<2x512xi32, #tpu.memory_space<vmem>>, vector<1x16xi32>,
          %get3A_945 = arith.constant 1 : i32
          %get3A_946 = arith.index_cast %get3A_945 : i32 to index
          %get3A_947 = arith.constant 432 : index
          %get3A_948 = tpu.vector_load %arg11[%get3A_946, %get3A_947] {strides = array<i32>} : memref<2x512xi32, #tpu.memory_space<vmem>>, vector<1x16xi32>,
          %get3A_949 = vector.shape_cast %get3A_948 : vector<1x16xi32> to vector<16xi32>
          %add3A_950 = vector.broadcast %mul3A_9 : i32 to vector<16xi32>
          %add3A_951 = arith.addi %get3A_949, %add3A_950 : vector<16xi32>
          %swap3A_952 = arith.constant 1 : i32
          %swap3A_953 = arith.index_cast %swap3A_952 : i32 to index
          %swap3A_954 = arith.constant 432 : index
          %swap3A_955 = tpu.vector_load %arg11[%swap3A_953, %swap3A_954] {strides = array<i32>} : memref<2x512xi32, #tpu.memory_space<vmem>>, vector<1x16xi32>,
          %swap3A_956 = vector.shape_cast %swap3A_955 : vector<1x16xi32> to vector<16xi32>
          %swap3A_957 = vector.shape_cast %add3A_951 : vector<16xi32> to vector<1x16xi32>
          tpu.vector_store %arg11[%swap3A_953, %swap3A_954], %swap3A_957 {strides = array<i32>} : memref<2x512xi32, #tpu.memory_space<vmem>>, vector<1x16xi32>,
          %get3A_958 = arith.constant 1 : i32
          %get3A_959 = arith.index_cast %get3A_958 : i32 to index
          %get3A_960 = arith.constant 448 : index
          %get3A_961 = tpu.vector_load %arg11[%get3A_959, %get3A_960] {strides = array<i32>} : memref<2x512xi32, #tpu.memory_space<vmem>>, vector<1x16xi32>,
          %get3A_962 = vector.shape_cast %get3A_961 : vector<1x16xi32> to vector<16xi32>
          %add3A_963 = vector.broadcast %mul3A_9 : i32 to vector<16xi32>
          %add3A_964 = arith.addi %get3A_962, %add3A_963 : vector<16xi32>
          %swap3A_965 = arith.constant 1 : i32
          %swap3A_966 = arith.index_cast %swap3A_965 : i32 to index
          %swap3A_967 = arith.constant 448 : index
          %swap3A_968 = tpu.vector_load %arg11[%swap3A_966, %swap3A_967] {strides = array<i32>} : memref<2x512xi32, #tpu.memory_space<vmem>>, vector<1x16xi32>,
          %swap3A_969 = vector.shape_cast %swap3A_968 : vector<1x16xi32> to vector<16xi32>
          %swap3A_970 = vector.shape_cast %add3A_964 : vector<16xi32> to vector<1x16xi32>
          tpu.vector_store %arg11[%swap3A_966, %swap3A_967], %swap3A_970 {strides = array<i32>} : memref<2x512xi32, #tpu.memory_space<vmem>>, vector<1x16xi32>,
          %get3A_971 = arith.constant 1 : i32
          %get3A_972 = arith.index_cast %get3A_971 : i32 to index
          %get3A_973 = arith.constant 464 : index
          %get3A_974 = tpu.vector_load %arg11[%get3A_972, %get3A_973] {strides = array<i32>} : memref<2x512xi32, #tpu.memory_space<vmem>>, vector<1x16xi32>,
          %get3A_975 = vector.shape_cast %get3A_974 : vector<1x16xi32> to vector<16xi32>
          %add3A_976 = vector.broadcast %mul3A_9 : i32 to vector<16xi32>
          %add3A_977 = arith.addi %get3A_975, %add3A_976 : vector<16xi32>
          %swap3A_978 = arith.constant 1 : i32
          %swap3A_979 = arith.index_cast %swap3A_978 : i32 to index
          %swap3A_980 = arith.constant 464 : index
          %swap3A_981 = tpu.vector_load %arg11[%swap3A_979, %swap3A_980] {strides = array<i32>} : memref<2x512xi32, #tpu.memory_space<vmem>>, vector<1x16xi32>,
          %swap3A_982 = vector.shape_cast %swap3A_981 : vector<1x16xi32> to vector<16xi32>
          %swap3A_983 = vector.shape_cast %add3A_977 : vector<16xi32> to vector<1x16xi32>
          tpu.vector_store %arg11[%swap3A_979, %swap3A_980], %swap3A_983 {strides = array<i32>} : memref<2x512xi32, #tpu.memory_space<vmem>>, vector<1x16xi32>,
          %get3A_984 = arith.constant 1 : i32
          %get3A_985 = arith.index_cast %get3A_984 : i32 to index
          %get3A_986 = arith.constant 480 : index
          %get3A_987 = tpu.vector_load %arg11[%get3A_985, %get3A_986] {strides = array<i32>} : memref<2x512xi32, #tpu.memory_space<vmem>>, vector<1x16xi32>,
          %get3A_988 = vector.shape_cast %get3A_987 : vector<1x16xi32> to vector<16xi32>
          %add3A_989 = vector.broadcast %mul3A_9 : i32 to vector<16xi32>
          %add3A_990 = arith.addi %get3A_988, %add3A_989 : vector<16xi32>
          %swap3A_991 = arith.constant 1 : i32
          %swap3A_992 = arith.index_cast %swap3A_991 : i32 to index
          %swap3A_993 = arith.constant 480 : index
          %swap3A_994 = tpu.vector_load %arg11[%swap3A_992, %swap3A_993] {strides = array<i32>} : memref<2x512xi32, #tpu.memory_space<vmem>>, vector<1x16xi32>,
          %swap3A_995 = vector.shape_cast %swap3A_994 : vector<1x16xi32> to vector<16xi32>
          %swap3A_996 = vector.shape_cast %add3A_990 : vector<16xi32> to vector<1x16xi32>
          tpu.vector_store %arg11[%swap3A_992, %swap3A_993], %swap3A_996 {strides = array<i32>} : memref<2x512xi32, #tpu.memory_space<vmem>>, vector<1x16xi32>,
          %get3A_997 = arith.constant 1 : i32
          %get3A_998 = arith.index_cast %get3A_997 : i32 to index
          %get3A_999 = arith.constant 496 : index
          %get3A_1000 = tpu.vector_load %arg11[%get3A_998, %get3A_999] {strides = array<i32>} : memref<2x512xi32, #tpu.memory_space<vmem>>, vector<1x16xi32>,
          %get3A_1001 = vector.shape_cast %get3A_1000 : vector<1x16xi32> to vector<16xi32>
          %add3A_1002 = vector.broadcast %mul3A_9 : i32 to vector<16xi32>
          %add3A_1003 = arith.addi %get3A_1001, %add3A_1002 : vector<16xi32>
          %swap3A_1004 = arith.constant 1 : i32
          %swap3A_1005 = arith.index_cast %swap3A_1004 : i32 to index
          %swap3A_1006 = arith.constant 496 : index
          %swap3A_1007 = tpu.vector_load %arg11[%swap3A_1005, %swap3A_1006] {strides = array<i32>} : memref<2x512xi32, #tpu.memory_space<vmem>>, vector<1x16xi32>,
          %swap3A_1008 = vector.shape_cast %swap3A_1007 : vector<1x16xi32> to vector<16xi32>
          %swap3A_1009 = vector.shape_cast %add3A_1003 : vector<16xi32> to vector<1x16xi32>
          tpu.vector_store %arg11[%swap3A_1005, %swap3A_1006], %swap3A_1009 {strides = array<i32>} : memref<2x512xi32, #tpu.memory_space<vmem>>, vector<1x16xi32>,
          %dma_start3A_1010 = arith.constant 1 : i32
          %dma_start3A_1011 = arith.constant 0 : i32
          %dma_start3A_1012 = tpu.memref_slice %arg11[%dma_start3A_1010, %dma_start3A_1011] : memref<2x512xi32, #tpu.memory_space<vmem>> -> memref<1x512xi32, #tpu.memory_space<vmem>>
          %dma_start3A_1013 = tpu.memref_squeeze %dma_start3A_1012 : memref<1x512xi32, #tpu.memory_space<vmem>> -> memref<512xi32, #tpu.memory_space<vmem>>
          %dma_start3A_1014 = arith.constant 0 : i32
          %dma_start3A_1015 = arith.constant 0 : i32
          %dma_start3A_1016 = tpu.memref_slice %arg3[%dma_start3A_1014, %dma_start3A_1015] : memref<20000x64xf32, #tpu.memory_space<hbm>> -> memref<20000x64xf32, #tpu.memory_space<hbm>>
          tpu.enqueue_indirect_dma source(%dma_start3A_1016 : memref<20000x64xf32, #tpu.memory_space<hbm>>) target(%arg13 : memref<512x64xf32, #tpu.memory_space<vmem>>) offsets(%dma_start3A_1013 : memref<512xi32, #tpu.memory_space<vmem>>) semaphore(%arg23 : memref<!tpu.dma_semaphore, #tpu.memory_space<semaphore_mem>>)
        } else {
        }
        %dma_wait3A_568 = arith.constant 0 : i32
        %dma_wait3A_569 = arith.constant 0 : i32
        %dma_wait3A_570 = tpu.memref_slice %arg10[%dma_wait3A_568, %dma_wait3A_569] : memref<2x512xi32, #tpu.memory_space<vmem>> -> memref<1x512xi32, #tpu.memory_space<vmem>>
        %dma_wait3A_571 = tpu.memref_squeeze %dma_wait3A_570 : memref<1x512xi32, #tpu.memory_space<vmem>> -> memref<512xi32, #tpu.memory_space<vmem>>
        %dma_wait3A_572 = arith.constant 0 : i32
        %dma_wait3A_573 = arith.constant 0 : i32
        %dma_wait3A_574 = tpu.memref_slice %arg18[%dma_wait3A_572, %dma_wait3A_573] : memref<10240x64xf32, #tpu.memory_space<vmem_shared>> -> memref<10240x64xf32, #tpu.memory_space<vmem_shared>>
        tpu.wait_indirect_dma semaphore(%arg24 : memref<!tpu.dma_semaphore, #tpu.memory_space<semaphore_mem>>) src(%arg12 : memref<512x64xf32, #tpu.memory_space<vmem>>) dst(%dma_wait3A_574 : memref<10240x64xf32, #tpu.memory_space<vmem_shared>>)
        %convert_element_type3A_575 = arith.extui %and3A : i1 to i32
        %cond3A_576 = arith.constant 0 : i32
        %cond3A_577 = arith.cmpi ne, %convert_element_type3A_575, %cond3A_576 : i32
        scf.if %cond3A_577 {
          %dma_wait3A_585 = arith.constant 0 : i32
          %dma_wait3A_586 = arith.constant 0 : i32
          %dma_wait3A_587 = tpu.memref_slice %arg10[%dma_wait3A_585, %dma_wait3A_586] : memref<2x512xi32, #tpu.memory_space<vmem>> -> memref<1x512xi32, #tpu.memory_space<vmem>>
          %dma_wait3A_588 = tpu.memref_squeeze %dma_wait3A_587 : memref<1x512xi32, #tpu.memory_space<vmem>> -> memref<512xi32, #tpu.memory_space<vmem>>
          %dma_wait3A_589 = arith.constant 0 : i32
          %dma_wait3A_590 = arith.constant 0 : i32
          %dma_wait3A_591 = tpu.memref_slice %arg19[%dma_wait3A_589, %dma_wait3A_590] : memref<10240x16xf32, #tpu.memory_space<vmem_shared>> -> memref<10240x16xf32, #tpu.memory_space<vmem_shared>>
          tpu.wait_indirect_dma semaphore(%arg24 : memref<!tpu.dma_semaphore, #tpu.memory_space<semaphore_mem>>) src(%arg15 : memref<512x16xf32, #tpu.memory_space<vmem>>) dst(%dma_wait3A_591 : memref<10240x16xf32, #tpu.memory_space<vmem_shared>>)
        } else {
        }
        %add3A_578 = arith.constant 2 : i32
        %add3A_579 = arith.addi %add3A_527, %add3A_578 : i32
        %lt3A_580 = arith.constant 39 : i32
        %lt3A_581 = arith.cmpi slt, %add3A_579, %lt3A_580 : i32
        %convert_element_type3A_582 = arith.extui %lt3A_581 : i1 to i32
        %cond3A_583 = arith.constant 0 : i32
        %cond3A_584 = arith.cmpi ne, %convert_element_type3A_582, %cond3A_583 : i32
        scf.if %cond3A_584 {
          %add3A_585 = arith.constant 2 : i32
          %add3A_586 = arith.addi %add3A_527, %add3A_585 : i32
          %mul3A_587 = arith.constant 512 : i32
          %mul3A_588 = arith.muli %add3A_586, %mul3A_587 : i32
          %add3A_589 = arith.addi %mul3A_0, %mul3A_588 : i32
          %dma_start3A_590 = arith.constant 0 : i32
          %dma_start3A_591 = tpu.memref_slice %arg2[%dma_start3A_590, %add3A_589] : memref<2x320000xi32, #tpu.memory_space<hbm>> -> memref<2x512xi32, #tpu.memory_space<hbm>>
          %dma_start3A_592 = arith.constant 0 : i32
          %dma_start3A_593 = tpu.memref_slice %arg2[%dma_start3A_592, %add3A_589] : memref<2x320000xi32, #tpu.memory_space<hbm>> -> memref<2x512xi32, #tpu.memory_space<hbm>>
          tpu.enqueue_dma source(%dma_start3A_593 : memref<2x512xi32, #tpu.memory_space<hbm>>) target(%arg10 : memref<2x512xi32, #tpu.memory_space<vmem>>) target_semaphore(%arg20 : memref<!tpu.dma_semaphore, #tpu.memory_space<semaphore_mem>>)
        } else {
        }
      } else {
      }
      %mul3A_532 = arith.constant 2 : i32
      %mul3A_533 = arith.muli %mul3A_532, %scan3A_523 : i32
      %add3A_534 = arith.constant 1 : i32
      %add3A_535 = arith.addi %mul3A_533, %add3A_534 : i32
      %lt3A_536 = arith.constant 39 : i32
      %lt3A_537 = arith.cmpi slt, %add3A_535, %lt3A_536 : i32
      %convert_element_type3A_538 = arith.extui %lt3A_537 : i1 to i32
      %cond3A_539 = arith.constant 0 : i32
      %cond3A_540 = arith.cmpi ne, %convert_element_type3A_538, %cond3A_539 : i32
      scf.if %cond3A_540 {
        %ge3A = arith.cmpi sge, %add3A_535, %mul3A_7 : i32
        %add3A_541 = arith.constant 20 : i32
        %add3A_542 = arith.addi %mul3A_7, %add3A_541 : i32
        %lt3A_543 = arith.cmpi slt, %add3A_535, %add3A_542 : i32
        %and3A = arith.andi %ge3A, %lt3A_543 : i1
        %dma_wait3A_544 = arith.constant 1 : i32
        %dma_wait3A_545 = arith.constant 0 : i32
        %dma_wait3A_546 = tpu.memref_slice %arg11[%dma_wait3A_544, %dma_wait3A_545] : memref<2x512xi32, #tpu.memory_space<vmem>> -> memref<1x512xi32, #tpu.memory_space<vmem>>
        %dma_wait3A_547 = tpu.memref_squeeze %dma_wait3A_546 : memref<1x512xi32, #tpu.memory_space<vmem>> -> memref<512xi32, #tpu.memory_space<vmem>>
        %dma_wait3A_548 = arith.constant 0 : i32
        %dma_wait3A_549 = arith.constant 0 : i32
        %dma_wait3A_550 = tpu.memref_slice %arg3[%dma_wait3A_548, %dma_wait3A_549] : memref<20000x64xf32, #tpu.memory_space<hbm>> -> memref<20000x64xf32, #tpu.memory_space<hbm>>
        tpu.wait_indirect_dma semaphore(%arg23 : memref<!tpu.dma_semaphore, #tpu.memory_space<semaphore_mem>>) src(%dma_wait3A_550 : memref<20000x64xf32, #tpu.memory_space<hbm>>) dst(%arg13 : memref<512x64xf32, #tpu.memory_space<vmem>>)
        %dma_start3A_551 = arith.constant 0 : i32
        %dma_start3A_552 = arith.constant 0 : i32
        %dma_start3A_553 = tpu.memref_slice %arg11[%dma_start3A_551, %dma_start3A_552] : memref<2x512xi32, #tpu.memory_space<vmem>> -> memref<1x512xi32, #tpu.memory_space<vmem>>
        %dma_start3A_554 = tpu.memref_squeeze %dma_start3A_553 : memref<1x512xi32, #tpu.memory_space<vmem>> -> memref<512xi32, #tpu.memory_space<vmem>>
        %dma_start3A_555 = arith.constant 0 : i32
        %dma_start3A_556 = arith.constant 0 : i32
        %dma_start3A_557 = tpu.memref_slice %arg18[%dma_start3A_555, %dma_start3A_556] : memref<10240x64xf32, #tpu.memory_space<vmem_shared>> -> memref<10240x64xf32, #tpu.memory_space<vmem_shared>>
        tpu.enqueue_indirect_dma source(%arg13 : memref<512x64xf32, #tpu.memory_space<vmem>>) target(%dma_start3A_557 : memref<10240x64xf32, #tpu.memory_space<vmem_shared>>) offsets(%dma_start3A_554 : memref<512xi32, #tpu.memory_space<vmem>>) semaphore(%arg25 : memref<!tpu.dma_semaphore, #tpu.memory_space<semaphore_mem>>) {add = true}
        %convert_element_type3A_558 = arith.extui %and3A : i1 to i32
        %cond3A_559 = arith.constant 0 : i32
        %cond3A_560 = arith.cmpi ne, %convert_element_type3A_558, %cond3A_559 : i32
        scf.if %cond3A_560 {
          %dma_start3A_585 = arith.constant 0 : i32
          %dma_start3A_586 = arith.constant 0 : i32
          %dma_start3A_587 = tpu.memref_slice %arg11[%dma_start3A_585, %dma_start3A_586] : memref<2x512xi32, #tpu.memory_space<vmem>> -> memref<1x512xi32, #tpu.memory_space<vmem>>
          %dma_start3A_588 = tpu.memref_squeeze %dma_start3A_587 : memref<1x512xi32, #tpu.memory_space<vmem>> -> memref<512xi32, #tpu.memory_space<vmem>>
          %dma_start3A_589 = arith.constant 0 : i32
          %dma_start3A_590 = arith.constant 0 : i32
          %dma_start3A_591 = tpu.memref_slice %arg19[%dma_start3A_589, %dma_start3A_590] : memref<10240x16xf32, #tpu.memory_space<vmem_shared>> -> memref<10240x16xf32, #tpu.memory_space<vmem_shared>>
          tpu.enqueue_indirect_dma source(%arg15 : memref<512x16xf32, #tpu.memory_space<vmem>>) target(%dma_start3A_591 : memref<10240x16xf32, #tpu.memory_space<vmem_shared>>) offsets(%dma_start3A_588 : memref<512xi32, #tpu.memory_space<vmem>>) semaphore(%arg25 : memref<!tpu.dma_semaphore, #tpu.memory_space<semaphore_mem>>) {add = true}
        } else {
        }
        %add3A_561 = arith.constant 1 : i32
        %add3A_562 = arith.addi %add3A_535, %add3A_561 : i32
        %lt3A_563 = arith.constant 39 : i32
        %lt3A_564 = arith.cmpi slt, %add3A_562, %lt3A_563 : i32
        %convert_element_type3A_565 = arith.extui %lt3A_564 : i1 to i32
        %cond3A_566 = arith.constant 0 : i32
        %cond3A_567 = arith.cmpi ne, %convert_element_type3A_565, %cond3A_566 : i32
        scf.if %cond3A_567 {
          %add3A_585 = arith.constant 1 : i32
          %add3A_586 = arith.addi %add3A_535, %add3A_585 : i32
          %mul3A_587 = arith.constant 512 : i32
          %mul3A_588 = arith.muli %add3A_586, %mul3A_587 : i32
          %add3A_589 = arith.addi %mul3A_0, %mul3A_588 : i32
          %dma_wait3A_590 = arith.constant 0 : i32
          %dma_wait3A_591 = tpu.memref_slice %arg2[%dma_wait3A_590, %add3A_589] : memref<2x320000xi32, #tpu.memory_space<hbm>> -> memref<2x512xi32, #tpu.memory_space<hbm>>
          %dma_wait3A_592 = arith.constant 0 : i32
          %dma_wait3A_593 = tpu.memref_slice %arg2[%dma_wait3A_592, %add3A_589] : memref<2x320000xi32, #tpu.memory_space<hbm>> -> memref<2x512xi32, #tpu.memory_space<hbm>>
          tpu.wait_dma2 semaphore(%arg20 : memref<!tpu.dma_semaphore, #tpu.memory_space<semaphore_mem>>) src(%dma_wait3A_593 : memref<2x512xi32, #tpu.memory_space<hbm>>) dst(%arg10 : memref<2x512xi32, #tpu.memory_space<vmem>>)
          %get3A_594 = arith.constant 1 : i32
          %get3A_595 = arith.index_cast %get3A_594 : i32 to index
          %get3A_596 = arith.constant 0 : index
          %get3A_597 = tpu.vector_load %arg10[%get3A_595, %get3A_596] {strides = array<i32>} : memref<2x512xi32, #tpu.memory_space<vmem>>, vector<1x16xi32>,
          %get3A_598 = vector.shape_cast %get3A_597 : vector<1x16xi32> to vector<16xi32>
          %add3A_599 = vector.broadcast %mul3A_9 : i32 to vector<16xi32>
          %add3A_600 = arith.addi %get3A_598, %add3A_599 : vector<16xi32>
          %swap3A_601 = arith.constant 1 : i32
          %swap3A_602 = arith.index_cast %swap3A_601 : i32 to index
          %swap3A_603 = arith.constant 0 : index
          %swap3A_604 = tpu.vector_load %arg10[%swap3A_602, %swap3A_603] {strides = array<i32>} : memref<2x512xi32, #tpu.memory_space<vmem>>, vector<1x16xi32>,
          %swap3A_605 = vector.shape_cast %swap3A_604 : vector<1x16xi32> to vector<16xi32>
          %swap3A_606 = vector.shape_cast %add3A_600 : vector<16xi32> to vector<1x16xi32>
          tpu.vector_store %arg10[%swap3A_602, %swap3A_603], %swap3A_606 {strides = array<i32>} : memref<2x512xi32, #tpu.memory_space<vmem>>, vector<1x16xi32>,
          %get3A_607 = arith.constant 1 : i32
          %get3A_608 = arith.index_cast %get3A_607 : i32 to index
          %get3A_609 = arith.constant 16 : index
          %get3A_610 = tpu.vector_load %arg10[%get3A_608, %get3A_609] {strides = array<i32>} : memref<2x512xi32, #tpu.memory_space<vmem>>, vector<1x16xi32>,
          %get3A_611 = vector.shape_cast %get3A_610 : vector<1x16xi32> to vector<16xi32>
          %add3A_612 = vector.broadcast %mul3A_9 : i32 to vector<16xi32>
          %add3A_613 = arith.addi %get3A_611, %add3A_612 : vector<16xi32>
          %swap3A_614 = arith.constant 1 : i32
          %swap3A_615 = arith.index_cast %swap3A_614 : i32 to index
          %swap3A_616 = arith.constant 16 : index
          %swap3A_617 = tpu.vector_load %arg10[%swap3A_615, %swap3A_616] {strides = array<i32>} : memref<2x512xi32, #tpu.memory_space<vmem>>, vector<1x16xi32>,
          %swap3A_618 = vector.shape_cast %swap3A_617 : vector<1x16xi32> to vector<16xi32>
          %swap3A_619 = vector.shape_cast %add3A_613 : vector<16xi32> to vector<1x16xi32>
          tpu.vector_store %arg10[%swap3A_615, %swap3A_616], %swap3A_619 {strides = array<i32>} : memref<2x512xi32, #tpu.memory_space<vmem>>, vector<1x16xi32>,
          %get3A_620 = arith.constant 1 : i32
          %get3A_621 = arith.index_cast %get3A_620 : i32 to index
          %get3A_622 = arith.constant 32 : index
          %get3A_623 = tpu.vector_load %arg10[%get3A_621, %get3A_622] {strides = array<i32>} : memref<2x512xi32, #tpu.memory_space<vmem>>, vector<1x16xi32>,
          %get3A_624 = vector.shape_cast %get3A_623 : vector<1x16xi32> to vector<16xi32>
          %add3A_625 = vector.broadcast %mul3A_9 : i32 to vector<16xi32>
          %add3A_626 = arith.addi %get3A_624, %add3A_625 : vector<16xi32>
          %swap3A_627 = arith.constant 1 : i32
          %swap3A_628 = arith.index_cast %swap3A_627 : i32 to index
          %swap3A_629 = arith.constant 32 : index
          %swap3A_630 = tpu.vector_load %arg10[%swap3A_628, %swap3A_629] {strides = array<i32>} : memref<2x512xi32, #tpu.memory_space<vmem>>, vector<1x16xi32>,
          %swap3A_631 = vector.shape_cast %swap3A_630 : vector<1x16xi32> to vector<16xi32>
          %swap3A_632 = vector.shape_cast %add3A_626 : vector<16xi32> to vector<1x16xi32>
          tpu.vector_store %arg10[%swap3A_628, %swap3A_629], %swap3A_632 {strides = array<i32>} : memref<2x512xi32, #tpu.memory_space<vmem>>, vector<1x16xi32>,
          %get3A_633 = arith.constant 1 : i32
          %get3A_634 = arith.index_cast %get3A_633 : i32 to index
          %get3A_635 = arith.constant 48 : index
          %get3A_636 = tpu.vector_load %arg10[%get3A_634, %get3A_635] {strides = array<i32>} : memref<2x512xi32, #tpu.memory_space<vmem>>, vector<1x16xi32>,
          %get3A_637 = vector.shape_cast %get3A_636 : vector<1x16xi32> to vector<16xi32>
          %add3A_638 = vector.broadcast %mul3A_9 : i32 to vector<16xi32>
          %add3A_639 = arith.addi %get3A_637, %add3A_638 : vector<16xi32>
          %swap3A_640 = arith.constant 1 : i32
          %swap3A_641 = arith.index_cast %swap3A_640 : i32 to index
          %swap3A_642 = arith.constant 48 : index
          %swap3A_643 = tpu.vector_load %arg10[%swap3A_641, %swap3A_642] {strides = array<i32>} : memref<2x512xi32, #tpu.memory_space<vmem>>, vector<1x16xi32>,
          %swap3A_644 = vector.shape_cast %swap3A_643 : vector<1x16xi32> to vector<16xi32>
          %swap3A_645 = vector.shape_cast %add3A_639 : vector<16xi32> to vector<1x16xi32>
          tpu.vector_store %arg10[%swap3A_641, %swap3A_642], %swap3A_645 {strides = array<i32>} : memref<2x512xi32, #tpu.memory_space<vmem>>, vector<1x16xi32>,
          %get3A_646 = arith.constant 1 : i32
          %get3A_647 = arith.index_cast %get3A_646 : i32 to index
          %get3A_648 = arith.constant 64 : index
          %get3A_649 = tpu.vector_load %arg10[%get3A_647, %get3A_648] {strides = array<i32>} : memref<2x512xi32, #tpu.memory_space<vmem>>, vector<1x16xi32>,
          %get3A_650 = vector.shape_cast %get3A_649 : vector<1x16xi32> to vector<16xi32>
          %add3A_651 = vector.broadcast %mul3A_9 : i32 to vector<16xi32>
          %add3A_652 = arith.addi %get3A_650, %add3A_651 : vector<16xi32>
          %swap3A_653 = arith.constant 1 : i32
          %swap3A_654 = arith.index_cast %swap3A_653 : i32 to index
          %swap3A_655 = arith.constant 64 : index
          %swap3A_656 = tpu.vector_load %arg10[%swap3A_654, %swap3A_655] {strides = array<i32>} : memref<2x512xi32, #tpu.memory_space<vmem>>, vector<1x16xi32>,
          %swap3A_657 = vector.shape_cast %swap3A_656 : vector<1x16xi32> to vector<16xi32>
          %swap3A_658 = vector.shape_cast %add3A_652 : vector<16xi32> to vector<1x16xi32>
          tpu.vector_store %arg10[%swap3A_654, %swap3A_655], %swap3A_658 {strides = array<i32>} : memref<2x512xi32, #tpu.memory_space<vmem>>, vector<1x16xi32>,
          %get3A_659 = arith.constant 1 : i32
          %get3A_660 = arith.index_cast %get3A_659 : i32 to index
          %get3A_661 = arith.constant 80 : index
          %get3A_662 = tpu.vector_load %arg10[%get3A_660, %get3A_661] {strides = array<i32>} : memref<2x512xi32, #tpu.memory_space<vmem>>, vector<1x16xi32>,
          %get3A_663 = vector.shape_cast %get3A_662 : vector<1x16xi32> to vector<16xi32>
          %add3A_664 = vector.broadcast %mul3A_9 : i32 to vector<16xi32>
          %add3A_665 = arith.addi %get3A_663, %add3A_664 : vector<16xi32>
          %swap3A_666 = arith.constant 1 : i32
          %swap3A_667 = arith.index_cast %swap3A_666 : i32 to index
          %swap3A_668 = arith.constant 80 : index
          %swap3A_669 = tpu.vector_load %arg10[%swap3A_667, %swap3A_668] {strides = array<i32>} : memref<2x512xi32, #tpu.memory_space<vmem>>, vector<1x16xi32>,
          %swap3A_670 = vector.shape_cast %swap3A_669 : vector<1x16xi32> to vector<16xi32>
          %swap3A_671 = vector.shape_cast %add3A_665 : vector<16xi32> to vector<1x16xi32>
          tpu.vector_store %arg10[%swap3A_667, %swap3A_668], %swap3A_671 {strides = array<i32>} : memref<2x512xi32, #tpu.memory_space<vmem>>, vector<1x16xi32>,
          %get3A_672 = arith.constant 1 : i32
          %get3A_673 = arith.index_cast %get3A_672 : i32 to index
          %get3A_674 = arith.constant 96 : index
          %get3A_675 = tpu.vector_load %arg10[%get3A_673, %get3A_674] {strides = array<i32>} : memref<2x512xi32, #tpu.memory_space<vmem>>, vector<1x16xi32>,
          %get3A_676 = vector.shape_cast %get3A_675 : vector<1x16xi32> to vector<16xi32>
          %add3A_677 = vector.broadcast %mul3A_9 : i32 to vector<16xi32>
          %add3A_678 = arith.addi %get3A_676, %add3A_677 : vector<16xi32>
          %swap3A_679 = arith.constant 1 : i32
          %swap3A_680 = arith.index_cast %swap3A_679 : i32 to index
          %swap3A_681 = arith.constant 96 : index
          %swap3A_682 = tpu.vector_load %arg10[%swap3A_680, %swap3A_681] {strides = array<i32>} : memref<2x512xi32, #tpu.memory_space<vmem>>, vector<1x16xi32>,
          %swap3A_683 = vector.shape_cast %swap3A_682 : vector<1x16xi32> to vector<16xi32>
          %swap3A_684 = vector.shape_cast %add3A_678 : vector<16xi32> to vector<1x16xi32>
          tpu.vector_store %arg10[%swap3A_680, %swap3A_681], %swap3A_684 {strides = array<i32>} : memref<2x512xi32, #tpu.memory_space<vmem>>, vector<1x16xi32>,
          %get3A_685 = arith.constant 1 : i32
          %get3A_686 = arith.index_cast %get3A_685 : i32 to index
          %get3A_687 = arith.constant 112 : index
          %get3A_688 = tpu.vector_load %arg10[%get3A_686, %get3A_687] {strides = array<i32>} : memref<2x512xi32, #tpu.memory_space<vmem>>, vector<1x16xi32>,
          %get3A_689 = vector.shape_cast %get3A_688 : vector<1x16xi32> to vector<16xi32>
          %add3A_690 = vector.broadcast %mul3A_9 : i32 to vector<16xi32>
          %add3A_691 = arith.addi %get3A_689, %add3A_690 : vector<16xi32>
          %swap3A_692 = arith.constant 1 : i32
          %swap3A_693 = arith.index_cast %swap3A_692 : i32 to index
          %swap3A_694 = arith.constant 112 : index
          %swap3A_695 = tpu.vector_load %arg10[%swap3A_693, %swap3A_694] {strides = array<i32>} : memref<2x512xi32, #tpu.memory_space<vmem>>, vector<1x16xi32>,
          %swap3A_696 = vector.shape_cast %swap3A_695 : vector<1x16xi32> to vector<16xi32>
          %swap3A_697 = vector.shape_cast %add3A_691 : vector<16xi32> to vector<1x16xi32>
          tpu.vector_store %arg10[%swap3A_693, %swap3A_694], %swap3A_697 {strides = array<i32>} : memref<2x512xi32, #tpu.memory_space<vmem>>, vector<1x16xi32>,
          %get3A_698 = arith.constant 1 : i32
          %get3A_699 = arith.index_cast %get3A_698 : i32 to index
          %get3A_700 = arith.constant 128 : index
          %get3A_701 = tpu.vector_load %arg10[%get3A_699, %get3A_700] {strides = array<i32>} : memref<2x512xi32, #tpu.memory_space<vmem>>, vector<1x16xi32>,
          %get3A_702 = vector.shape_cast %get3A_701 : vector<1x16xi32> to vector<16xi32>
          %add3A_703 = vector.broadcast %mul3A_9 : i32 to vector<16xi32>
          %add3A_704 = arith.addi %get3A_702, %add3A_703 : vector<16xi32>
          %swap3A_705 = arith.constant 1 : i32
          %swap3A_706 = arith.index_cast %swap3A_705 : i32 to index
          %swap3A_707 = arith.constant 128 : index
          %swap3A_708 = tpu.vector_load %arg10[%swap3A_706, %swap3A_707] {strides = array<i32>} : memref<2x512xi32, #tpu.memory_space<vmem>>, vector<1x16xi32>,
          %swap3A_709 = vector.shape_cast %swap3A_708 : vector<1x16xi32> to vector<16xi32>
          %swap3A_710 = vector.shape_cast %add3A_704 : vector<16xi32> to vector<1x16xi32>
          tpu.vector_store %arg10[%swap3A_706, %swap3A_707], %swap3A_710 {strides = array<i32>} : memref<2x512xi32, #tpu.memory_space<vmem>>, vector<1x16xi32>,
          %get3A_711 = arith.constant 1 : i32
          %get3A_712 = arith.index_cast %get3A_711 : i32 to index
          %get3A_713 = arith.constant 144 : index
          %get3A_714 = tpu.vector_load %arg10[%get3A_712, %get3A_713] {strides = array<i32>} : memref<2x512xi32, #tpu.memory_space<vmem>>, vector<1x16xi32>,
          %get3A_715 = vector.shape_cast %get3A_714 : vector<1x16xi32> to vector<16xi32>
          %add3A_716 = vector.broadcast %mul3A_9 : i32 to vector<16xi32>
          %add3A_717 = arith.addi %get3A_715, %add3A_716 : vector<16xi32>
          %swap3A_718 = arith.constant 1 : i32
          %swap3A_719 = arith.index_cast %swap3A_718 : i32 to index
          %swap3A_720 = arith.constant 144 : index
          %swap3A_721 = tpu.vector_load %arg10[%swap3A_719, %swap3A_720] {strides = array<i32>} : memref<2x512xi32, #tpu.memory_space<vmem>>, vector<1x16xi32>,
          %swap3A_722 = vector.shape_cast %swap3A_721 : vector<1x16xi32> to vector<16xi32>
          %swap3A_723 = vector.shape_cast %add3A_717 : vector<16xi32> to vector<1x16xi32>
          tpu.vector_store %arg10[%swap3A_719, %swap3A_720], %swap3A_723 {strides = array<i32>} : memref<2x512xi32, #tpu.memory_space<vmem>>, vector<1x16xi32>,
          %get3A_724 = arith.constant 1 : i32
          %get3A_725 = arith.index_cast %get3A_724 : i32 to index
          %get3A_726 = arith.constant 160 : index
          %get3A_727 = tpu.vector_load %arg10[%get3A_725, %get3A_726] {strides = array<i32>} : memref<2x512xi32, #tpu.memory_space<vmem>>, vector<1x16xi32>,
          %get3A_728 = vector.shape_cast %get3A_727 : vector<1x16xi32> to vector<16xi32>
          %add3A_729 = vector.broadcast %mul3A_9 : i32 to vector<16xi32>
          %add3A_730 = arith.addi %get3A_728, %add3A_729 : vector<16xi32>
          %swap3A_731 = arith.constant 1 : i32
          %swap3A_732 = arith.index_cast %swap3A_731 : i32 to index
          %swap3A_733 = arith.constant 160 : index
          %swap3A_734 = tpu.vector_load %arg10[%swap3A_732, %swap3A_733] {strides = array<i32>} : memref<2x512xi32, #tpu.memory_space<vmem>>, vector<1x16xi32>,
          %swap3A_735 = vector.shape_cast %swap3A_734 : vector<1x16xi32> to vector<16xi32>
          %swap3A_736 = vector.shape_cast %add3A_730 : vector<16xi32> to vector<1x16xi32>
          tpu.vector_store %arg10[%swap3A_732, %swap3A_733], %swap3A_736 {strides = array<i32>} : memref<2x512xi32, #tpu.memory_space<vmem>>, vector<1x16xi32>,
          %get3A_737 = arith.constant 1 : i32
          %get3A_738 = arith.index_cast %get3A_737 : i32 to index
          %get3A_739 = arith.constant 176 : index
          %get3A_740 = tpu.vector_load %arg10[%get3A_738, %get3A_739] {strides = array<i32>} : memref<2x512xi32, #tpu.memory_space<vmem>>, vector<1x16xi32>,
          %get3A_741 = vector.shape_cast %get3A_740 : vector<1x16xi32> to vector<16xi32>
          %add3A_742 = vector.broadcast %mul3A_9 : i32 to vector<16xi32>
          %add3A_743 = arith.addi %get3A_741, %add3A_742 : vector<16xi32>
          %swap3A_744 = arith.constant 1 : i32
          %swap3A_745 = arith.index_cast %swap3A_744 : i32 to index
          %swap3A_746 = arith.constant 176 : index
          %swap3A_747 = tpu.vector_load %arg10[%swap3A_745, %swap3A_746] {strides = array<i32>} : memref<2x512xi32, #tpu.memory_space<vmem>>, vector<1x16xi32>,
          %swap3A_748 = vector.shape_cast %swap3A_747 : vector<1x16xi32> to vector<16xi32>
          %swap3A_749 = vector.shape_cast %add3A_743 : vector<16xi32> to vector<1x16xi32>
          tpu.vector_store %arg10[%swap3A_745, %swap3A_746], %swap3A_749 {strides = array<i32>} : memref<2x512xi32, #tpu.memory_space<vmem>>, vector<1x16xi32>,
          %get3A_750 = arith.constant 1 : i32
          %get3A_751 = arith.index_cast %get3A_750 : i32 to index
          %get3A_752 = arith.constant 192 : index
          %get3A_753 = tpu.vector_load %arg10[%get3A_751, %get3A_752] {strides = array<i32>} : memref<2x512xi32, #tpu.memory_space<vmem>>, vector<1x16xi32>,
          %get3A_754 = vector.shape_cast %get3A_753 : vector<1x16xi32> to vector<16xi32>
          %add3A_755 = vector.broadcast %mul3A_9 : i32 to vector<16xi32>
          %add3A_756 = arith.addi %get3A_754, %add3A_755 : vector<16xi32>
          %swap3A_757 = arith.constant 1 : i32
          %swap3A_758 = arith.index_cast %swap3A_757 : i32 to index
          %swap3A_759 = arith.constant 192 : index
          %swap3A_760 = tpu.vector_load %arg10[%swap3A_758, %swap3A_759] {strides = array<i32>} : memref<2x512xi32, #tpu.memory_space<vmem>>, vector<1x16xi32>,
          %swap3A_761 = vector.shape_cast %swap3A_760 : vector<1x16xi32> to vector<16xi32>
          %swap3A_762 = vector.shape_cast %add3A_756 : vector<16xi32> to vector<1x16xi32>
          tpu.vector_store %arg10[%swap3A_758, %swap3A_759], %swap3A_762 {strides = array<i32>} : memref<2x512xi32, #tpu.memory_space<vmem>>, vector<1x16xi32>,
          %get3A_763 = arith.constant 1 : i32
          %get3A_764 = arith.index_cast %get3A_763 : i32 to index
          %get3A_765 = arith.constant 208 : index
          %get3A_766 = tpu.vector_load %arg10[%get3A_764, %get3A_765] {strides = array<i32>} : memref<2x512xi32, #tpu.memory_space<vmem>>, vector<1x16xi32>,
          %get3A_767 = vector.shape_cast %get3A_766 : vector<1x16xi32> to vector<16xi32>
          %add3A_768 = vector.broadcast %mul3A_9 : i32 to vector<16xi32>
          %add3A_769 = arith.addi %get3A_767, %add3A_768 : vector<16xi32>
          %swap3A_770 = arith.constant 1 : i32
          %swap3A_771 = arith.index_cast %swap3A_770 : i32 to index
          %swap3A_772 = arith.constant 208 : index
          %swap3A_773 = tpu.vector_load %arg10[%swap3A_771, %swap3A_772] {strides = array<i32>} : memref<2x512xi32, #tpu.memory_space<vmem>>, vector<1x16xi32>,
          %swap3A_774 = vector.shape_cast %swap3A_773 : vector<1x16xi32> to vector<16xi32>
          %swap3A_775 = vector.shape_cast %add3A_769 : vector<16xi32> to vector<1x16xi32>
          tpu.vector_store %arg10[%swap3A_771, %swap3A_772], %swap3A_775 {strides = array<i32>} : memref<2x512xi32, #tpu.memory_space<vmem>>, vector<1x16xi32>,
          %get3A_776 = arith.constant 1 : i32
          %get3A_777 = arith.index_cast %get3A_776 : i32 to index
          %get3A_778 = arith.constant 224 : index
          %get3A_779 = tpu.vector_load %arg10[%get3A_777, %get3A_778] {strides = array<i32>} : memref<2x512xi32, #tpu.memory_space<vmem>>, vector<1x16xi32>,
          %get3A_780 = vector.shape_cast %get3A_779 : vector<1x16xi32> to vector<16xi32>
          %add3A_781 = vector.broadcast %mul3A_9 : i32 to vector<16xi32>
          %add3A_782 = arith.addi %get3A_780, %add3A_781 : vector<16xi32>
          %swap3A_783 = arith.constant 1 : i32
          %swap3A_784 = arith.index_cast %swap3A_783 : i32 to index
          %swap3A_785 = arith.constant 224 : index
          %swap3A_786 = tpu.vector_load %arg10[%swap3A_784, %swap3A_785] {strides = array<i32>} : memref<2x512xi32, #tpu.memory_space<vmem>>, vector<1x16xi32>,
          %swap3A_787 = vector.shape_cast %swap3A_786 : vector<1x16xi32> to vector<16xi32>
          %swap3A_788 = vector.shape_cast %add3A_782 : vector<16xi32> to vector<1x16xi32>
          tpu.vector_store %arg10[%swap3A_784, %swap3A_785], %swap3A_788 {strides = array<i32>} : memref<2x512xi32, #tpu.memory_space<vmem>>, vector<1x16xi32>,
          %get3A_789 = arith.constant 1 : i32
          %get3A_790 = arith.index_cast %get3A_789 : i32 to index
          %get3A_791 = arith.constant 240 : index
          %get3A_792 = tpu.vector_load %arg10[%get3A_790, %get3A_791] {strides = array<i32>} : memref<2x512xi32, #tpu.memory_space<vmem>>, vector<1x16xi32>,
          %get3A_793 = vector.shape_cast %get3A_792 : vector<1x16xi32> to vector<16xi32>
          %add3A_794 = vector.broadcast %mul3A_9 : i32 to vector<16xi32>
          %add3A_795 = arith.addi %get3A_793, %add3A_794 : vector<16xi32>
          %swap3A_796 = arith.constant 1 : i32
          %swap3A_797 = arith.index_cast %swap3A_796 : i32 to index
          %swap3A_798 = arith.constant 240 : index
          %swap3A_799 = tpu.vector_load %arg10[%swap3A_797, %swap3A_798] {strides = array<i32>} : memref<2x512xi32, #tpu.memory_space<vmem>>, vector<1x16xi32>,
          %swap3A_800 = vector.shape_cast %swap3A_799 : vector<1x16xi32> to vector<16xi32>
          %swap3A_801 = vector.shape_cast %add3A_795 : vector<16xi32> to vector<1x16xi32>
          tpu.vector_store %arg10[%swap3A_797, %swap3A_798], %swap3A_801 {strides = array<i32>} : memref<2x512xi32, #tpu.memory_space<vmem>>, vector<1x16xi32>,
          %get3A_802 = arith.constant 1 : i32
          %get3A_803 = arith.index_cast %get3A_802 : i32 to index
          %get3A_804 = arith.constant 256 : index
          %get3A_805 = tpu.vector_load %arg10[%get3A_803, %get3A_804] {strides = array<i32>} : memref<2x512xi32, #tpu.memory_space<vmem>>, vector<1x16xi32>,
          %get3A_806 = vector.shape_cast %get3A_805 : vector<1x16xi32> to vector<16xi32>
          %add3A_807 = vector.broadcast %mul3A_9 : i32 to vector<16xi32>
          %add3A_808 = arith.addi %get3A_806, %add3A_807 : vector<16xi32>
          %swap3A_809 = arith.constant 1 : i32
          %swap3A_810 = arith.index_cast %swap3A_809 : i32 to index
          %swap3A_811 = arith.constant 256 : index
          %swap3A_812 = tpu.vector_load %arg10[%swap3A_810, %swap3A_811] {strides = array<i32>} : memref<2x512xi32, #tpu.memory_space<vmem>>, vector<1x16xi32>,
          %swap3A_813 = vector.shape_cast %swap3A_812 : vector<1x16xi32> to vector<16xi32>
          %swap3A_814 = vector.shape_cast %add3A_808 : vector<16xi32> to vector<1x16xi32>
          tpu.vector_store %arg10[%swap3A_810, %swap3A_811], %swap3A_814 {strides = array<i32>} : memref<2x512xi32, #tpu.memory_space<vmem>>, vector<1x16xi32>,
          %get3A_815 = arith.constant 1 : i32
          %get3A_816 = arith.index_cast %get3A_815 : i32 to index
          %get3A_817 = arith.constant 272 : index
          %get3A_818 = tpu.vector_load %arg10[%get3A_816, %get3A_817] {strides = array<i32>} : memref<2x512xi32, #tpu.memory_space<vmem>>, vector<1x16xi32>,
          %get3A_819 = vector.shape_cast %get3A_818 : vector<1x16xi32> to vector<16xi32>
          %add3A_820 = vector.broadcast %mul3A_9 : i32 to vector<16xi32>
          %add3A_821 = arith.addi %get3A_819, %add3A_820 : vector<16xi32>
          %swap3A_822 = arith.constant 1 : i32
          %swap3A_823 = arith.index_cast %swap3A_822 : i32 to index
          %swap3A_824 = arith.constant 272 : index
          %swap3A_825 = tpu.vector_load %arg10[%swap3A_823, %swap3A_824] {strides = array<i32>} : memref<2x512xi32, #tpu.memory_space<vmem>>, vector<1x16xi32>,
          %swap3A_826 = vector.shape_cast %swap3A_825 : vector<1x16xi32> to vector<16xi32>
          %swap3A_827 = vector.shape_cast %add3A_821 : vector<16xi32> to vector<1x16xi32>
          tpu.vector_store %arg10[%swap3A_823, %swap3A_824], %swap3A_827 {strides = array<i32>} : memref<2x512xi32, #tpu.memory_space<vmem>>, vector<1x16xi32>,
          %get3A_828 = arith.constant 1 : i32
          %get3A_829 = arith.index_cast %get3A_828 : i32 to index
          %get3A_830 = arith.constant 288 : index
          %get3A_831 = tpu.vector_load %arg10[%get3A_829, %get3A_830] {strides = array<i32>} : memref<2x512xi32, #tpu.memory_space<vmem>>, vector<1x16xi32>,
          %get3A_832 = vector.shape_cast %get3A_831 : vector<1x16xi32> to vector<16xi32>
          %add3A_833 = vector.broadcast %mul3A_9 : i32 to vector<16xi32>
          %add3A_834 = arith.addi %get3A_832, %add3A_833 : vector<16xi32>
          %swap3A_835 = arith.constant 1 : i32
          %swap3A_836 = arith.index_cast %swap3A_835 : i32 to index
          %swap3A_837 = arith.constant 288 : index
          %swap3A_838 = tpu.vector_load %arg10[%swap3A_836, %swap3A_837] {strides = array<i32>} : memref<2x512xi32, #tpu.memory_space<vmem>>, vector<1x16xi32>,
          %swap3A_839 = vector.shape_cast %swap3A_838 : vector<1x16xi32> to vector<16xi32>
          %swap3A_840 = vector.shape_cast %add3A_834 : vector<16xi32> to vector<1x16xi32>
          tpu.vector_store %arg10[%swap3A_836, %swap3A_837], %swap3A_840 {strides = array<i32>} : memref<2x512xi32, #tpu.memory_space<vmem>>, vector<1x16xi32>,
          %get3A_841 = arith.constant 1 : i32
          %get3A_842 = arith.index_cast %get3A_841 : i32 to index
          %get3A_843 = arith.constant 304 : index
          %get3A_844 = tpu.vector_load %arg10[%get3A_842, %get3A_843] {strides = array<i32>} : memref<2x512xi32, #tpu.memory_space<vmem>>, vector<1x16xi32>,
          %get3A_845 = vector.shape_cast %get3A_844 : vector<1x16xi32> to vector<16xi32>
          %add3A_846 = vector.broadcast %mul3A_9 : i32 to vector<16xi32>
          %add3A_847 = arith.addi %get3A_845, %add3A_846 : vector<16xi32>
          %swap3A_848 = arith.constant 1 : i32
          %swap3A_849 = arith.index_cast %swap3A_848 : i32 to index
          %swap3A_850 = arith.constant 304 : index
          %swap3A_851 = tpu.vector_load %arg10[%swap3A_849, %swap3A_850] {strides = array<i32>} : memref<2x512xi32, #tpu.memory_space<vmem>>, vector<1x16xi32>,
          %swap3A_852 = vector.shape_cast %swap3A_851 : vector<1x16xi32> to vector<16xi32>
          %swap3A_853 = vector.shape_cast %add3A_847 : vector<16xi32> to vector<1x16xi32>
          tpu.vector_store %arg10[%swap3A_849, %swap3A_850], %swap3A_853 {strides = array<i32>} : memref<2x512xi32, #tpu.memory_space<vmem>>, vector<1x16xi32>,
          %get3A_854 = arith.constant 1 : i32
          %get3A_855 = arith.index_cast %get3A_854 : i32 to index
          %get3A_856 = arith.constant 320 : index
          %get3A_857 = tpu.vector_load %arg10[%get3A_855, %get3A_856] {strides = array<i32>} : memref<2x512xi32, #tpu.memory_space<vmem>>, vector<1x16xi32>,
          %get3A_858 = vector.shape_cast %get3A_857 : vector<1x16xi32> to vector<16xi32>
          %add3A_859 = vector.broadcast %mul3A_9 : i32 to vector<16xi32>
          %add3A_860 = arith.addi %get3A_858, %add3A_859 : vector<16xi32>
          %swap3A_861 = arith.constant 1 : i32
          %swap3A_862 = arith.index_cast %swap3A_861 : i32 to index
          %swap3A_863 = arith.constant 320 : index
          %swap3A_864 = tpu.vector_load %arg10[%swap3A_862, %swap3A_863] {strides = array<i32>} : memref<2x512xi32, #tpu.memory_space<vmem>>, vector<1x16xi32>,
          %swap3A_865 = vector.shape_cast %swap3A_864 : vector<1x16xi32> to vector<16xi32>
          %swap3A_866 = vector.shape_cast %add3A_860 : vector<16xi32> to vector<1x16xi32>
          tpu.vector_store %arg10[%swap3A_862, %swap3A_863], %swap3A_866 {strides = array<i32>} : memref<2x512xi32, #tpu.memory_space<vmem>>, vector<1x16xi32>,
          %get3A_867 = arith.constant 1 : i32
          %get3A_868 = arith.index_cast %get3A_867 : i32 to index
          %get3A_869 = arith.constant 336 : index
          %get3A_870 = tpu.vector_load %arg10[%get3A_868, %get3A_869] {strides = array<i32>} : memref<2x512xi32, #tpu.memory_space<vmem>>, vector<1x16xi32>,
          %get3A_871 = vector.shape_cast %get3A_870 : vector<1x16xi32> to vector<16xi32>
          %add3A_872 = vector.broadcast %mul3A_9 : i32 to vector<16xi32>
          %add3A_873 = arith.addi %get3A_871, %add3A_872 : vector<16xi32>
          %swap3A_874 = arith.constant 1 : i32
          %swap3A_875 = arith.index_cast %swap3A_874 : i32 to index
          %swap3A_876 = arith.constant 336 : index
          %swap3A_877 = tpu.vector_load %arg10[%swap3A_875, %swap3A_876] {strides = array<i32>} : memref<2x512xi32, #tpu.memory_space<vmem>>, vector<1x16xi32>,
          %swap3A_878 = vector.shape_cast %swap3A_877 : vector<1x16xi32> to vector<16xi32>
          %swap3A_879 = vector.shape_cast %add3A_873 : vector<16xi32> to vector<1x16xi32>
          tpu.vector_store %arg10[%swap3A_875, %swap3A_876], %swap3A_879 {strides = array<i32>} : memref<2x512xi32, #tpu.memory_space<vmem>>, vector<1x16xi32>,
          %get3A_880 = arith.constant 1 : i32
          %get3A_881 = arith.index_cast %get3A_880 : i32 to index
          %get3A_882 = arith.constant 352 : index
          %get3A_883 = tpu.vector_load %arg10[%get3A_881, %get3A_882] {strides = array<i32>} : memref<2x512xi32, #tpu.memory_space<vmem>>, vector<1x16xi32>,
          %get3A_884 = vector.shape_cast %get3A_883 : vector<1x16xi32> to vector<16xi32>
          %add3A_885 = vector.broadcast %mul3A_9 : i32 to vector<16xi32>
          %add3A_886 = arith.addi %get3A_884, %add3A_885 : vector<16xi32>
          %swap3A_887 = arith.constant 1 : i32
          %swap3A_888 = arith.index_cast %swap3A_887 : i32 to index
          %swap3A_889 = arith.constant 352 : index
          %swap3A_890 = tpu.vector_load %arg10[%swap3A_888, %swap3A_889] {strides = array<i32>} : memref<2x512xi32, #tpu.memory_space<vmem>>, vector<1x16xi32>,
          %swap3A_891 = vector.shape_cast %swap3A_890 : vector<1x16xi32> to vector<16xi32>
          %swap3A_892 = vector.shape_cast %add3A_886 : vector<16xi32> to vector<1x16xi32>
          tpu.vector_store %arg10[%swap3A_888, %swap3A_889], %swap3A_892 {strides = array<i32>} : memref<2x512xi32, #tpu.memory_space<vmem>>, vector<1x16xi32>,
          %get3A_893 = arith.constant 1 : i32
          %get3A_894 = arith.index_cast %get3A_893 : i32 to index
          %get3A_895 = arith.constant 368 : index
          %get3A_896 = tpu.vector_load %arg10[%get3A_894, %get3A_895] {strides = array<i32>} : memref<2x512xi32, #tpu.memory_space<vmem>>, vector<1x16xi32>,
          %get3A_897 = vector.shape_cast %get3A_896 : vector<1x16xi32> to vector<16xi32>
          %add3A_898 = vector.broadcast %mul3A_9 : i32 to vector<16xi32>
          %add3A_899 = arith.addi %get3A_897, %add3A_898 : vector<16xi32>
          %swap3A_900 = arith.constant 1 : i32
          %swap3A_901 = arith.index_cast %swap3A_900 : i32 to index
          %swap3A_902 = arith.constant 368 : index
          %swap3A_903 = tpu.vector_load %arg10[%swap3A_901, %swap3A_902] {strides = array<i32>} : memref<2x512xi32, #tpu.memory_space<vmem>>, vector<1x16xi32>,
          %swap3A_904 = vector.shape_cast %swap3A_903 : vector<1x16xi32> to vector<16xi32>
          %swap3A_905 = vector.shape_cast %add3A_899 : vector<16xi32> to vector<1x16xi32>
          tpu.vector_store %arg10[%swap3A_901, %swap3A_902], %swap3A_905 {strides = array<i32>} : memref<2x512xi32, #tpu.memory_space<vmem>>, vector<1x16xi32>,
          %get3A_906 = arith.constant 1 : i32
          %get3A_907 = arith.index_cast %get3A_906 : i32 to index
          %get3A_908 = arith.constant 384 : index
          %get3A_909 = tpu.vector_load %arg10[%get3A_907, %get3A_908] {strides = array<i32>} : memref<2x512xi32, #tpu.memory_space<vmem>>, vector<1x16xi32>,
          %get3A_910 = vector.shape_cast %get3A_909 : vector<1x16xi32> to vector<16xi32>
          %add3A_911 = vector.broadcast %mul3A_9 : i32 to vector<16xi32>
          %add3A_912 = arith.addi %get3A_910, %add3A_911 : vector<16xi32>
          %swap3A_913 = arith.constant 1 : i32
          %swap3A_914 = arith.index_cast %swap3A_913 : i32 to index
          %swap3A_915 = arith.constant 384 : index
          %swap3A_916 = tpu.vector_load %arg10[%swap3A_914, %swap3A_915] {strides = array<i32>} : memref<2x512xi32, #tpu.memory_space<vmem>>, vector<1x16xi32>,
          %swap3A_917 = vector.shape_cast %swap3A_916 : vector<1x16xi32> to vector<16xi32>
          %swap3A_918 = vector.shape_cast %add3A_912 : vector<16xi32> to vector<1x16xi32>
          tpu.vector_store %arg10[%swap3A_914, %swap3A_915], %swap3A_918 {strides = array<i32>} : memref<2x512xi32, #tpu.memory_space<vmem>>, vector<1x16xi32>,
          %get3A_919 = arith.constant 1 : i32
          %get3A_920 = arith.index_cast %get3A_919 : i32 to index
          %get3A_921 = arith.constant 400 : index
          %get3A_922 = tpu.vector_load %arg10[%get3A_920, %get3A_921] {strides = array<i32>} : memref<2x512xi32, #tpu.memory_space<vmem>>, vector<1x16xi32>,
          %get3A_923 = vector.shape_cast %get3A_922 : vector<1x16xi32> to vector<16xi32>
          %add3A_924 = vector.broadcast %mul3A_9 : i32 to vector<16xi32>
          %add3A_925 = arith.addi %get3A_923, %add3A_924 : vector<16xi32>
          %swap3A_926 = arith.constant 1 : i32
          %swap3A_927 = arith.index_cast %swap3A_926 : i32 to index
          %swap3A_928 = arith.constant 400 : index
          %swap3A_929 = tpu.vector_load %arg10[%swap3A_927, %swap3A_928] {strides = array<i32>} : memref<2x512xi32, #tpu.memory_space<vmem>>, vector<1x16xi32>,
          %swap3A_930 = vector.shape_cast %swap3A_929 : vector<1x16xi32> to vector<16xi32>
          %swap3A_931 = vector.shape_cast %add3A_925 : vector<16xi32> to vector<1x16xi32>
          tpu.vector_store %arg10[%swap3A_927, %swap3A_928], %swap3A_931 {strides = array<i32>} : memref<2x512xi32, #tpu.memory_space<vmem>>, vector<1x16xi32>,
          %get3A_932 = arith.constant 1 : i32
          %get3A_933 = arith.index_cast %get3A_932 : i32 to index
          %get3A_934 = arith.constant 416 : index
          %get3A_935 = tpu.vector_load %arg10[%get3A_933, %get3A_934] {strides = array<i32>} : memref<2x512xi32, #tpu.memory_space<vmem>>, vector<1x16xi32>,
          %get3A_936 = vector.shape_cast %get3A_935 : vector<1x16xi32> to vector<16xi32>
          %add3A_937 = vector.broadcast %mul3A_9 : i32 to vector<16xi32>
          %add3A_938 = arith.addi %get3A_936, %add3A_937 : vector<16xi32>
          %swap3A_939 = arith.constant 1 : i32
          %swap3A_940 = arith.index_cast %swap3A_939 : i32 to index
          %swap3A_941 = arith.constant 416 : index
          %swap3A_942 = tpu.vector_load %arg10[%swap3A_940, %swap3A_941] {strides = array<i32>} : memref<2x512xi32, #tpu.memory_space<vmem>>, vector<1x16xi32>,
          %swap3A_943 = vector.shape_cast %swap3A_942 : vector<1x16xi32> to vector<16xi32>
          %swap3A_944 = vector.shape_cast %add3A_938 : vector<16xi32> to vector<1x16xi32>
          tpu.vector_store %arg10[%swap3A_940, %swap3A_941], %swap3A_944 {strides = array<i32>} : memref<2x512xi32, #tpu.memory_space<vmem>>, vector<1x16xi32>,
          %get3A_945 = arith.constant 1 : i32
          %get3A_946 = arith.index_cast %get3A_945 : i32 to index
          %get3A_947 = arith.constant 432 : index
          %get3A_948 = tpu.vector_load %arg10[%get3A_946, %get3A_947] {strides = array<i32>} : memref<2x512xi32, #tpu.memory_space<vmem>>, vector<1x16xi32>,
          %get3A_949 = vector.shape_cast %get3A_948 : vector<1x16xi32> to vector<16xi32>
          %add3A_950 = vector.broadcast %mul3A_9 : i32 to vector<16xi32>
          %add3A_951 = arith.addi %get3A_949, %add3A_950 : vector<16xi32>
          %swap3A_952 = arith.constant 1 : i32
          %swap3A_953 = arith.index_cast %swap3A_952 : i32 to index
          %swap3A_954 = arith.constant 432 : index
          %swap3A_955 = tpu.vector_load %arg10[%swap3A_953, %swap3A_954] {strides = array<i32>} : memref<2x512xi32, #tpu.memory_space<vmem>>, vector<1x16xi32>,
          %swap3A_956 = vector.shape_cast %swap3A_955 : vector<1x16xi32> to vector<16xi32>
          %swap3A_957 = vector.shape_cast %add3A_951 : vector<16xi32> to vector<1x16xi32>
          tpu.vector_store %arg10[%swap3A_953, %swap3A_954], %swap3A_957 {strides = array<i32>} : memref<2x512xi32, #tpu.memory_space<vmem>>, vector<1x16xi32>,
          %get3A_958 = arith.constant 1 : i32
          %get3A_959 = arith.index_cast %get3A_958 : i32 to index
          %get3A_960 = arith.constant 448 : index
          %get3A_961 = tpu.vector_load %arg10[%get3A_959, %get3A_960] {strides = array<i32>} : memref<2x512xi32, #tpu.memory_space<vmem>>, vector<1x16xi32>,
          %get3A_962 = vector.shape_cast %get3A_961 : vector<1x16xi32> to vector<16xi32>
          %add3A_963 = vector.broadcast %mul3A_9 : i32 to vector<16xi32>
          %add3A_964 = arith.addi %get3A_962, %add3A_963 : vector<16xi32>
          %swap3A_965 = arith.constant 1 : i32
          %swap3A_966 = arith.index_cast %swap3A_965 : i32 to index
          %swap3A_967 = arith.constant 448 : index
          %swap3A_968 = tpu.vector_load %arg10[%swap3A_966, %swap3A_967] {strides = array<i32>} : memref<2x512xi32, #tpu.memory_space<vmem>>, vector<1x16xi32>,
          %swap3A_969 = vector.shape_cast %swap3A_968 : vector<1x16xi32> to vector<16xi32>
          %swap3A_970 = vector.shape_cast %add3A_964 : vector<16xi32> to vector<1x16xi32>
          tpu.vector_store %arg10[%swap3A_966, %swap3A_967], %swap3A_970 {strides = array<i32>} : memref<2x512xi32, #tpu.memory_space<vmem>>, vector<1x16xi32>,
          %get3A_971 = arith.constant 1 : i32
          %get3A_972 = arith.index_cast %get3A_971 : i32 to index
          %get3A_973 = arith.constant 464 : index
          %get3A_974 = tpu.vector_load %arg10[%get3A_972, %get3A_973] {strides = array<i32>} : memref<2x512xi32, #tpu.memory_space<vmem>>, vector<1x16xi32>,
          %get3A_975 = vector.shape_cast %get3A_974 : vector<1x16xi32> to vector<16xi32>
          %add3A_976 = vector.broadcast %mul3A_9 : i32 to vector<16xi32>
          %add3A_977 = arith.addi %get3A_975, %add3A_976 : vector<16xi32>
          %swap3A_978 = arith.constant 1 : i32
          %swap3A_979 = arith.index_cast %swap3A_978 : i32 to index
          %swap3A_980 = arith.constant 464 : index
          %swap3A_981 = tpu.vector_load %arg10[%swap3A_979, %swap3A_980] {strides = array<i32>} : memref<2x512xi32, #tpu.memory_space<vmem>>, vector<1x16xi32>,
          %swap3A_982 = vector.shape_cast %swap3A_981 : vector<1x16xi32> to vector<16xi32>
          %swap3A_983 = vector.shape_cast %add3A_977 : vector<16xi32> to vector<1x16xi32>
          tpu.vector_store %arg10[%swap3A_979, %swap3A_980], %swap3A_983 {strides = array<i32>} : memref<2x512xi32, #tpu.memory_space<vmem>>, vector<1x16xi32>,
          %get3A_984 = arith.constant 1 : i32
          %get3A_985 = arith.index_cast %get3A_984 : i32 to index
          %get3A_986 = arith.constant 480 : index
          %get3A_987 = tpu.vector_load %arg10[%get3A_985, %get3A_986] {strides = array<i32>} : memref<2x512xi32, #tpu.memory_space<vmem>>, vector<1x16xi32>,
          %get3A_988 = vector.shape_cast %get3A_987 : vector<1x16xi32> to vector<16xi32>
          %add3A_989 = vector.broadcast %mul3A_9 : i32 to vector<16xi32>
          %add3A_990 = arith.addi %get3A_988, %add3A_989 : vector<16xi32>
          %swap3A_991 = arith.constant 1 : i32
          %swap3A_992 = arith.index_cast %swap3A_991 : i32 to index
          %swap3A_993 = arith.constant 480 : index
          %swap3A_994 = tpu.vector_load %arg10[%swap3A_992, %swap3A_993] {strides = array<i32>} : memref<2x512xi32, #tpu.memory_space<vmem>>, vector<1x16xi32>,
          %swap3A_995 = vector.shape_cast %swap3A_994 : vector<1x16xi32> to vector<16xi32>
          %swap3A_996 = vector.shape_cast %add3A_990 : vector<16xi32> to vector<1x16xi32>
          tpu.vector_store %arg10[%swap3A_992, %swap3A_993], %swap3A_996 {strides = array<i32>} : memref<2x512xi32, #tpu.memory_space<vmem>>, vector<1x16xi32>,
          %get3A_997 = arith.constant 1 : i32
          %get3A_998 = arith.index_cast %get3A_997 : i32 to index
          %get3A_999 = arith.constant 496 : index
          %get3A_1000 = tpu.vector_load %arg10[%get3A_998, %get3A_999] {strides = array<i32>} : memref<2x512xi32, #tpu.memory_space<vmem>>, vector<1x16xi32>,
          %get3A_1001 = vector.shape_cast %get3A_1000 : vector<1x16xi32> to vector<16xi32>
          %add3A_1002 = vector.broadcast %mul3A_9 : i32 to vector<16xi32>
          %add3A_1003 = arith.addi %get3A_1001, %add3A_1002 : vector<16xi32>
          %swap3A_1004 = arith.constant 1 : i32
          %swap3A_1005 = arith.index_cast %swap3A_1004 : i32 to index
          %swap3A_1006 = arith.constant 496 : index
          %swap3A_1007 = tpu.vector_load %arg10[%swap3A_1005, %swap3A_1006] {strides = array<i32>} : memref<2x512xi32, #tpu.memory_space<vmem>>, vector<1x16xi32>,
          %swap3A_1008 = vector.shape_cast %swap3A_1007 : vector<1x16xi32> to vector<16xi32>
          %swap3A_1009 = vector.shape_cast %add3A_1003 : vector<16xi32> to vector<1x16xi32>
          tpu.vector_store %arg10[%swap3A_1005, %swap3A_1006], %swap3A_1009 {strides = array<i32>} : memref<2x512xi32, #tpu.memory_space<vmem>>, vector<1x16xi32>,
          %dma_start3A_1010 = arith.constant 1 : i32
          %dma_start3A_1011 = arith.constant 0 : i32
          %dma_start3A_1012 = tpu.memref_slice %arg10[%dma_start3A_1010, %dma_start3A_1011] : memref<2x512xi32, #tpu.memory_space<vmem>> -> memref<1x512xi32, #tpu.memory_space<vmem>>
          %dma_start3A_1013 = tpu.memref_squeeze %dma_start3A_1012 : memref<1x512xi32, #tpu.memory_space<vmem>> -> memref<512xi32, #tpu.memory_space<vmem>>
          %dma_start3A_1014 = arith.constant 0 : i32
          %dma_start3A_1015 = arith.constant 0 : i32
          %dma_start3A_1016 = tpu.memref_slice %arg3[%dma_start3A_1014, %dma_start3A_1015] : memref<20000x64xf32, #tpu.memory_space<hbm>> -> memref<20000x64xf32, #tpu.memory_space<hbm>>
          tpu.enqueue_indirect_dma source(%dma_start3A_1016 : memref<20000x64xf32, #tpu.memory_space<hbm>>) target(%arg12 : memref<512x64xf32, #tpu.memory_space<vmem>>) offsets(%dma_start3A_1013 : memref<512xi32, #tpu.memory_space<vmem>>) semaphore(%arg22 : memref<!tpu.dma_semaphore, #tpu.memory_space<semaphore_mem>>)
        } else {
        }
        %dma_wait3A_568 = arith.constant 0 : i32
        %dma_wait3A_569 = arith.constant 0 : i32
        %dma_wait3A_570 = tpu.memref_slice %arg11[%dma_wait3A_568, %dma_wait3A_569] : memref<2x512xi32, #tpu.memory_space<vmem>> -> memref<1x512xi32, #tpu.memory_space<vmem>>
        %dma_wait3A_571 = tpu.memref_squeeze %dma_wait3A_570 : memref<1x512xi32, #tpu.memory_space<vmem>> -> memref<512xi32, #tpu.memory_space<vmem>>
        %dma_wait3A_572 = arith.constant 0 : i32
        %dma_wait3A_573 = arith.constant 0 : i32
        %dma_wait3A_574 = tpu.memref_slice %arg18[%dma_wait3A_572, %dma_wait3A_573] : memref<10240x64xf32, #tpu.memory_space<vmem_shared>> -> memref<10240x64xf32, #tpu.memory_space<vmem_shared>>
        tpu.wait_indirect_dma semaphore(%arg25 : memref<!tpu.dma_semaphore, #tpu.memory_space<semaphore_mem>>) src(%arg13 : memref<512x64xf32, #tpu.memory_space<vmem>>) dst(%dma_wait3A_574 : memref<10240x64xf32, #tpu.memory_space<vmem_shared>>)
        %convert_element_type3A_575 = arith.extui %and3A : i1 to i32
        %cond3A_576 = arith.constant 0 : i32
        %cond3A_577 = arith.cmpi ne, %convert_element_type3A_575, %cond3A_576 : i32
        scf.if %cond3A_577 {
          %dma_wait3A_585 = arith.constant 0 : i32
          %dma_wait3A_586 = arith.constant 0 : i32
          %dma_wait3A_587 = tpu.memref_slice %arg11[%dma_wait3A_585, %dma_wait3A_586] : memref<2x512xi32, #tpu.memory_space<vmem>> -> memref<1x512xi32, #tpu.memory_space<vmem>>
          %dma_wait3A_588 = tpu.memref_squeeze %dma_wait3A_587 : memref<1x512xi32, #tpu.memory_space<vmem>> -> memref<512xi32, #tpu.memory_space<vmem>>
          %dma_wait3A_589 = arith.constant 0 : i32
          %dma_wait3A_590 = arith.constant 0 : i32
          %dma_wait3A_591 = tpu.memref_slice %arg19[%dma_wait3A_589, %dma_wait3A_590] : memref<10240x16xf32, #tpu.memory_space<vmem_shared>> -> memref<10240x16xf32, #tpu.memory_space<vmem_shared>>
          tpu.wait_indirect_dma semaphore(%arg25 : memref<!tpu.dma_semaphore, #tpu.memory_space<semaphore_mem>>) src(%arg15 : memref<512x16xf32, #tpu.memory_space<vmem>>) dst(%dma_wait3A_591 : memref<10240x16xf32, #tpu.memory_space<vmem_shared>>)
        } else {
        }
        %add3A_578 = arith.constant 2 : i32
        %add3A_579 = arith.addi %add3A_535, %add3A_578 : i32
        %lt3A_580 = arith.constant 39 : i32
        %lt3A_581 = arith.cmpi slt, %add3A_579, %lt3A_580 : i32
        %convert_element_type3A_582 = arith.extui %lt3A_581 : i1 to i32
        %cond3A_583 = arith.constant 0 : i32
        %cond3A_584 = arith.cmpi ne, %convert_element_type3A_582, %cond3A_583 : i32
        scf.if %cond3A_584 {
          %add3A_585 = arith.constant 2 : i32
          %add3A_586 = arith.addi %add3A_535, %add3A_585 : i32
          %mul3A_587 = arith.constant 512 : i32
          %mul3A_588 = arith.muli %add3A_586, %mul3A_587 : i32
          %add3A_589 = arith.addi %mul3A_0, %mul3A_588 : i32
          %dma_start3A_590 = arith.constant 0 : i32
          %dma_start3A_591 = tpu.memref_slice %arg2[%dma_start3A_590, %add3A_589] : memref<2x320000xi32, #tpu.memory_space<hbm>> -> memref<2x512xi32, #tpu.memory_space<hbm>>
          %dma_start3A_592 = arith.constant 0 : i32
          %dma_start3A_593 = tpu.memref_slice %arg2[%dma_start3A_592, %add3A_589] : memref<2x320000xi32, #tpu.memory_space<hbm>> -> memref<2x512xi32, #tpu.memory_space<hbm>>
          tpu.enqueue_dma source(%dma_start3A_593 : memref<2x512xi32, #tpu.memory_space<hbm>>) target(%arg11 : memref<2x512xi32, #tpu.memory_space<vmem>>) target_semaphore(%arg21 : memref<!tpu.dma_semaphore, #tpu.memory_space<semaphore_mem>>)
        } else {
        }
      } else {
      }
    }
    %scan3A_445 = arith.constant 20 : i32
    %add3A_446 = arith.constant 19968 : i32
    %add3A_447 = arith.addi %mul3A_0, %add3A_446 : i32
    "tpu.region"() ({
      %run_scoped3A_523 = tpu.sem_alloc : memref<!tpu.dma_semaphore, #tpu.memory_space<semaphore_mem>>
      %dma_start3A_524 = arith.constant 0 : i32
      %dma_start3A_525 = tpu.memref_slice %arg2[%dma_start3A_524, %add3A_447] : memref<2x320000xi32, #tpu.memory_space<hbm>> -> memref<2x32xi32, #tpu.memory_space<hbm>>
      %dma_start3A_526 = arith.constant 0 : i32
      %dma_start3A_527 = tpu.memref_slice %arg2[%dma_start3A_526, %add3A_447] : memref<2x320000xi32, #tpu.memory_space<hbm>> -> memref<2x32xi32, #tpu.memory_space<hbm>>
      tpu.enqueue_dma source(%dma_start3A_527 : memref<2x32xi32, #tpu.memory_space<hbm>>) target(%arg14 : memref<2x32xi32, #tpu.memory_space<vmem>>) target_semaphore(%run_scoped3A_523 : memref<!tpu.dma_semaphore, #tpu.memory_space<semaphore_mem>>)
      %dma_wait3A_528 = arith.constant 0 : i32
      %dma_wait3A_529 = tpu.memref_slice %arg2[%dma_wait3A_528, %add3A_447] : memref<2x320000xi32, #tpu.memory_space<hbm>> -> memref<2x32xi32, #tpu.memory_space<hbm>>
      %dma_wait3A_530 = arith.constant 0 : i32
      %dma_wait3A_531 = tpu.memref_slice %arg2[%dma_wait3A_530, %add3A_447] : memref<2x320000xi32, #tpu.memory_space<hbm>> -> memref<2x32xi32, #tpu.memory_space<hbm>>
      tpu.wait_dma2 semaphore(%run_scoped3A_523 : memref<!tpu.dma_semaphore, #tpu.memory_space<semaphore_mem>>) src(%dma_wait3A_531 : memref<2x32xi32, #tpu.memory_space<hbm>>) dst(%arg14 : memref<2x32xi32, #tpu.memory_space<vmem>>)
      tpu.yield
    }) : () -> ()
    %get3A_448 = arith.constant 1 : i32
    %get3A_449 = arith.index_cast %get3A_448 : i32 to index
    %get3A_450 = arith.constant 0 : index
    %get3A_451 = tpu.vector_load %arg14[%get3A_449, %get3A_450] {strides = array<i32>} : memref<2x32xi32, #tpu.memory_space<vmem>>, vector<1x16xi32>,
    %get3A_452 = vector.shape_cast %get3A_451 : vector<1x16xi32> to vector<16xi32>
    %add3A_453 = vector.broadcast %mul3A_9 : i32 to vector<16xi32>
    %add3A_454 = arith.addi %get3A_452, %add3A_453 : vector<16xi32>
    %swap3A_455 = arith.constant 1 : i32
    %swap3A_456 = arith.index_cast %swap3A_455 : i32 to index
    %swap3A_457 = arith.constant 0 : index
    %swap3A_458 = tpu.vector_load %arg14[%swap3A_456, %swap3A_457] {strides = array<i32>} : memref<2x32xi32, #tpu.memory_space<vmem>>, vector<1x16xi32>,
    %swap3A_459 = vector.shape_cast %swap3A_458 : vector<1x16xi32> to vector<16xi32>
    %swap3A_460 = vector.shape_cast %add3A_454 : vector<16xi32> to vector<1x16xi32>
    tpu.vector_store %arg14[%swap3A_456, %swap3A_457], %swap3A_460 {strides = array<i32>} : memref<2x32xi32, #tpu.memory_space<vmem>>, vector<1x16xi32>,
    %get3A_461 = arith.constant 1 : i32
    %get3A_462 = arith.index_cast %get3A_461 : i32 to index
    %get3A_463 = arith.constant 16 : index
    %get3A_464 = tpu.vector_load %arg14[%get3A_462, %get3A_463] {strides = array<i32>} : memref<2x32xi32, #tpu.memory_space<vmem>>, vector<1x16xi32>,
    %get3A_465 = vector.shape_cast %get3A_464 : vector<1x16xi32> to vector<16xi32>
    %add3A_466 = vector.broadcast %mul3A_9 : i32 to vector<16xi32>
    %add3A_467 = arith.addi %get3A_465, %add3A_466 : vector<16xi32>
    %swap3A_468 = arith.constant 1 : i32
    %swap3A_469 = arith.index_cast %swap3A_468 : i32 to index
    %swap3A_470 = arith.constant 16 : index
    %swap3A_471 = tpu.vector_load %arg14[%swap3A_469, %swap3A_470] {strides = array<i32>} : memref<2x32xi32, #tpu.memory_space<vmem>>, vector<1x16xi32>,
    %swap3A_472 = vector.shape_cast %swap3A_471 : vector<1x16xi32> to vector<16xi32>
    %swap3A_473 = vector.shape_cast %add3A_467 : vector<16xi32> to vector<1x16xi32>
    tpu.vector_store %arg14[%swap3A_469, %swap3A_470], %swap3A_473 {strides = array<i32>} : memref<2x32xi32, #tpu.memory_space<vmem>>, vector<1x16xi32>,
    %dma_start3A_474 = arith.constant 1 : i32
    %dma_start3A_475 = arith.constant 0 : i32
    %dma_start3A_476 = arith.constant 0 : i32
    %dma_start3A_477 = tpu.memref_slice %arg12[%dma_start3A_475, %dma_start3A_476] : memref<512x64xf32, #tpu.memory_space<vmem>> -> memref<32x64xf32, #tpu.memory_space<vmem>>
    %dma_start3A_478 = arith.constant 0 : i32
    %dma_start3A_479 = tpu.memref_slice %arg14[%dma_start3A_474, %dma_start3A_478] : memref<2x32xi32, #tpu.memory_space<vmem>> -> memref<1x32xi32, #tpu.memory_space<vmem>>
    %dma_start3A_480 = tpu.memref_squeeze %dma_start3A_479 : memref<1x32xi32, #tpu.memory_space<vmem>> -> memref<32xi32, #tpu.memory_space<vmem>>
    %dma_start3A_481 = arith.constant 0 : i32
    %dma_start3A_482 = arith.constant 0 : i32
    %dma_start3A_483 = tpu.memref_slice %arg3[%dma_start3A_481, %dma_start3A_482] : memref<20000x64xf32, #tpu.memory_space<hbm>> -> memref<20000x64xf32, #tpu.memory_space<hbm>>
    tpu.enqueue_indirect_dma source(%dma_start3A_483 : memref<20000x64xf32, #tpu.memory_space<hbm>>) target(%dma_start3A_477 : memref<32x64xf32, #tpu.memory_space<vmem>>) offsets(%dma_start3A_480 : memref<32xi32, #tpu.memory_space<vmem>>) semaphore(%arg22 : memref<!tpu.dma_semaphore, #tpu.memory_space<semaphore_mem>>)
    %dma_wait3A_484 = arith.constant 1 : i32
    %dma_wait3A_485 = arith.constant 0 : i32
    %dma_wait3A_486 = arith.constant 0 : i32
    %dma_wait3A_487 = tpu.memref_slice %arg12[%dma_wait3A_485, %dma_wait3A_486] : memref<512x64xf32, #tpu.memory_space<vmem>> -> memref<32x64xf32, #tpu.memory_space<vmem>>
    %dma_wait3A_488 = arith.constant 0 : i32
    %dma_wait3A_489 = tpu.memref_slice %arg14[%dma_wait3A_484, %dma_wait3A_488] : memref<2x32xi32, #tpu.memory_space<vmem>> -> memref<1x32xi32, #tpu.memory_space<vmem>>
    %dma_wait3A_490 = tpu.memref_squeeze %dma_wait3A_489 : memref<1x32xi32, #tpu.memory_space<vmem>> -> memref<32xi32, #tpu.memory_space<vmem>>
    %dma_wait3A_491 = arith.constant 0 : i32
    %dma_wait3A_492 = arith.constant 0 : i32
    %dma_wait3A_493 = tpu.memref_slice %arg3[%dma_wait3A_491, %dma_wait3A_492] : memref<20000x64xf32, #tpu.memory_space<hbm>> -> memref<20000x64xf32, #tpu.memory_space<hbm>>
    tpu.wait_indirect_dma semaphore(%arg22 : memref<!tpu.dma_semaphore, #tpu.memory_space<semaphore_mem>>) src(%dma_wait3A_493 : memref<20000x64xf32, #tpu.memory_space<hbm>>) dst(%dma_wait3A_487 : memref<32x64xf32, #tpu.memory_space<vmem>>)
    %run_scoped3A = arith.constant 0 : i32
    "tpu.region"() ({
      %run_scoped3A_523 = tpu.sem_alloc : memref<!tpu.dma_semaphore, #tpu.memory_space<semaphore_mem>>
      %dma_start3A_524 = arith.constant 0 : i32
      %dma_start3A_525 = arith.constant 0 : i32
      %dma_start3A_526 = tpu.memref_slice %arg12[%dma_start3A_524, %dma_start3A_525] : memref<512x64xf32, #tpu.memory_space<vmem>> -> memref<32x64xf32, #tpu.memory_space<vmem>>
      %dma_start3A_527 = arith.constant 0 : i32
      %dma_start3A_528 = tpu.memref_slice %arg14[%run_scoped3A, %dma_start3A_527] : memref<2x32xi32, #tpu.memory_space<vmem>> -> memref<1x32xi32, #tpu.memory_space<vmem>>
      %dma_start3A_529 = tpu.memref_squeeze %dma_start3A_528 : memref<1x32xi32, #tpu.memory_space<vmem>> -> memref<32xi32, #tpu.memory_space<vmem>>
      %dma_start3A_530 = arith.constant 0 : i32
      %dma_start3A_531 = arith.constant 0 : i32
      %dma_start3A_532 = tpu.memref_slice %arg18[%dma_start3A_530, %dma_start3A_531] : memref<10240x64xf32, #tpu.memory_space<vmem_shared>> -> memref<10240x64xf32, #tpu.memory_space<vmem_shared>>
      tpu.enqueue_indirect_dma source(%dma_start3A_526 : memref<32x64xf32, #tpu.memory_space<vmem>>) target(%dma_start3A_532 : memref<10240x64xf32, #tpu.memory_space<vmem_shared>>) offsets(%dma_start3A_529 : memref<32xi32, #tpu.memory_space<vmem>>) semaphore(%run_scoped3A_523 : memref<!tpu.dma_semaphore, #tpu.memory_space<semaphore_mem>>) {add = true}
      %dma_wait3A_533 = arith.constant 0 : i32
      %dma_wait3A_534 = arith.constant 0 : i32
      %dma_wait3A_535 = tpu.memref_slice %arg12[%dma_wait3A_533, %dma_wait3A_534] : memref<512x64xf32, #tpu.memory_space<vmem>> -> memref<32x64xf32, #tpu.memory_space<vmem>>
      %dma_wait3A_536 = arith.constant 0 : i32
      %dma_wait3A_537 = tpu.memref_slice %arg14[%run_scoped3A, %dma_wait3A_536] : memref<2x32xi32, #tpu.memory_space<vmem>> -> memref<1x32xi32, #tpu.memory_space<vmem>>
      %dma_wait3A_538 = tpu.memref_squeeze %dma_wait3A_537 : memref<1x32xi32, #tpu.memory_space<vmem>> -> memref<32xi32, #tpu.memory_space<vmem>>
      %dma_wait3A_539 = arith.constant 0 : i32
      %dma_wait3A_540 = arith.constant 0 : i32
      %dma_wait3A_541 = tpu.memref_slice %arg18[%dma_wait3A_539, %dma_wait3A_540] : memref<10240x64xf32, #tpu.memory_space<vmem_shared>> -> memref<10240x64xf32, #tpu.memory_space<vmem_shared>>
      tpu.wait_indirect_dma semaphore(%run_scoped3A_523 : memref<!tpu.dma_semaphore, #tpu.memory_space<semaphore_mem>>) src(%dma_wait3A_535 : memref<32x64xf32, #tpu.memory_space<vmem>>) dst(%dma_wait3A_541 : memref<10240x64xf32, #tpu.memory_space<vmem_shared>>)
      tpu.yield
    }) : () -> ()
    %eq3A = arith.constant 1 : i32
    %eq3A_494 = arith.cmpi eq, %arg0, %eq3A : i32
    %convert_element_type3A = arith.extui %eq3A_494 : i1 to i32
    %cond3A = arith.constant 0 : i32
    %cond3A_495 = arith.cmpi ne, %convert_element_type3A, %cond3A : i32
    scf.if %cond3A_495 {
      %run_scoped3A_523 = arith.constant 0 : i32
      "tpu.region"() ({
        %run_scoped3A_524 = tpu.sem_alloc : memref<!tpu.dma_semaphore, #tpu.memory_space<semaphore_mem>>
        %dma_start3A_525 = arith.constant 0 : i32
        %dma_start3A_526 = arith.constant 0 : i32
        %dma_start3A_527 = tpu.memref_slice %arg15[%dma_start3A_525, %dma_start3A_526] : memref<512x16xf32, #tpu.memory_space<vmem>> -> memref<32x16xf32, #tpu.memory_space<vmem>>
        %dma_start3A_528 = arith.constant 0 : i32
        %dma_start3A_529 = tpu.memref_slice %arg14[%run_scoped3A_523, %dma_start3A_528] : memref<2x32xi32, #tpu.memory_space<vmem>> -> memref<1x32xi32, #tpu.memory_space<vmem>>
        %dma_start3A_530 = tpu.memref_squeeze %dma_start3A_529 : memref<1x32xi32, #tpu.memory_space<vmem>> -> memref<32xi32, #tpu.memory_space<vmem>>
        %dma_start3A_531 = arith.constant 0 : i32
        %dma_start3A_532 = arith.constant 0 : i32
        %dma_start3A_533 = tpu.memref_slice %arg19[%dma_start3A_531, %dma_start3A_532] : memref<10240x16xf32, #tpu.memory_space<vmem_shared>> -> memref<10240x16xf32, #tpu.memory_space<vmem_shared>>
        tpu.enqueue_indirect_dma source(%dma_start3A_527 : memref<32x16xf32, #tpu.memory_space<vmem>>) target(%dma_start3A_533 : memref<10240x16xf32, #tpu.memory_space<vmem_shared>>) offsets(%dma_start3A_530 : memref<32xi32, #tpu.memory_space<vmem>>) semaphore(%run_scoped3A_524 : memref<!tpu.dma_semaphore, #tpu.memory_space<semaphore_mem>>) {add = true}
        %dma_wait3A_534 = arith.constant 0 : i32
        %dma_wait3A_535 = arith.constant 0 : i32
        %dma_wait3A_536 = tpu.memref_slice %arg15[%dma_wait3A_534, %dma_wait3A_535] : memref<512x16xf32, #tpu.memory_space<vmem>> -> memref<32x16xf32, #tpu.memory_space<vmem>>
        %dma_wait3A_537 = arith.constant 0 : i32
        %dma_wait3A_538 = tpu.memref_slice %arg14[%run_scoped3A_523, %dma_wait3A_537] : memref<2x32xi32, #tpu.memory_space<vmem>> -> memref<1x32xi32, #tpu.memory_space<vmem>>
        %dma_wait3A_539 = tpu.memref_squeeze %dma_wait3A_538 : memref<1x32xi32, #tpu.memory_space<vmem>> -> memref<32xi32, #tpu.memory_space<vmem>>
        %dma_wait3A_540 = arith.constant 0 : i32
        %dma_wait3A_541 = arith.constant 0 : i32
        %dma_wait3A_542 = tpu.memref_slice %arg19[%dma_wait3A_540, %dma_wait3A_541] : memref<10240x16xf32, #tpu.memory_space<vmem_shared>> -> memref<10240x16xf32, #tpu.memory_space<vmem_shared>>
        tpu.wait_indirect_dma semaphore(%run_scoped3A_524 : memref<!tpu.dma_semaphore, #tpu.memory_space<semaphore_mem>>) src(%dma_wait3A_536 : memref<32x16xf32, #tpu.memory_space<vmem>>) dst(%dma_wait3A_542 : memref<10240x16xf32, #tpu.memory_space<vmem_shared>>)
        tpu.yield
      }) : () -> ()
    } else {
    }
    %barrier3A_496 = arith.constant 0 : index
    tpu.barrier barrier_id(%barrier3A_496)
    %dma_start3A_497 = arith.constant 0 : i32
    %dma_start3A_498 = tpu.memref_slice %arg7[%arg0, %mul3A_2, %dma_start3A_497] : memref<2x10240x64xf32, #tpu.memory_space<hbm>> -> memref<1x640x64xf32, #tpu.memory_space<hbm>>
    %dma_start3A_499 = tpu.memref_squeeze %dma_start3A_498 : memref<1x640x64xf32, #tpu.memory_space<hbm>> -> memref<640x64xf32, #tpu.memory_space<hbm>>
    %dma_start3A_500 = arith.constant 0 : i32
    %dma_start3A_501 = tpu.memref_slice %arg18[%mul3A_2, %dma_start3A_500] : memref<10240x64xf32, #tpu.memory_space<vmem_shared>> -> memref<640x64xf32, #tpu.memory_space<vmem_shared>>
    tpu.enqueue_dma source(%dma_start3A_501 : memref<640x64xf32, #tpu.memory_space<vmem_shared>>) target(%dma_start3A_499 : memref<640x64xf32, #tpu.memory_space<hbm>>) target_semaphore(%arg22 : memref<!tpu.dma_semaphore, #tpu.memory_space<semaphore_mem>>)
    %iota3A = tpu.iota {dimensions = array<i32: 0>} : vector<16xi32>
    %scan3A_502 = arith.constant 0 : i32
    %scan3A_503 = arith.constant 0 : i32
    %scan3A_504 = arith.constant 4 : i32
    %scan3A_505 = arith.addi %scan3A_503, %scan3A_504 : i32
    %scan3A_506 = arith.constant 1 : i32
    scf.for %scan3A_523 = %scan3A_503 to %scan3A_505 step %scan3A_506  : i32 {
      %mul3A_524 = arith.constant 640 : i32
      %mul3A_525 = arith.muli %arg1, %mul3A_524 : i32
      %mul3A_526 = arith.constant 160 : i32
      %mul3A_527 = arith.muli %scan3A_523, %mul3A_526 : i32
      %add3A_528 = arith.addi %mul3A_525, %mul3A_527 : i32
      "tpu.region"() ({
        %run_scoped3A_535 = tpu.sem_alloc : memref<!tpu.dma_semaphore, #tpu.memory_space<semaphore_mem>>
        %dma_start3A_536 = arith.constant 0 : i32
        %dma_start3A_537 = tpu.memref_slice %arg19[%add3A_528, %dma_start3A_536] : memref<10240x16xf32, #tpu.memory_space<vmem_shared>> -> memref<160x16xf32, #tpu.memory_space<vmem_shared>>
        %dma_start3A_538 = arith.constant 0 : i32
        %dma_start3A_539 = tpu.memref_slice %arg19[%add3A_528, %dma_start3A_538] : memref<10240x16xf32, #tpu.memory_space<vmem_shared>> -> memref<160x16xf32, #tpu.memory_space<vmem_shared>>
        tpu.enqueue_dma source(%dma_start3A_539 : memref<160x16xf32, #tpu.memory_space<vmem_shared>>) target(%arg16 : memref<160x16xf32, #tpu.memory_space<vmem>>) target_semaphore(%run_scoped3A_535 : memref<!tpu.dma_semaphore, #tpu.memory_space<semaphore_mem>>)
        %dma_wait3A_540 = arith.constant 0 : i32
        %dma_wait3A_541 = tpu.memref_slice %arg19[%add3A_528, %dma_wait3A_540] : memref<10240x16xf32, #tpu.memory_space<vmem_shared>> -> memref<160x16xf32, #tpu.memory_space<vmem_shared>>
        %dma_wait3A_542 = arith.constant 0 : i32
        %dma_wait3A_543 = tpu.memref_slice %arg19[%add3A_528, %dma_wait3A_542] : memref<10240x16xf32, #tpu.memory_space<vmem_shared>> -> memref<160x16xf32, #tpu.memory_space<vmem_shared>>
        tpu.wait_dma2 semaphore(%run_scoped3A_535 : memref<!tpu.dma_semaphore, #tpu.memory_space<semaphore_mem>>) src(%dma_wait3A_543 : memref<160x16xf32, #tpu.memory_space<vmem_shared>>) dst(%arg16 : memref<160x16xf32, #tpu.memory_space<vmem>>)
        tpu.yield
      }) : () -> ()
      %scan3A_529 = arith.constant 0 : i32
      %scan3A_530 = arith.constant 0 : i32
      %scan3A_531 = arith.constant 10 : i32
      %scan3A_532 = arith.addi %scan3A_530, %scan3A_531 : i32
      %scan3A_533 = arith.constant 1 : i32
      scf.for %scan3A_535 = %scan3A_530 to %scan3A_532 step %scan3A_533  : i32 {
        %mul3A_536 = arith.constant 16 : i32
        %mul3A_537 = arith.muli %scan3A_535, %mul3A_536 : i32
        %get3A_538 = arith.index_cast %mul3A_537 : i32 to index
        %get3A_539 = arith.constant 0 : index
        %get3A_540 = tpu.vector_load %arg16[%get3A_538, %get3A_539] {strides = array<i32>} : memref<160x16xf32, #tpu.memory_space<vmem>>, vector<1x16xf32>,
        %get3A_541 = vector.shape_cast %get3A_540 : vector<1x16xf32> to vector<16xf32>
        %eq3A_542 = arith.constant 1 : i32
        %eq3A_543 = vector.broadcast %eq3A_542 : i32 to vector<16xi32>
        %eq3A_544 = arith.cmpi eq, %iota3A, %eq3A_543 : vector<16xi32>
        %add3A_545 = arith.constant 1 : i32
        %add3A_546 = arith.addi %mul3A_537, %add3A_545 : i32
        %get3A_547 = arith.index_cast %add3A_546 : i32 to index
        %get3A_548 = arith.constant 0 : index
        %get3A_549 = tpu.vector_load %arg16[%get3A_547, %get3A_548] {strides = array<i32>} : memref<160x16xf32, #tpu.memory_space<vmem>>, vector<1x16xf32>,
        %get3A_550 = vector.shape_cast %get3A_549 : vector<1x16xf32> to vector<16xf32>
        %select_n3A = arith.select %eq3A_544, %get3A_550, %get3A_541 : vector<16xi1>, vector<16xf32>
        %eq3A_551 = arith.constant 2 : i32
        %eq3A_552 = vector.broadcast %eq3A_551 : i32 to vector<16xi32>
        %eq3A_553 = arith.cmpi eq, %iota3A, %eq3A_552 : vector<16xi32>
        %add3A_554 = arith.constant 2 : i32
        %add3A_555 = arith.addi %mul3A_537, %add3A_554 : i32
        %get3A_556 = arith.index_cast %add3A_555 : i32 to index
        %get3A_557 = arith.constant 0 : index
        %get3A_558 = tpu.vector_load %arg16[%get3A_556, %get3A_557] {strides = array<i32>} : memref<160x16xf32, #tpu.memory_space<vmem>>, vector<1x16xf32>,
        %get3A_559 = vector.shape_cast %get3A_558 : vector<1x16xf32> to vector<16xf32>
        %select_n3A_560 = arith.select %eq3A_553, %get3A_559, %select_n3A : vector<16xi1>, vector<16xf32>
        %eq3A_561 = arith.constant 3 : i32
        %eq3A_562 = vector.broadcast %eq3A_561 : i32 to vector<16xi32>
        %eq3A_563 = arith.cmpi eq, %iota3A, %eq3A_562 : vector<16xi32>
        %add3A_564 = arith.constant 3 : i32
        %add3A_565 = arith.addi %mul3A_537, %add3A_564 : i32
        %get3A_566 = arith.index_cast %add3A_565 : i32 to index
        %get3A_567 = arith.constant 0 : index
        %get3A_568 = tpu.vector_load %arg16[%get3A_566, %get3A_567] {strides = array<i32>} : memref<160x16xf32, #tpu.memory_space<vmem>>, vector<1x16xf32>,
        %get3A_569 = vector.shape_cast %get3A_568 : vector<1x16xf32> to vector<16xf32>
        %select_n3A_570 = arith.select %eq3A_563, %get3A_569, %select_n3A_560 : vector<16xi1>, vector<16xf32>
        %eq3A_571 = arith.constant 4 : i32
        %eq3A_572 = vector.broadcast %eq3A_571 : i32 to vector<16xi32>
        %eq3A_573 = arith.cmpi eq, %iota3A, %eq3A_572 : vector<16xi32>
        %add3A_574 = arith.constant 4 : i32
        %add3A_575 = arith.addi %mul3A_537, %add3A_574 : i32
        %get3A_576 = arith.index_cast %add3A_575 : i32 to index
        %get3A_577 = arith.constant 0 : index
        %get3A_578 = tpu.vector_load %arg16[%get3A_576, %get3A_577] {strides = array<i32>} : memref<160x16xf32, #tpu.memory_space<vmem>>, vector<1x16xf32>,
        %get3A_579 = vector.shape_cast %get3A_578 : vector<1x16xf32> to vector<16xf32>
        %select_n3A_580 = arith.select %eq3A_573, %get3A_579, %select_n3A_570 : vector<16xi1>, vector<16xf32>
        %eq3A_581 = arith.constant 5 : i32
        %eq3A_582 = vector.broadcast %eq3A_581 : i32 to vector<16xi32>
        %eq3A_583 = arith.cmpi eq, %iota3A, %eq3A_582 : vector<16xi32>
        %add3A_584 = arith.constant 5 : i32
        %add3A_585 = arith.addi %mul3A_537, %add3A_584 : i32
        %get3A_586 = arith.index_cast %add3A_585 : i32 to index
        %get3A_587 = arith.constant 0 : index
        %get3A_588 = tpu.vector_load %arg16[%get3A_586, %get3A_587] {strides = array<i32>} : memref<160x16xf32, #tpu.memory_space<vmem>>, vector<1x16xf32>,
        %get3A_589 = vector.shape_cast %get3A_588 : vector<1x16xf32> to vector<16xf32>
        %select_n3A_590 = arith.select %eq3A_583, %get3A_589, %select_n3A_580 : vector<16xi1>, vector<16xf32>
        %eq3A_591 = arith.constant 6 : i32
        %eq3A_592 = vector.broadcast %eq3A_591 : i32 to vector<16xi32>
        %eq3A_593 = arith.cmpi eq, %iota3A, %eq3A_592 : vector<16xi32>
        %add3A_594 = arith.constant 6 : i32
        %add3A_595 = arith.addi %mul3A_537, %add3A_594 : i32
        %get3A_596 = arith.index_cast %add3A_595 : i32 to index
        %get3A_597 = arith.constant 0 : index
        %get3A_598 = tpu.vector_load %arg16[%get3A_596, %get3A_597] {strides = array<i32>} : memref<160x16xf32, #tpu.memory_space<vmem>>, vector<1x16xf32>,
        %get3A_599 = vector.shape_cast %get3A_598 : vector<1x16xf32> to vector<16xf32>
        %select_n3A_600 = arith.select %eq3A_593, %get3A_599, %select_n3A_590 : vector<16xi1>, vector<16xf32>
        %eq3A_601 = arith.constant 7 : i32
        %eq3A_602 = vector.broadcast %eq3A_601 : i32 to vector<16xi32>
        %eq3A_603 = arith.cmpi eq, %iota3A, %eq3A_602 : vector<16xi32>
        %add3A_604 = arith.constant 7 : i32
        %add3A_605 = arith.addi %mul3A_537, %add3A_604 : i32
        %get3A_606 = arith.index_cast %add3A_605 : i32 to index
        %get3A_607 = arith.constant 0 : index
        %get3A_608 = tpu.vector_load %arg16[%get3A_606, %get3A_607] {strides = array<i32>} : memref<160x16xf32, #tpu.memory_space<vmem>>, vector<1x16xf32>,
        %get3A_609 = vector.shape_cast %get3A_608 : vector<1x16xf32> to vector<16xf32>
        %select_n3A_610 = arith.select %eq3A_603, %get3A_609, %select_n3A_600 : vector<16xi1>, vector<16xf32>
        %eq3A_611 = arith.constant 8 : i32
        %eq3A_612 = vector.broadcast %eq3A_611 : i32 to vector<16xi32>
        %eq3A_613 = arith.cmpi eq, %iota3A, %eq3A_612 : vector<16xi32>
        %add3A_614 = arith.constant 8 : i32
        %add3A_615 = arith.addi %mul3A_537, %add3A_614 : i32
        %get3A_616 = arith.index_cast %add3A_615 : i32 to index
        %get3A_617 = arith.constant 0 : index
        %get3A_618 = tpu.vector_load %arg16[%get3A_616, %get3A_617] {strides = array<i32>} : memref<160x16xf32, #tpu.memory_space<vmem>>, vector<1x16xf32>,
        %get3A_619 = vector.shape_cast %get3A_618 : vector<1x16xf32> to vector<16xf32>
        %select_n3A_620 = arith.select %eq3A_613, %get3A_619, %select_n3A_610 : vector<16xi1>, vector<16xf32>
        %eq3A_621 = arith.constant 9 : i32
        %eq3A_622 = vector.broadcast %eq3A_621 : i32 to vector<16xi32>
        %eq3A_623 = arith.cmpi eq, %iota3A, %eq3A_622 : vector<16xi32>
        %add3A_624 = arith.constant 9 : i32
        %add3A_625 = arith.addi %mul3A_537, %add3A_624 : i32
        %get3A_626 = arith.index_cast %add3A_625 : i32 to index
        %get3A_627 = arith.constant 0 : index
        %get3A_628 = tpu.vector_load %arg16[%get3A_626, %get3A_627] {strides = array<i32>} : memref<160x16xf32, #tpu.memory_space<vmem>>, vector<1x16xf32>,
        %get3A_629 = vector.shape_cast %get3A_628 : vector<1x16xf32> to vector<16xf32>
        %select_n3A_630 = arith.select %eq3A_623, %get3A_629, %select_n3A_620 : vector<16xi1>, vector<16xf32>
        %eq3A_631 = arith.constant 10 : i32
        %eq3A_632 = vector.broadcast %eq3A_631 : i32 to vector<16xi32>
        %eq3A_633 = arith.cmpi eq, %iota3A, %eq3A_632 : vector<16xi32>
        %add3A_634 = arith.constant 10 : i32
        %add3A_635 = arith.addi %mul3A_537, %add3A_634 : i32
        %get3A_636 = arith.index_cast %add3A_635 : i32 to index
        %get3A_637 = arith.constant 0 : index
        %get3A_638 = tpu.vector_load %arg16[%get3A_636, %get3A_637] {strides = array<i32>} : memref<160x16xf32, #tpu.memory_space<vmem>>, vector<1x16xf32>,
        %get3A_639 = vector.shape_cast %get3A_638 : vector<1x16xf32> to vector<16xf32>
        %select_n3A_640 = arith.select %eq3A_633, %get3A_639, %select_n3A_630 : vector<16xi1>, vector<16xf32>
        %eq3A_641 = arith.constant 11 : i32
        %eq3A_642 = vector.broadcast %eq3A_641 : i32 to vector<16xi32>
        %eq3A_643 = arith.cmpi eq, %iota3A, %eq3A_642 : vector<16xi32>
        %add3A_644 = arith.constant 11 : i32
        %add3A_645 = arith.addi %mul3A_537, %add3A_644 : i32
        %get3A_646 = arith.index_cast %add3A_645 : i32 to index
        %get3A_647 = arith.constant 0 : index
        %get3A_648 = tpu.vector_load %arg16[%get3A_646, %get3A_647] {strides = array<i32>} : memref<160x16xf32, #tpu.memory_space<vmem>>, vector<1x16xf32>,
        %get3A_649 = vector.shape_cast %get3A_648 : vector<1x16xf32> to vector<16xf32>
        %select_n3A_650 = arith.select %eq3A_643, %get3A_649, %select_n3A_640 : vector<16xi1>, vector<16xf32>
        %eq3A_651 = arith.constant 12 : i32
        %eq3A_652 = vector.broadcast %eq3A_651 : i32 to vector<16xi32>
        %eq3A_653 = arith.cmpi eq, %iota3A, %eq3A_652 : vector<16xi32>
        %add3A_654 = arith.constant 12 : i32
        %add3A_655 = arith.addi %mul3A_537, %add3A_654 : i32
        %get3A_656 = arith.index_cast %add3A_655 : i32 to index
        %get3A_657 = arith.constant 0 : index
        %get3A_658 = tpu.vector_load %arg16[%get3A_656, %get3A_657] {strides = array<i32>} : memref<160x16xf32, #tpu.memory_space<vmem>>, vector<1x16xf32>,
        %get3A_659 = vector.shape_cast %get3A_658 : vector<1x16xf32> to vector<16xf32>
        %select_n3A_660 = arith.select %eq3A_653, %get3A_659, %select_n3A_650 : vector<16xi1>, vector<16xf32>
        %eq3A_661 = arith.constant 13 : i32
        %eq3A_662 = vector.broadcast %eq3A_661 : i32 to vector<16xi32>
        %eq3A_663 = arith.cmpi eq, %iota3A, %eq3A_662 : vector<16xi32>
        %add3A_664 = arith.constant 13 : i32
        %add3A_665 = arith.addi %mul3A_537, %add3A_664 : i32
        %get3A_666 = arith.index_cast %add3A_665 : i32 to index
        %get3A_667 = arith.constant 0 : index
        %get3A_668 = tpu.vector_load %arg16[%get3A_666, %get3A_667] {strides = array<i32>} : memref<160x16xf32, #tpu.memory_space<vmem>>, vector<1x16xf32>,
        %get3A_669 = vector.shape_cast %get3A_668 : vector<1x16xf32> to vector<16xf32>
        %select_n3A_670 = arith.select %eq3A_663, %get3A_669, %select_n3A_660 : vector<16xi1>, vector<16xf32>
        %eq3A_671 = arith.constant 14 : i32
        %eq3A_672 = vector.broadcast %eq3A_671 : i32 to vector<16xi32>
        %eq3A_673 = arith.cmpi eq, %iota3A, %eq3A_672 : vector<16xi32>
        %add3A_674 = arith.constant 14 : i32
        %add3A_675 = arith.addi %mul3A_537, %add3A_674 : i32
        %get3A_676 = arith.index_cast %add3A_675 : i32 to index
        %get3A_677 = arith.constant 0 : index
        %get3A_678 = tpu.vector_load %arg16[%get3A_676, %get3A_677] {strides = array<i32>} : memref<160x16xf32, #tpu.memory_space<vmem>>, vector<1x16xf32>,
        %get3A_679 = vector.shape_cast %get3A_678 : vector<1x16xf32> to vector<16xf32>
        %select_n3A_680 = arith.select %eq3A_673, %get3A_679, %select_n3A_670 : vector<16xi1>, vector<16xf32>
        %eq3A_681 = arith.constant 15 : i32
        %eq3A_682 = vector.broadcast %eq3A_681 : i32 to vector<16xi32>
        %eq3A_683 = arith.cmpi eq, %iota3A, %eq3A_682 : vector<16xi32>
        %add3A_684 = arith.constant 15 : i32
        %add3A_685 = arith.addi %mul3A_537, %add3A_684 : i32
        %get3A_686 = arith.index_cast %add3A_685 : i32 to index
        %get3A_687 = arith.constant 0 : index
        %get3A_688 = tpu.vector_load %arg16[%get3A_686, %get3A_687] {strides = array<i32>} : memref<160x16xf32, #tpu.memory_space<vmem>>, vector<1x16xf32>,
        %get3A_689 = vector.shape_cast %get3A_688 : vector<1x16xf32> to vector<16xf32>
        %select_n3A_690 = arith.select %eq3A_683, %get3A_689, %select_n3A_680 : vector<16xi1>, vector<16xf32>
        %mul3A_691 = arith.constant 160 : i32
        %mul3A_692 = arith.muli %scan3A_523, %mul3A_691 : i32
        %add3A_693 = arith.addi %mul3A_692, %mul3A_537 : i32
        %swap3A_694 = arith.index_cast %add3A_693 : i32 to index
        %swap3A_695 = tpu.vector_load %arg17[%swap3A_694] {strides = array<i32>} : memref<640xf32, #tpu.memory_space<vmem>>, vector<16xf32>,
        %swap3A_696 = vector.shape_cast %swap3A_695 : vector<16xf32> to vector<16xf32>
        %swap3A_697 = vector.shape_cast %select_n3A_690 : vector<16xf32> to vector<16xf32>
        tpu.vector_store %arg17[%swap3A_694], %swap3A_697 {strides = array<i32>} : memref<640xf32, #tpu.memory_space<vmem>>, vector<16xf32>,
      }
      %scan3A_534 = arith.constant 10 : i32
    }
    %scan3A_507 = arith.constant 4 : i32
    %eq3A_508 = arith.constant 0 : i32
    %eq3A_509 = arith.cmpi eq, %arg0, %eq3A_508 : i32
    %convert_element_type3A_510 = arith.extui %eq3A_509 : i1 to i32
    %cond3A_511 = arith.constant 0 : i32
    %cond3A_512 = arith.cmpi ne, %convert_element_type3A_510, %cond3A_511 : i32
    scf.if %cond3A_512 {
      "tpu.region"() ({
        %run_scoped3A_523 = tpu.sem_alloc : memref<!tpu.dma_semaphore, #tpu.memory_space<semaphore_mem>>
        %dma_start3A_524 = tpu.memref_slice %arg8[%mul3A_2] : memref<10240xf32, #tpu.memory_space<hbm>> -> memref<640xf32, #tpu.memory_space<hbm>>
        %dma_start3A_525 = tpu.memref_slice %arg8[%mul3A_2] : memref<10240xf32, #tpu.memory_space<hbm>> -> memref<640xf32, #tpu.memory_space<hbm>>
        tpu.enqueue_dma source(%arg17 : memref<640xf32, #tpu.memory_space<vmem>>) target(%dma_start3A_525 : memref<640xf32, #tpu.memory_space<hbm>>) target_semaphore(%run_scoped3A_523 : memref<!tpu.dma_semaphore, #tpu.memory_space<semaphore_mem>>)
        %dma_wait3A_526 = tpu.memref_slice %arg8[%mul3A_2] : memref<10240xf32, #tpu.memory_space<hbm>> -> memref<640xf32, #tpu.memory_space<hbm>>
        %dma_wait3A_527 = tpu.memref_slice %arg8[%mul3A_2] : memref<10240xf32, #tpu.memory_space<hbm>> -> memref<640xf32, #tpu.memory_space<hbm>>
        tpu.wait_dma2 semaphore(%run_scoped3A_523 : memref<!tpu.dma_semaphore, #tpu.memory_space<semaphore_mem>>) src(%arg17 : memref<640xf32, #tpu.memory_space<vmem>>) dst(%dma_wait3A_527 : memref<640xf32, #tpu.memory_space<hbm>>)
        tpu.yield
      }) : () -> ()
    } else {
    }
    %eq3A_513 = arith.constant 1 : i32
    %eq3A_514 = arith.cmpi eq, %arg0, %eq3A_513 : i32
    %convert_element_type3A_515 = arith.extui %eq3A_514 : i1 to i32
    %cond3A_516 = arith.constant 0 : i32
    %cond3A_517 = arith.cmpi ne, %convert_element_type3A_515, %cond3A_516 : i32
    scf.if %cond3A_517 {
      "tpu.region"() ({
        %run_scoped3A_523 = tpu.sem_alloc : memref<!tpu.dma_semaphore, #tpu.memory_space<semaphore_mem>>
        %dma_start3A_524 = tpu.memref_slice %arg9[%mul3A_2] : memref<10240xf32, #tpu.memory_space<hbm>> -> memref<640xf32, #tpu.memory_space<hbm>>
        %dma_start3A_525 = tpu.memref_slice %arg9[%mul3A_2] : memref<10240xf32, #tpu.memory_space<hbm>> -> memref<640xf32, #tpu.memory_space<hbm>>
        tpu.enqueue_dma source(%arg17 : memref<640xf32, #tpu.memory_space<vmem>>) target(%dma_start3A_525 : memref<640xf32, #tpu.memory_space<hbm>>) target_semaphore(%run_scoped3A_523 : memref<!tpu.dma_semaphore, #tpu.memory_space<semaphore_mem>>)
        %dma_wait3A_526 = tpu.memref_slice %arg9[%mul3A_2] : memref<10240xf32, #tpu.memory_space<hbm>> -> memref<640xf32, #tpu.memory_space<hbm>>
        %dma_wait3A_527 = tpu.memref_slice %arg9[%mul3A_2] : memref<10240xf32, #tpu.memory_space<hbm>> -> memref<640xf32, #tpu.memory_space<hbm>>
        tpu.wait_dma2 semaphore(%run_scoped3A_523 : memref<!tpu.dma_semaphore, #tpu.memory_space<semaphore_mem>>) src(%arg17 : memref<640xf32, #tpu.memory_space<vmem>>) dst(%dma_wait3A_527 : memref<640xf32, #tpu.memory_space<hbm>>)
        tpu.yield
      }) : () -> ()
    } else {
    }
    %dma_wait3A_518 = arith.constant 0 : i32
    %dma_wait3A_519 = tpu.memref_slice %arg7[%arg0, %mul3A_2, %dma_wait3A_518] : memref<2x10240x64xf32, #tpu.memory_space<hbm>> -> memref<1x640x64xf32, #tpu.memory_space<hbm>>
    %dma_wait3A_520 = tpu.memref_squeeze %dma_wait3A_519 : memref<1x640x64xf32, #tpu.memory_space<hbm>> -> memref<640x64xf32, #tpu.memory_space<hbm>>
    %dma_wait3A_521 = arith.constant 0 : i32
    %dma_wait3A_522 = tpu.memref_slice %arg18[%mul3A_2, %dma_wait3A_521] : memref<10240x64xf32, #tpu.memory_space<vmem_shared>> -> memref<640x64xf32, #tpu.memory_space<vmem_shared>>
    tpu.wait_dma2 semaphore(%arg22 : memref<!tpu.dma_semaphore, #tpu.memory_space<semaphore_mem>>) src(%dma_wait3A_522 : memref<640x64xf32, #tpu.memory_space<vmem_shared>>) dst(%dma_wait3A_520 : memref<640x64xf32, #tpu.memory_space<hbm>>)
    return
  }
}

module attributes {stable_mosaic.version = 14 : i64} {
  func.func @_tc_body(%arg0: i32, %arg1: memref<1024x128xf32, #tpu.memory_space<vmem>>, %arg2: memref<128x128xf32, #tpu.memory_space<vmem>>, %arg3: memref<2x1024x64xf32, #tpu.memory_space<vmem>>, %arg4: memref<8x128xf32, #tpu.memory_space<vmem>>, %arg5: memref<8x128xf32, #tpu.memory_space<vmem>>, %arg6: memref<1024x256xf32, #tpu.memory_space<vmem>>) attributes {dimension_semantics = [#tpu.dimension_semantics<arbitrary>], iteration_bounds = array<i64: 10>, scalar_prefetch = 0 : i64, scratch_operands = 0 : i64, tpu.core_type = #tpu.core_type<tc>, window_params = [{transform_indices = @transform_0, window_bounds = array<i64: 1024, 128>}, {pipeline_mode = #tpu.pipeline_mode<synchronous>, transform_indices = @transform_1, window_bounds = array<i64: 128, 128>}, {transform_indices = @transform_2, window_bounds = array<i64: 2, 1024, 64>}, {transform_indices = @transform_3, window_bounds = array<i64: 8, 128>}, {transform_indices = @transform_4, window_bounds = array<i64: 8, 128>}, {transform_indices = @transform_5, window_bounds = array<i64: 1024, 256>}]} {
    %get3A = arith.constant 0 : index
    %get3A_0 = arith.constant 0 : index
    %get3A_1 = vector.load %arg2[%get3A, %get3A_0] : memref<128x128xf32, #tpu.memory_space<vmem>>, vector<128x128xf32>
    %get3A_2 = arith.constant 0 : index
    %get3A_3 = arith.constant 0 : index
    %get3A_4 = vector.load %arg1[%get3A_2, %get3A_3] : memref<1024x128xf32, #tpu.memory_space<vmem>>, vector<1024x128xf32>
    %get3A_5 = arith.constant 0 : index
    %get3A_6 = arith.constant 0 : index
    %get3A_7 = vector.load %arg4[%get3A_5, %get3A_6] : memref<8x128xf32, #tpu.memory_space<vmem>>, vector<8x128xf32>
    %get3A_8 = arith.constant 0 : index
    %get3A_9 = arith.constant 0 : index
    %get3A_10 = vector.load %arg5[%get3A_8, %get3A_9] : memref<8x128xf32, #tpu.memory_space<vmem>>, vector<8x128xf32>
    %add3A = arith.addf %get3A_7, %get3A_10 : vector<8x128xf32>
    %dot_general3A = arith.constant dense<0.000000e+00> : vector<1024x128xf32>
    %dot_general3A_11 = tpu.matmul %get3A_4, %get3A_1, %dot_general3A {dimension_numbers = #tpu.dot_dimension_numbers<[1], [0], [0], [1], [0, 0, 1, 1], [], []>, transpose_lhs_hint = false} : vector<1024x128xf32>, vector<128x128xf32>, vector<1024x128xf32> -> vector<1024x128xf32>
    %get3A_12 = arith.constant 0 : index
    %get3A_13 = arith.constant 0 : index
    %get3A_14 = arith.constant 0 : index
    %get3A_15 = vector.load %arg3[%get3A_12, %get3A_13, %get3A_14] : memref<2x1024x64xf32, #tpu.memory_space<vmem>>, vector<1x1024x64xf32>
    %get3A_16 = vector.shape_cast %get3A_15 : vector<1x1024x64xf32> to vector<1024x64xf32>
    %slice3A = vector.extract_strided_slice %get3A_1 {offsets = [0, 0], sizes = [64, 128], strides = [1, 1]} : vector<128x128xf32> to vector<64x128xf32>
    %dot_general3A_17 = arith.constant dense<0.000000e+00> : vector<1024x128xf32>
    %dot_general3A_18 = tpu.matmul %get3A_16, %slice3A, %dot_general3A_17 {dimension_numbers = #tpu.dot_dimension_numbers<[1], [0], [0], [1], [0, 0, 1, 1], [], []>, transpose_lhs_hint = false} : vector<1024x64xf32>, vector<64x128xf32>, vector<1024x128xf32> -> vector<1024x128xf32>
    %get3A_19 = arith.constant 1 : index
    %get3A_20 = arith.constant 0 : index
    %get3A_21 = arith.constant 0 : index
    %get3A_22 = vector.load %arg3[%get3A_19, %get3A_20, %get3A_21] : memref<2x1024x64xf32, #tpu.memory_space<vmem>>, vector<1x1024x64xf32>
    %get3A_23 = vector.shape_cast %get3A_22 : vector<1x1024x64xf32> to vector<1024x64xf32>
    %slice3A_24 = vector.extract_strided_slice %get3A_1 {offsets = [64, 0], sizes = [64, 128], strides = [1, 1]} : vector<128x128xf32> to vector<64x128xf32>
    %dot_general3A_25 = arith.constant dense<0.000000e+00> : vector<1024x128xf32>
    %dot_general3A_26 = tpu.matmul %get3A_23, %slice3A_24, %dot_general3A_25 {dimension_numbers = #tpu.dot_dimension_numbers<[1], [0], [0], [1], [0, 0, 1, 1], [], []>, transpose_lhs_hint = false} : vector<1024x64xf32>, vector<64x128xf32>, vector<1024x128xf32> -> vector<1024x128xf32>
    %add3A_27 = arith.addf %dot_general3A_18, %dot_general3A_26 : vector<1024x128xf32>
    %max3A = arith.constant 1.000000e+00 : f32
    %max3A_28 = vector.broadcast %max3A : f32 to vector<8x128xf32>
    %max3A_29 = arith.maximumf %add3A, %max3A_28 : vector<8x128xf32>
    %div3A = arith.constant 1.000000e+00 : f32
    %div3A_30 = vector.broadcast %div3A : f32 to vector<8x128xf32>
    %div3A_31 = arith.divf %div3A_30, %max3A_29 : vector<8x128xf32>
    %reshape3A = vector.shape_cast %add3A_27 : vector<1024x128xf32> to vector<8x128x128xf32>
    %broadcast_in_dim3A = vector.shape_cast %div3A_31 : vector<8x128xf32> to vector<8x128x1xf32>
    %mul3A = vector.broadcast %broadcast_in_dim3A : vector<8x128x1xf32> to vector<8x128x128xf32>
    %mul3A_32 = arith.mulf %reshape3A, %mul3A : vector<8x128x128xf32>
    %reshape3A_33 = vector.shape_cast %mul3A_32 : vector<8x128x128xf32> to vector<1024x128xf32>
    %swap3A = arith.constant 0 : index
    %swap3A_34 = arith.constant 0 : index
    %swap3A_35 = vector.load %arg6[%swap3A, %swap3A_34] : memref<1024x256xf32, #tpu.memory_space<vmem>>, vector<1024x128xf32>
    tpu.vector_store %arg6[%swap3A, %swap3A_34], %dot_general3A_11 {strides = array<i32>} : memref<1024x256xf32, #tpu.memory_space<vmem>>, vector<1024x128xf32>,
    %swap3A_36 = arith.constant 0 : index
    %swap3A_37 = arith.constant 128 : index
    %swap3A_38 = vector.load %arg6[%swap3A_36, %swap3A_37] : memref<1024x256xf32, #tpu.memory_space<vmem>>, vector<1024x128xf32>
    tpu.vector_store %arg6[%swap3A_36, %swap3A_37], %reshape3A_33 {strides = array<i32>} : memref<1024x256xf32, #tpu.memory_space<vmem>>, vector<1024x128xf32>,
    return
  }
  func.func @transform_0(%arg0: i32) -> (i32, i32) {
    %c0_i32 = arith.constant 0 : i32
    %c0_i32_0 = arith.constant 0 : i32
    return %arg0, %c0_i32 : i32, i32
  }
  func.func @transform_1(%arg0: i32) -> (i32, i32) {
    %c0_i32 = arith.constant 0 : i32
    %c0_i32_0 = arith.constant 0 : i32
    %c0_i32_1 = arith.constant 0 : i32
    return %c0_i32, %c0_i32_0 : i32, i32
  }
  func.func @transform_2(%arg0: i32) -> (i32, i32, i32) {
    %c0_i32 = arith.constant 0 : i32
    %c0_i32_0 = arith.constant 0 : i32
    %c0_i32_1 = arith.constant 0 : i32
    return %c0_i32, %arg0, %c0_i32_0 : i32, i32, i32
  }
  func.func @transform_3(%arg0: i32) -> (i32, i32) {
    %c0_i32 = arith.constant 0 : i32
    %c0_i32_0 = arith.constant 0 : i32
    return %arg0, %c0_i32 : i32, i32
  }
  func.func @transform_4(%arg0: i32) -> (i32, i32) {
    %c0_i32 = arith.constant 0 : i32
    %c0_i32_0 = arith.constant 0 : i32
    return %arg0, %c0_i32 : i32, i32
  }
  func.func @transform_5(%arg0: i32) -> (i32, i32) {
    %c0_i32 = arith.constant 0 : i32
    %c0_i32_0 = arith.constant 0 : i32
    return %arg0, %c0_i32 : i32, i32
  }
}

</mosaic_0001>

<sc_bundles>
// kernel: kernel.4.cloned.1.call-start
scs
__scs_entry_jumppad:
0x0: {  	(pc) =	sbr.rel $0x88, $3  }
0x1: {  	(tag) =	ssettag $0x0;
	lr =	simm.s32 $0x1  }
0x2: {  	[smem:$0x3F9E] =	sst lr;
	_ =	strace $0xD0000000  }
0x3: {  	_ = 	snop  }
0x4: {  	_ = 	snop  }
0x5: {  	_ = 	snop  }
0x6: {  	_ = 	snop  }
0x7: {  	_ = 	snop  }
__scs_overlays_trampoline_lowered:
0x8: {  	[smem:$0x3FAD] =	sst s0  }
0x9: {  	[smem:$0x3FAE] =	sst s1  }
0xa: {  	[smem:$0x3FAF] =	sst s2  }
0xb: {  	[smem:$0x3FB0] =	sst s3  }
0xc: {  	[smem:$0x3FB1] =	sst s4  }
0xd: {  	[smem:$0x3FB2] =	sst s5  }
0xe: {  	[smem:$0x3FB3] =	sst s6  }
0xf: {  	[smem:$0x3FB4] =	sst s7  }
0x10: {  	[smem:$0x3FB5] =	sst s8  }
0x11: {  	[smem:$0x3FB6] =	sst s9;
	s0 =	simm.s32 @!p0 $0x0  }
0x12: {  	s1 =	sld [smem:$0x3F9C];
	s0 =	simm.s32 @p0 $0x1  }
0x13: {  	[smem:$0x3FB7] =	sst s0;
	s0 =	simm.s32 @!p1 $0x0  }
0x14: {  	s2 =	sld [smem:$0x3F9B];
	s0 =	simm.s32 @p1 $0x1  }
0x15: {  	[smem:$0x3FB8] =	sst s0;
	s0 =	simm.s32 @!p2 $0x0  }
0x16: {  	s3 =	sld [smem:$0x3FDB];
	s0 =	simm.s32 @p2 $0x1  }
0x17: {  	s4 =	simm.s32 $0x1BF5;
	[smem:$0x3FBA] =	sst s0  }
0x18: {  	s0 =	sld [smem:$0x3F9D];
	_ =	swait.ge [sflag:s4], $0x0  }
0x19: {  	s7 =	sld [smem:$0x3F9E]  }
0x1a: {  	s8 =	sadd.s32 $0xFFFFE003, lr  }
0x1b: {  	s9 =	sadd.s32 $0xFFFFFEF7, lr;
	s5 =	simm.s32 $0xFFFFFFFF;
	p2 =	slt.u32 s8, $0xFFFFF086  }
0x1c: {  	p1 =	slt.u32 s9, $0xF7A;
	s5 =	simm.s32 @!p2 $0x0  }
0x1d: {  	s5 =	simm.s32 @p1 $0x1;
	p0 =	seq.s32 s7, s2  }
0x1e: {  	s7 =	smul.u32 @!p0 $0xF7A, s2;
	p2 =	seq.s32 @!p0 s5, $0x0  }
0x1f: {  	s9 =	smul.u32 $0xF7A, s1;
	s8 =	simm.s32 @!p0 $0x1BF5;
	p2 =	por !p2, p0  }
0x20: {  	[sflag:s8] =	ssyncset.s32 @!p0 $0xFFFFF086;
	s6 =	sadd.s32 @!p0 s3, s7;
	s7 =	simm.s32 @!p0 $0x108  }
0x21: {  	s3 =	sadd.s32 s3, s9;
	s6 =	sadd.s32 @!p0 $0x88, s6;
	s7 =	simm.s32 @p2 $0x1082  }
0x22: {  	[simem:s7], [sflag:s8] =	dma.local @!p0 [hbm:s6], $0xF7A  }
0x23: {  	s9 =	sor.u32 $0xD0000000, s2;
	s6 =	simm.s32 $0x108;
	_ =	swait.ge @!p0 [sflag:s8], $0x0  }
0x24: {  	s3 =	sadd.s32 $0x88, s3;
	s6 =	simm.s32 @!p1 $0x1082;
	[sflag:s4] =	ssyncset.s32 $0xFFFFF086  }
0x25: {  	[simem:s6], [sflag:s4] =	dma.local [hbm:s3], $0xF7A  }
0x26: {  	[smem:$0x3F9E] =	sst s1;
	(tag) =	ssettag s2;
	_ =	strace s9  }
0x27: {  	s1 =	sld [smem:$0x3FAE]  }
0x28: {  	s2 =	sld [smem:$0x3FAF]  }
0x29: {  	s4 =	sld [smem:$0x3FB1]  }
0x2a: {  	p0 =	seq.s32 s5, $0x0;
	s5 =	sld [smem:$0x3FB2]  }
0x2b: {  	s6 =	sld [smem:$0x3FB3]  }
0x2c: {  	s7 =	sld [smem:$0x3FB4]  }
0x2d: {  	s3 =	simm.s32 $0x108;
	s8 =	sld [smem:$0x3FB5]  }
0x2e: {  	s3 =	simm.s32 @!p0 $0x1082;
	s9 =	sld [smem:$0x3FB6]  }
0x2f: {  	lr =	sadd.s32 s0, s3;
	s0 =	sld [smem:$0x3FAD]  }
0x30: {  	s3 =	sld [smem:$0x3FB0]  }
0x31: {  	[smem:$0x3FB9] =	sst s10  }
0x32: {  	s10 =	sld [smem:$0x3FB7];
	_ =	sdelay $0x3  }
0x33: {  	p0 =	seq.s32 s10, $0x1;
	s10 =	sld [smem:$0x3FB9];
	_ =	sdelay $0x3  }
0x34: {  	[smem:$0x3FB9] =	sst s10  }
0x35: {  	s10 =	sld [smem:$0x3FB8];
	_ =	sdelay $0x3  }
0x36: {  	p1 =	seq.s32 s10, $0x1;
	s10 =	sld [smem:$0x3FB9];
	_ =	sdelay $0x3  }
0x37: {  	[smem:$0x3FB9] =	sst s10  }
0x38: {  	s10 =	sld [smem:$0x3FBA]  }
0x39: {  	_ = 	snop;
	(pc) =	sbr.ind lr, $3  }
0x3a: {  	_ = 	snop  }
0x3b: {  	_ = 	snop  }
0x3c: {  	p2 =	seq.s32 s10, $0x1;
	s10 =	sld [smem:$0x3FB9]  }
0x3d: {  	_ =	shalt  }
0x3e: {  	_ =	shalt  }
0x3f: {  	_ =	shalt  }
0x40: {  	_ =	shalt  }
0x41: {  	_ =	shalt  }
0x42: {  	_ =	shalt  }
0x43: {  	_ =	shalt  }
0x44: {  	_ =	shalt  }
0x45: {  	_ =	shalt  }
0x46: {  	_ =	shalt  }
0x47: {  	_ =	shalt  }
0x48: {  	_ =	shalt  }
0x49: {  	_ =	shalt  }
0x4a: {  	_ =	shalt  }
0x4b: {  	_ =	shalt  }
0x4c: {  	_ =	shalt  }
0x4d: {  	_ =	shalt  }
0x4e: {  	_ =	shalt  }
0x4f: {  	_ =	shalt  }
0x50: {  	_ =	shalt  }
0x51: {  	_ =	shalt  }
0x52: {  	_ =	shalt  }
0x53: {  	_ =	shalt  }
0x54: {  	_ =	shalt  }
0x55: {  	_ =	shalt  }
0x56: {  	_ =	shalt  }
0x57: {  	_ =	shalt  }
0x58: {  	_ =	shalt  }
0x59: {  	_ =	shalt  }
0x5a: {  	_ =	shalt  }
0x5b: {  	_ =	shalt  }
0x5c: {  	_ =	shalt  }
0x5d: {  	_ =	shalt  }
0x5e: {  	_ =	shalt  }
0x5f: {  	_ =	shalt  }
0x60: {  	_ =	shalt  }
0x61: {  	_ =	shalt  }
0x62: {  	_ =	shalt  }
0x63: {  	_ =	shalt  }
0x64: {  	_ =	shalt  }
0x65: {  	_ =	shalt  }
0x66: {  	_ =	shalt  }
0x67: {  	_ =	shalt  }
0x68: {  	_ =	shalt  }
0x69: {  	_ =	shalt  }
0x6a: {  	_ =	shalt  }
0x6b: {  	_ =	shalt  }
0x6c: {  	_ =	shalt  }
0x6d: {  	_ =	shalt  }
0x6e: {  	_ =	shalt  }
0x6f: {  	_ =	shalt  }
0x70: {  	_ =	shalt  }
0x71: {  	_ =	shalt  }
0x72: {  	_ =	shalt  }
0x73: {  	_ =	shalt  }
0x74: {  	_ =	shalt  }
0x75: {  	_ =	shalt  }
0x76: {  	_ =	shalt  }
0x77: {  	_ =	shalt  }
0x78: {  	_ =	shalt  }
0x79: {  	_ =	shalt  }
0x7a: {  	_ =	shalt  }
0x7b: {  	_ =	shalt  }
0x7c: {  	_ =	shalt  }
0x7d: {  	_ =	shalt  }
0x7e: {  	_ =	shalt  }
0x7f: {  	_ =	shalt  }
0x80: {  	_ =	shalt  }
0x81: {  	_ =	shalt  }
0x82: {  	_ =	shalt  }
0x83: {  	_ =	shalt  }
0x84: {  	_ =	shalt  }
0x85: {  	_ =	shalt  }
0x86: {  	_ =	shalt  }
0x87: {  	_ =	shalt  }
.Lfunc_end0:
.L_simem_size_0:
called_computation_lowered:
.L_overlay_start_0:
0x88: {  	s2 =	sld [smem:$0x3FD9]  }
0x89: {  	s3 =	sld [smem:$0x3FFE];
	_ =	sdelay $0x1  }
0x8a: {  	s1 =	srdreg.scid  }
0x8b: {  	s0 =	sand.u32 $0x1, s1  }
0x8c: {  	s17 =	sshll.u32 s0, $0xA;
	s2 =	sadd.s32 s3, s2  }
0x8d: {  	s2 =	sadd.s32 s2, s17  }
0x8e: {  	[smem:$0x3FC5] =	sst s2  }
0x8f: {  	_ = 	snop  }
0x90: {  	s2 =	sld [smem:$0x3FD0];
	(tm) =	ssettm $0x1  }
0x91: {  	s18 =	sld [smem:$0x3FFB];
	_ =	sdelay $0x3  }
0x92: {  	_ =	strace s18  }
0x93: {  	s3 =	sld [smem:$0x3FFC];
	_ =	sdelay $0x3  }
0x94: {  	_ =	strace s3  }
0x95: {  	s3 =	sld [smem:$0x3FFD];
	_ =	sdelay $0x3  }
0x96: {  	_ =	strace s3  }
0x97: {  	_ =	strace $0x8FFFFFFF  }
0x98: {  	s19 =	sld [smem:$0x3FDB];
	_ =	sdelay $0x1  }
0x99: {  	s4 =	simm.s32 $_scs_section_size  }
0x9a: {  	s5 =	simm.s32 $_size__tile_overlayer_lowered;
	s6 =	simm.s32 $_tile_overlayer_lowered  }
0x9b: {  	s22 =	simm.s32 $0x1BFF;
	s21 =	sshll.u32 s6, $0x1;
	s3 =	sadd.s32 s4, s19  }
0x9c: {  	s7 =	simm.s32 $0x0;
	s20 =	sshll.u32 s5, $0x1;
	s5 =	sadd.s32 s21, s3  }
0x9d: {  	[timem:s7], [sflag:s22] =	dma.local [hbm:s5], s20  }
0x9e: {  	_ =	swait.ge [sflag:s22], s20  }
0x9f: {  	s4 =	ssub.s32 $0x0, s20;
	[sflag:s22] =	ssyncset.done $0x0  }
0xa0: {  	[sflag:s22] =	ssyncadd.s32 s4;
	_ =	sdelay $0x1  }
0xa1: {  	s23 =	simm.s32 $0x1B8B  }
0xa2: {  	_ =	swait.ge [sflag:s23], $0x1  }
0xa3: {  	[sflag:s23] =	ssyncset.done $0x0  }
0xa4: {  	s25 =	simm.s32 $0x1B8E;
	s24 =	sld [smem:$0x3FFE];
	[sflag:s23] =	ssyncadd.s32 $0xFFFFFFFF  }
0xa5: {  	s26 =	simm.s32 $execute0_lowered;
	[smem:$0x3FD2] =	sst s25  }
0xa6: {  	s5 =	sshll.u32 s26, $0x1;
	_ =	strace $0x80000046;
	[dreg:$0x1] =	wrdreg $0xFFFFFFFF  }
0xa7: {  	s28 =	simm.s32 $_size_execute0_lowered;
	s3 =	sadd.s32 s3, s5;
	[dreg:$0x0] =	wrdreg $0x0  }
0xa8: {  	s5 =	sshll.u32 s28, $0x1;
	[dreg:$0x2] =	wrdreg s3  }
0xa9: {  	[dreg:$0x3] =	wrdreg s5  }
0xaa: {  	[dreg:$0x4] =	wrdreg $0xC0  }
0xab: {  	_ =	task [dreg:s7], $0x5FFFF  }
0xac: {  	[dreg:$0x1] =	wrdreg $0xFFFFFFFF  }
0xad: {  	[dreg:$0x0] =	wrdreg $0x60  }
0xae: {  	[dreg:$0x2] =	wrdreg s24  }
0xaf: {  	[dreg:$0x3] =	wrdreg s2  }
0xb0: {  	[dreg:$0x4] =	wrdreg $0x134C00  }
0xb1: {  	[dreg:$0x5] =	wrdreg $0x1D4C00  }
0xb2: {  	[dreg:$0x6] =	wrdreg $0x9  }
0xb3: {  	_ =	task.clear_ibuf [dreg:s7], $0x7FFFF;
	_ =	strace $0x90000046  }
0xb4: {  	s29 =	simm.s32 $0x9;
	_ =	strace $0x80000048  }
0xb5: {  	_ =	swait.ge [sflag:s29], $0x1  }
0xb6: {  	[sflag:s29] =	ssyncadd.s32 $0xFFFFFFFF  }
0xb7: {  	_ =	strace $0x90000048  }
0xb8: {  	_ =	sfence  }
0xb9: {  	s30 =	sld [smem:$0x0];
	_ =	sdelay $0x2  }
0xba: {  	s31 =	sshll.u32 s1, $0xD;
	s1 =	sshrl.u32 s1, $0x2  }
0xbb: {  	s3 =	sand.u32 $0x4000, s31;
	s1 =	sadd.s32 s1, s30  }
0xbc: {  	s0 =	sor.u32 s3, s0;
	s1 =	sshll.u32 s1, $0x11  }
0xbd: {  	s0 =	sor.u32 s1, s0  }
0xbe: {  	s0 =	sadd.s32 $0x8F2B, s0  }
0xbf: {  	[sflag:s0] =	ssyncadd.remote.s32 $0x1  }
0xc0: {  	_ =	sfence.sel $0xFFFF  }
0xc1: {  	[dreg:$0x0] =	wrdreg $0xFFFFFFFF;
	(pc) =	sbr.abs _section_cstart, $3  }
0xc2: {  	[dreg:$0x1] =	wrdreg $0xFFFFFFFF  }
0xc3: {  	_ =	task.clear_ibuf [dreg:s7], $0x2FFFF;
	_ =	strace $0x9FFFFFFF  }
0xc4: {  	(tm) =	ssettm $0x7FFFFFFF  }
0xc5: {  	_ =	shalt  }
tec
execute0_lowered:
.L_overlay_start_1:
0x0: {  	(tag) =	ssettag $0x1  }
0x1: {  	s0 =	rddreg [dreg:$0x0]  }
0x2: {  	s4 =	rddreg [dreg:$0x1]  }
0x3: {  	s1 =	rddreg [dreg:$0x2]  }
0x4: {  	s2 =	rddreg [dreg:$0x3]  }
0x5: {  	s3 =	simm.s32 $0x0;
	s7 =	srdreg.scid;
	s18 =	stileid.u32  }
0x6: {  	s28 =	simm.s32 $0x800;
	s29 =	simm.s32 $0x400;
	s30 =	simm.s32 $0x5  }
0x7: {  	s31 =	simm.s32 $0x6;
	[smem:$0x7FF] =	sst s3;
	s6 =	sadd.s32 $0x28C00, s0  }
0x8: {  	s5 =	sadd.s32 $0x1A00, s0;
	s8 =	sadd.s32 $0x3C600, s0;
	s13 =	smul.u32 $0xA000, s18  }
0x9: {  	s7 =	sand.u32 $0x1, s7;
	s22 =	sadd.s32 $0x3DA00, s0;
	s25 =	smul.u32 $0x4E20, s18  }
0xa: {  	s10 =	smul.u32 $0x280, s18;
	_ =	strace $0x80000047;
	[dreg:$0x5] =	wrdreg s8  }
0xb: {  	s9 =	sadd.s32 $0x3E000, s0;
	s21 =	smul.u32 $0x9C4, s18;
	[dreg:$0x6] =	wrdreg s22  }
0xc: {  	s11 =	sshll.u32 s18, $0x6;
	[dreg:$0x7] =	wrdreg s9;
	s12 =	smul.u32 $0x14, s7  }
0xd: {  	s23 =	ssub.s32 $0x2, s7;
	[dreg:$0x8] =	wrdreg s11;
	s26 =	smul.u32 $0xA0000, s7  }
0xe: {  	s11 =	sor.u32 $0x1C05, s11;
	s17 =	smul.u32 $0x2710, s7;
	p0 =	seq.s32 s7, $0x0  }
0xf: {  	s24 =	sshrl.u32 s23, $0x1;
	s14 =	sadd.s32 s13, s1;
	[dreg:$0x11] =	wrdreg s11  }
0x10: {  	s15 =	sshrl.u32 s13, $0x2;
	s9 =	sshrl.u32 s25, $0x3;
	s8 =	ssub.s32 s23, s24  }
0x11: {  	s16 =	sadd.s32 s15, s2;
	s19 =	sadd.s32 s6, s9;
	s15 =	sadd.s32 $0x14, s12  }
0x12: {  	s20 =	sadd.s32 s13, s26;
	s9 =	simm.s32 $0x3E400;
	s23 =	sshrl.u32 s10, $0x3  }
0x13: {  	s6 =	sadd.s32 s21, s6;
	s21 =	sshrl.u32 s14, $0x3;
	v0 =	vmov s17;
	s17 =	simm.s32 $0x0  }
0x14: {  	s11 =	sadd.s32 $0x40, s19;
	s7 =	sshrl.u32 s20, $0x3;
	[dreg:$0x9] =	wrdreg s19  }
0x15: {  	s9 =	simm.s32 @!p0 $0x3EA00;
	s22 =	sadd.s32 $0x9C0, s19;
	[dreg:$0xa] =	wrdreg s11  }
0x16: {  	s24 =	smax.u32 s8, $0x1;
	s25 =	sadd.s32 $0xC0, s6;
	[dreg:$0xc] =	wrdreg s22  }
0x17: {  	s26 =	sshrl.u32 s16, $0x3;
	s6 =	simm.s32 $0x8800;
	[dreg:$0xd] =	wrdreg s24  }
0x18: {  	vm0 =	vmmov $0x1;
	vm1 =	vmmov $0x3;
	vm2 =	vmmov $0x7;
	s8 =	simm.s32 $0x1;
	s16 =	simm.s32 $0x12840;
	[dreg:$0xf] =	wrdreg s25  }
0x19: {  	vm3 =	vmmov $0xf;
	vm4 =	vmmov $0x1f;
	vm5 =	vmmov $0x3f;
	s4 =	sadd.s32 s4, s7;
	s0 =	sadd.s32 s9, s0;
	[dreg:$0x10] =	wrdreg s26  }
0x1a: {  	vm6 =	vmmov $0x7f;
	vm7 =	vmmov $0xff;
	vm8 =	vmmov $0x1ff;
	s24 =	simm.s32 $0x200;
	s26 =	simm.s32 $0x7;
	s7 =	simm.s32 $0x4  }
0x1b: {  	vm9 =	vmmov $0x3ff;
	vm10 =	vmmov $0x7ff;
	vm11 =	vmmov $0xfff;
	[dreg:$0xb] =	wrdreg s4;
	s0 =	sadd.s32 s0, s23;
	s4 =	simm.s32 $0x2  }
0x1c: {  	vm12 =	vmmov $0x1fff;
	vm13 =	vmmov $0x3fff;
	vm14 =	vmmov $0x7fff;
	s23 =	simm.s32 $0x600;
	[dreg:$0xe] =	wrdreg s0;
	s0 =	simm.s32 $0x3  }
.LBB2_1:
0x1d: {  	s9 =	rddreg [dreg:$0x5]  }
0x1e: {  	s11 =	rddreg [dreg:$0x11]  }
0x1f: {  	[spmem:s21], [sflag:s11] =	dma.local [hbm:s9], $0x1400  }
0x20: {  	s9 =	rddreg [dreg:$0x6]  }
0x21: {  	s13 =	rddreg [dreg:$0x10]  }
0x22: {  	[spmem:s13], [sflag:s11] =	dma.local [hbm:s9], $0x500  }
0x23: {  	s19 =	simm.s32 $0x10840;
	s9 =	rddreg [dreg:$0x7]  }
0x24: {  	[tilespmem:s19], [sflag:$0x6] =	stream.linear.gather [hbm4b:s9+s3], $0x2000, $0x38;
	[tilespmem:$0x1FCC0] =	vst v63  }
0x25: {  	s22 =	simm.s32 $0x4E200;
	s20 =	rddreg [dreg:$0x9]  }
0x26: {  	[tilespmem:s3], [sflag:$0x7] =	stream.strided.gather [hbm4b:s20+s24], $0x400, s22, s24, $0x38;
	[tilespmem:$0x1FCC0] =	vst v63  }
0x27: {  	_ =	swait.ge [sflag:s26], $0x400  }
0x28: {  	[sflag:s26] =	ssyncset.done $0x0  }
0x29: {  	[sflag:s26] =	ssyncadd.s32 $0xFFFFFC00  }
0x2a: {  	v1 =	vld [tilespmem:$0x200]  }
0x2b: {  	v2 =	vld [tilespmem:$0x210]  }
0x2c: {  	v3 =	vld [tilespmem:$0x220]  }
0x2d: {  	v4 =	vld [tilespmem:$0x230]  }
0x2e: {  	v5 =	vld [tilespmem:$0x240]  }
0x2f: {  	v6 =	vld [tilespmem:$0x250];
	v1 =	vadd.s32 v0, v1  }
0x30: {  	[tilespmem:$0x200] =	vst v1;
	v1 =	vadd.s32 v0, v2;
	v2 =	vld [tilespmem:$0x260]  }
0x31: {  	[tilespmem:$0x210] =	vst v1;
	v1 =	vadd.s32 v0, v3;
	v3 =	vld [tilespmem:$0x270]  }
0x32: {  	v49 =	vld [tilespmem:$0x280];
	[tilespmem:$0x220] =	vst v1;
	v1 =	vadd.s32 v0, v4  }
0x33: {  	v50 =	vld [tilespmem:$0x290];
	[tilespmem:$0x230] =	vst v1;
	v1 =	vadd.s32 v0, v5  }
0x34: {  	v51 =	vld [tilespmem:$0x2A0];
	[tilespmem:$0x240] =	vst v1;
	v1 =	vadd.s32 v0, v6  }
0x35: {  	[tilespmem:$0x250] =	vst v1;
	v1 =	vadd.s32 v0, v2;
	v2 =	vld [tilespmem:$0x2B0]  }
0x36: {  	[tilespmem:$0x260] =	vst v1;
	v1 =	vadd.s32 v0, v3;
	v3 =	vld [tilespmem:$0x2C0]  }
0x37: {  	v52 =	vld [tilespmem:$0x2D0];
	[tilespmem:$0x270] =	vst v1;
	v1 =	vadd.s32 v0, v49  }
0x38: {  	v53 =	vld [tilespmem:$0x2E0];
	[tilespmem:$0x280] =	vst v1;
	v1 =	vadd.s32 v0, v50  }
0x39: {  	v54 =	vld [tilespmem:$0x2F0];
	[tilespmem:$0x290] =	vst v1;
	v1 =	vadd.s32 v0, v51  }
0x3a: {  	[tilespmem:$0x2A0] =	vst v1;
	v1 =	vadd.s32 v0, v2;
	v2 =	vld [tilespmem:$0x300]  }
0x3b: {  	[tilespmem:$0x2B0] =	vst v1;
	v1 =	vadd.s32 v0, v3;
	v3 =	vld [tilespmem:$0x310]  }
0x3c: {  	v55 =	vld [tilespmem:$0x320];
	[tilespmem:$0x2C0] =	vst v1;
	v1 =	vadd.s32 v0, v52  }
0x3d: {  	v56 =	vld [tilespmem:$0x330];
	[tilespmem:$0x2D0] =	vst v1;
	v1 =	vadd.s32 v0, v53  }
0x3e: {  	v57 =	vld [tilespmem:$0x340];
	[tilespmem:$0x2E0] =	vst v1;
	v1 =	vadd.s32 v0, v54  }
0x3f: {  	[tilespmem:$0x2F0] =	vst v1;
	v1 =	vadd.s32 v0, v2;
	v2 =	vld [tilespmem:$0x350]  }
0x40: {  	[tilespmem:$0x300] =	vst v1;
	v1 =	vadd.s32 v0, v3;
	v3 =	vld [tilespmem:$0x360]  }
0x41: {  	v58 =	vld [tilespmem:$0x370];
	[tilespmem:$0x310] =	vst v1;
	v1 =	vadd.s32 v0, v55  }
0x42: {  	v59 =	vld [tilespmem:$0x380];
	[tilespmem:$0x320] =	vst v1;
	v1 =	vadd.s32 v0, v56  }
0x43: {  	v60 =	vld [tilespmem:$0x390];
	[tilespmem:$0x330] =	vst v1;
	v1 =	vadd.s32 v0, v57  }
0x44: {  	[tilespmem:$0x340] =	vst v1;
	v1 =	vadd.s32 v0, v2;
	v2 =	vld [tilespmem:$0x3A0]  }
0x45: {  	[tilespmem:$0x350] =	vst v1;
	v1 =	vadd.s32 v0, v3;
	v3 =	vld [tilespmem:$0x3B0]  }
0x46: {  	v61 =	vld [tilespmem:$0x3C0];
	[tilespmem:$0x360] =	vst v1;
	v1 =	vadd.s32 v0, v58  }
0x47: {  	v62 =	vld [tilespmem:$0x3D0];
	[tilespmem:$0x370] =	vst v1;
	v1 =	vadd.s32 v0, v59  }
0x48: {  	v63 =	vld [tilespmem:$0x3E0];
	[tilespmem:$0x380] =	vst v1;
	v1 =	vadd.s32 v0, v60  }
0x49: {  	[tilespmem:$0x390] =	vst v1;
	v1 =	vadd.s32 v0, v2;
	v2 =	vld [tilespmem:$0x3F0]  }
0x4a: {  	[tilespmem:$0x3A0] =	vst v1;
	v1 =	vadd.s32 v0, v3  }
0x4b: {  	[tilespmem:$0x3B0] =	vst v1;
	v1 =	vadd.s32 v0, v61  }
0x4c: {  	[tilespmem:$0x3C0] =	vst v1;
	v1 =	vadd.s32 v0, v62  }
0x4d: {  	[tilespmem:$0x3D0] =	vst v1;
	v1 =	vadd.s32 v0, v63  }
0x4e: {  	[tilespmem:$0x3E0] =	vst v1;
	v1 =	vadd.s32 v0, v2  }
0x4f: {  	[tilespmem:$0x3F0] =	vst v1  }
0x50: {  	[tilespmem:s28], [sflag:$0x3] =	stream.indirect.gather [hbm4b:s5+s24], $0x40, s24, s24, $0xb8;
	[tilespmem:$0x1FCC0] =	vst v63  }
0x51: {  	s25 =	rddreg [dreg:$0xa]  }
0x52: {  	[tilespmem:s29], [sflag:$0x2] =	stream.strided.gather [hbm4b:s25+s24], $0x400, s22, s24, $0x38;
	[tilespmem:$0x1FCC0] =	vst v63  }
0x53: {  	_ =	swait.ge [sflag:s30], $0x1400  }
0x54: {  	[sflag:s30] =	ssyncset.done $0x0  }
0x55: {  	[sflag:s30] =	ssyncadd.s32 $0xFFFFEC00  }
0x56: {  	_ =	swait.ge [sflag:s30], $0x500  }
0x57: {  	[sflag:s30] =	ssyncset.done $0x0  }
0x58: {  	[sflag:s30] =	ssyncadd.s32 $0xFFFFFB00  }
.Ltmp0:
0x59: {  	_ =	swait.ge [sflag:s31], $0x2000;
	(pc) =	sbr.rel .LBB2_2-.Ltmp0, $4  }
0x5a: {  	[sflag:s31] =	ssyncset.done $0x0  }
0x5b: {  	[sflag:s31] =	ssyncadd.s32 $0xFFFFE000  }
0x5c: {  	s18 =	simm.s32 $0x0;
	[bflag:$0x0] =	sbarrier.arrive $0xFFFF  }
0x5d: {  	s11 =	simm.s32 $0x4E200;
	s22 =	simm.s32 $0x0;
	s20 =	rddreg [dreg:$0xf]  }
.LBB2_6:
0x5e: {  	s18 =	sadd.s32 $0x2, s18  }
0x5f: {  	p1 =	sne.s32 s18, $0x28  }
.Ltmp1:
0x60: {  	_ = 	snop;
	(pc) =	sbr.rel @!p1 .LBB2_7-.Ltmp1, $2  }
0x61: {  	_ =	sdelay $0x2  }
0x62: {  	s22 =	sadd.s32 $0x1, s22;
	s20 =	sadd.s32 $0x80, s20  }
.LBB2_2:
0x63: {  	p1 =	sge.u32 s18, s12;
	p2 =	slt.u32 s18, s15;
	_ =	swait.ge [sflag:s0], $0x8000  }
0x64: {  	p1 =	por !p1, !p2;
	[sflag:s0] =	ssyncset.done $0x0  }
0x65: {  	p1 =	por !p1, !p1;
	[sflag:s0] =	ssyncadd.s32 $0xFFFF8000  }
0x66: {  	[spmem:s1] =	stream.indirect.scatter.add.f32 [tilespmem:s28], [sflag:$0x5], $0x40, s3, s24, $0xb8;
	[tilespmem:$0x1FCC0] =	vst v63  }
0x67: {  	s13 =	simm.s32 @p1 $0x200;
	s19 =	simm.s32 @p1 $0x0;
	s9 =	simm.s32 @p1 $0x10840  }
0x68: {  	[spmem:s2] =	stream.indirect.scatter.add.f32 @p1 [tilespmem:s9], [sflag:$0x5], $0x10, s19, s13, $0xb8;
	[tilespmem:$0x1FCC0] =	vst v63  }
0x69: {  	s19 =	sadd.s32 $0x1, s18  }
0x6a: {  	p2 =	sgt.u32 s19, $0x26  }
.Ltmp2:
0x6b: {  	_ = 	snop;
	(pc) =	sbr.rel @p2 .LBB2_4-.Ltmp2, $1  }
0x6c: {  	_ =	sdelay $0x3  }
0x6d: {  	_ =	swait.ge [sflag:s4], $0x400  }
0x6e: {  	[sflag:s4] =	ssyncset.done $0x0  }
0x6f: {  	[sflag:s4] =	ssyncadd.s32 $0xFFFFFC00  }
0x70: {  	v1 =	vld [tilespmem:$0x600]  }
0x71: {  	v2 =	vld [tilespmem:$0x610]  }
0x72: {  	v3 =	vld [tilespmem:$0x620]  }
0x73: {  	v4 =	vld [tilespmem:$0x630]  }
0x74: {  	v5 =	vld [tilespmem:$0x640]  }
0x75: {  	v6 =	vld [tilespmem:$0x650];
	v1 =	vadd.s32 v0, v1  }
0x76: {  	[tilespmem:$0x600] =	vst v1;
	v1 =	vadd.s32 v0, v2;
	v2 =	vld [tilespmem:$0x660]  }
0x77: {  	[tilespmem:$0x610] =	vst v1;
	v1 =	vadd.s32 v0, v3;
	v3 =	vld [tilespmem:$0x670]  }
0x78: {  	v49 =	vld [tilespmem:$0x680];
	[tilespmem:$0x620] =	vst v1;
	v1 =	vadd.s32 v0, v4  }
0x79: {  	v50 =	vld [tilespmem:$0x690];
	[tilespmem:$0x630] =	vst v1;
	v1 =	vadd.s32 v0, v5  }
0x7a: {  	v51 =	vld [tilespmem:$0x6A0];
	[tilespmem:$0x640] =	vst v1;
	v1 =	vadd.s32 v0, v6  }
0x7b: {  	[tilespmem:$0x650] =	vst v1;
	v1 =	vadd.s32 v0, v2;
	v2 =	vld [tilespmem:$0x6B0]  }
0x7c: {  	[tilespmem:$0x660] =	vst v1;
	v1 =	vadd.s32 v0, v3;
	v3 =	vld [tilespmem:$0x6C0]  }
0x7d: {  	v52 =	vld [tilespmem:$0x6D0];
	[tilespmem:$0x670] =	vst v1;
	v1 =	vadd.s32 v0, v49  }
0x7e: {  	v53 =	vld [tilespmem:$0x6E0];
	[tilespmem:$0x680] =	vst v1;
	v1 =	vadd.s32 v0, v50  }
0x7f: {  	v54 =	vld [tilespmem:$0x6F0];
	[tilespmem:$0x690] =	vst v1;
	v1 =	vadd.s32 v0, v51  }
0x80: {  	[tilespmem:$0x6A0] =	vst v1;
	v1 =	vadd.s32 v0, v2;
	v2 =	vld [tilespmem:$0x700]  }
0x81: {  	[tilespmem:$0x6B0] =	vst v1;
	v1 =	vadd.s32 v0, v3;
	v3 =	vld [tilespmem:$0x710]  }
0x82: {  	v55 =	vld [tilespmem:$0x720];
	[tilespmem:$0x6C0] =	vst v1;
	v1 =	vadd.s32 v0, v52  }
0x83: {  	v56 =	vld [tilespmem:$0x730];
	[tilespmem:$0x6D0] =	vst v1;
	v1 =	vadd.s32 v0, v53  }
0x84: {  	v57 =	vld [tilespmem:$0x740];
	[tilespmem:$0x6E0] =	vst v1;
	v1 =	vadd.s32 v0, v54  }
0x85: {  	[tilespmem:$0x6F0] =	vst v1;
	v1 =	vadd.s32 v0, v2;
	v2 =	vld [tilespmem:$0x750]  }
0x86: {  	[tilespmem:$0x700] =	vst v1;
	v1 =	vadd.s32 v0, v3;
	v3 =	vld [tilespmem:$0x760]  }
0x87: {  	v58 =	vld [tilespmem:$0x770];
	[tilespmem:$0x710] =	vst v1;
	v1 =	vadd.s32 v0, v55  }
0x88: {  	v59 =	vld [tilespmem:$0x780];
	[tilespmem:$0x720] =	vst v1;
	v1 =	vadd.s32 v0, v56  }
0x89: {  	v60 =	vld [tilespmem:$0x790];
	[tilespmem:$0x730] =	vst v1;
	v1 =	vadd.s32 v0, v57  }
0x8a: {  	[tilespmem:$0x740] =	vst v1;
	v1 =	vadd.s32 v0, v2;
	v2 =	vld [tilespmem:$0x7A0]  }
0x8b: {  	[tilespmem:$0x750] =	vst v1;
	v1 =	vadd.s32 v0, v3;
	v3 =	vld [tilespmem:$0x7B0]  }
0x8c: {  	v61 =	vld [tilespmem:$0x7C0];
	[tilespmem:$0x760] =	vst v1;
	v1 =	vadd.s32 v0, v58  }
0x8d: {  	v62 =	vld [tilespmem:$0x7D0];
	[tilespmem:$0x770] =	vst v1;
	v1 =	vadd.s32 v0, v59  }
0x8e: {  	v63 =	vld [tilespmem:$0x7E0];
	[tilespmem:$0x780] =	vst v1;
	v1 =	vadd.s32 v0, v60  }
0x8f: {  	[tilespmem:$0x790] =	vst v1;
	v1 =	vadd.s32 v0, v2;
	v2 =	vld [tilespmem:$0x7F0]  }
0x90: {  	[tilespmem:$0x7A0] =	vst v1;
	v1 =	vadd.s32 v0, v3  }
0x91: {  	[tilespmem:$0x7B0] =	vst v1;
	v1 =	vadd.s32 v0, v61  }
0x92: {  	[tilespmem:$0x7C0] =	vst v1;
	v1 =	vadd.s32 v0, v62  }
0x93: {  	[tilespmem:$0x7D0] =	vst v1;
	v1 =	vadd.s32 v0, v63  }
0x94: {  	[tilespmem:$0x7E0] =	vst v1;
	v1 =	vadd.s32 v0, v2  }
0x95: {  	[tilespmem:$0x7F0] =	vst v1  }
0x96: {  	[tilespmem:s6], [sflag:$0x4] =	stream.indirect.gather [hbm4b:s5+s24], $0x40, s23, s24, $0xb8;
	[tilespmem:$0x1FCC0] =	vst v63  }
.LBB2_4:
0x97: {  	_ =	swait.ge [sflag:s30], $0x8000  }
0x98: {  	[sflag:s30] =	ssyncset.done $0x0  }
.Ltmp3:
0x99: {  	s9 =	simm.s32 @p1 $0x5;
	[sflag:s30] =	ssyncadd.s32 $0xFFFF8000;
	(pc) =	sbr.rel @p2 .LBB2_6-.Ltmp3, $4  }
0x9a: {  	p3 =	seq.s32 s18, $0x26;
	_ =	swait.ge @p1 [sflag:s9], $0x2000  }
0x9b: {  	s13 =	simm.s32 @!p3 $0x200;
	s25 =	simm.s32 @!p3 $0x4E200;
	[sflag:s9] =	ssyncset.done @p1 $0x0  }
0x9c: {  	s14 =	simm.s32 @!p3 $0x0;
	[sflag:s9] =	ssyncadd.s32 @p1 $0xFFFFE000;
	s9 =	sadd.s32 @!p3 $0xFFFFFFC0, s20  }
0x9d: {  	[tilespmem:s14], [sflag:$0x1] =	stream.strided.gather @!p3 [hbm4b:s9+s13], $0x400, s25, s13, $0x38;
	[tilespmem:$0x1FCC0] =	vst v63  }
0x9e: {  	p1 =	sge.u32 s19, s12;
	p2 =	slt.u32 s19, s15;
	_ =	swait.ge [sflag:s7], $0x8000  }
0x9f: {  	p1 =	por !p1, !p2;
	[sflag:s7] =	ssyncset.done $0x0  }
0xa0: {  	p1 =	por !p1, !p1;
	[sflag:s7] =	ssyncadd.s32 $0xFFFF8000  }
0xa1: {  	[spmem:s1] =	stream.indirect.scatter.add.f32 [tilespmem:s6], [sflag:$0x6], $0x40, s29, s24, $0xb8;
	[tilespmem:$0x1FCC0] =	vst v63  }
0xa2: {  	s9 =	simm.s32 @p1 $0x200;
	s13 =	simm.s32 @p1 $0x400;
	s14 =	simm.s32 @p1 $0x10840  }
0xa3: {  	[spmem:s2] =	stream.indirect.scatter.add.f32 @p1 [tilespmem:s14], [sflag:$0x6], $0x10, s13, s9, $0xb8;
	[tilespmem:$0x1FCC0] =	vst v63  }
0xa4: {  	_ =	swait.ge [sflag:s8], $0x400  }
0xa5: {  	[sflag:s8] =	ssyncset.done $0x0  }
0xa6: {  	[sflag:s8] =	ssyncadd.s32 $0xFFFFFC00  }
0xa7: {  	v1 =	vld [tilespmem:$0x200]  }
0xa8: {  	v2 =	vld [tilespmem:$0x210]  }
0xa9: {  	v3 =	vld [tilespmem:$0x220]  }
0xaa: {  	v4 =	vld [tilespmem:$0x230]  }
0xab: {  	v5 =	vld [tilespmem:$0x240]  }
0xac: {  	v6 =	vld [tilespmem:$0x250];
	v1 =	vadd.s32 v0, v1  }
0xad: {  	[tilespmem:$0x200] =	vst v1;
	v1 =	vadd.s32 v0, v2;
	v2 =	vld [tilespmem:$0x260]  }
0xae: {  	[tilespmem:$0x210] =	vst v1;
	v1 =	vadd.s32 v0, v3;
	v3 =	vld [tilespmem:$0x270]  }
0xaf: {  	v49 =	vld [tilespmem:$0x280];
	[tilespmem:$0x220] =	vst v1;
	v1 =	vadd.s32 v0, v4  }
0xb0: {  	v50 =	vld [tilespmem:$0x290];
	[tilespmem:$0x230] =	vst v1;
	v1 =	vadd.s32 v0, v5  }
0xb1: {  	v51 =	vld [tilespmem:$0x2A0];
	[tilespmem:$0x240] =	vst v1;
	v1 =	vadd.s32 v0, v6  }
0xb2: {  	[tilespmem:$0x250] =	vst v1;
	v1 =	vadd.s32 v0, v2;
	v2 =	vld [tilespmem:$0x2B0]  }
0xb3: {  	[tilespmem:$0x260] =	vst v1;
	v1 =	vadd.s32 v0, v3;
	v3 =	vld [tilespmem:$0x2C0]  }
0xb4: {  	v52 =	vld [tilespmem:$0x2D0];
	[tilespmem:$0x270] =	vst v1;
	v1 =	vadd.s32 v0, v49  }
0xb5: {  	v53 =	vld [tilespmem:$0x2E0];
	[tilespmem:$0x280] =	vst v1;
	v1 =	vadd.s32 v0, v50  }
0xb6: {  	v54 =	vld [tilespmem:$0x2F0];
	[tilespmem:$0x290] =	vst v1;
	v1 =	vadd.s32 v0, v51  }
0xb7: {  	[tilespmem:$0x2A0] =	vst v1;
	v1 =	vadd.s32 v0, v2;
	v2 =	vld [tilespmem:$0x300]  }
0xb8: {  	[tilespmem:$0x2B0] =	vst v1;
	v1 =	vadd.s32 v0, v3;
	v3 =	vld [tilespmem:$0x310]  }
0xb9: {  	v55 =	vld [tilespmem:$0x320];
	[tilespmem:$0x2C0] =	vst v1;
	v1 =	vadd.s32 v0, v52  }
0xba: {  	v56 =	vld [tilespmem:$0x330];
	[tilespmem:$0x2D0] =	vst v1;
	v1 =	vadd.s32 v0, v53  }
0xbb: {  	v57 =	vld [tilespmem:$0x340];
	[tilespmem:$0x2E0] =	vst v1;
	v1 =	vadd.s32 v0, v54  }
0xbc: {  	[tilespmem:$0x2F0] =	vst v1;
	v1 =	vadd.s32 v0, v2;
	v2 =	vld [tilespmem:$0x350]  }
0xbd: {  	[tilespmem:$0x300] =	vst v1;
	v1 =	vadd.s32 v0, v3;
	v3 =	vld [tilespmem:$0x360]  }
0xbe: {  	v58 =	vld [tilespmem:$0x370];
	[tilespmem:$0x310] =	vst v1;
	v1 =	vadd.s32 v0, v55  }
0xbf: {  	v59 =	vld [tilespmem:$0x380];
	[tilespmem:$0x320] =	vst v1;
	v1 =	vadd.s32 v0, v56  }
0xc0: {  	v60 =	vld [tilespmem:$0x390];
	[tilespmem:$0x330] =	vst v1;
	v1 =	vadd.s32 v0, v57  }
0xc1: {  	[tilespmem:$0x340] =	vst v1;
	v1 =	vadd.s32 v0, v2;
	v2 =	vld [tilespmem:$0x3A0]  }
0xc2: {  	[tilespmem:$0x350] =	vst v1;
	v1 =	vadd.s32 v0, v3;
	v3 =	vld [tilespmem:$0x3B0]  }
0xc3: {  	v61 =	vld [tilespmem:$0x3C0];
	[tilespmem:$0x360] =	vst v1;
	v1 =	vadd.s32 v0, v58  }
0xc4: {  	v62 =	vld [tilespmem:$0x3D0];
	[tilespmem:$0x370] =	vst v1;
	v1 =	vadd.s32 v0, v59  }
0xc5: {  	v63 =	vld [tilespmem:$0x3E0];
	[tilespmem:$0x380] =	vst v1;
	v1 =	vadd.s32 v0, v60  }
0xc6: {  	[tilespmem:$0x390] =	vst v1;
	v1 =	vadd.s32 v0, v2;
	v2 =	vld [tilespmem:$0x3F0]  }
0xc7: {  	[tilespmem:$0x3A0] =	vst v1;
	v1 =	vadd.s32 v0, v3  }
0xc8: {  	[tilespmem:$0x3B0] =	vst v1;
	v1 =	vadd.s32 v0, v61  }
0xc9: {  	[tilespmem:$0x3C0] =	vst v1;
	v1 =	vadd.s32 v0, v62  }
0xca: {  	[tilespmem:$0x3D0] =	vst v1;
	v1 =	vadd.s32 v0, v63  }
0xcb: {  	[tilespmem:$0x3E0] =	vst v1;
	v1 =	vadd.s32 v0, v2  }
0xcc: {  	[tilespmem:$0x3F0] =	vst v1  }
0xcd: {  	[tilespmem:s28], [sflag:$0x3] =	stream.indirect.gather [hbm4b:s5+s24], $0x40, s24, s24, $0xb8;
	[tilespmem:$0x1FCC0] =	vst v63  }
0xce: {  	_ =	swait.ge [sflag:s31], $0x8000  }
0xcf: {  	[sflag:s31] =	ssyncset.done $0x0  }
0xd0: {  	s9 =	simm.s32 @p1 $0x6;
	[sflag:s31] =	ssyncadd.s32 $0xFFFF8000  }
.Ltmp4:
0xd1: {  	_ =	swait.ge @p1 [sflag:s9], $0x2000;
	(pc) =	sbr.rel .LBB2_6-.Ltmp4, $4  }
0xd2: {  	[sflag:s9] =	ssyncset.done @p1 $0x0  }
0xd3: {  	[sflag:s9] =	ssyncadd.s32 @p1 $0xFFFFE000;
	p1 =	sgt.u32 s22, $0x11  }
0xd4: {  	s9 =	simm.s32 @!p1 $0x200;
	s13 =	simm.s32 @!p1 $0x4E200;
	s14 =	simm.s32 @!p1 $0x400  }
0xd5: {  	[tilespmem:s14], [sflag:$0x2] =	stream.strided.gather @!p1 [hbm4b:s20+s9], $0x400, s13, s9, $0x38;
	[tilespmem:$0x1FCC0] =	vst v63  }
.LBB2_7:
0xd6: {  	s9 =	rddreg [dreg:$0xc];
	s13 =	simm.s32 $0x20;
	s14 =	simm.s32 $0x10800  }
0xd7: {  	[tilespmem:s14], [sflag:$0x7] =	stream.strided.gather [hbm4b:s9+s13], $0x40, s11, s13, $0x38;
	[tilespmem:$0x1FCC0] =	vst v63  }
0xd8: {  	_ =	swait.ge [sflag:s26], $0x40  }
0xd9: {  	[sflag:s26] =	ssyncset.done $0x0  }
0xda: {  	[sflag:s26] =	ssyncadd.s32 $0xFFFFFFC0  }
0xdb: {  	v1 =	vld [tilespmem:$0x10820]  }
0xdc: {  	v2 =	vld [tilespmem:$0x10830];
	_ =	sdelay $0x3  }
0xdd: {  	v1 =	vadd.s32 v0, v1  }
0xde: {  	[tilespmem:$0x10820] =	vst v1;
	v1 =	vadd.s32 v0, v2  }
0xdf: {  	s20 =	simm.s32 $0x10820;
	[tilespmem:$0x10830] =	vst v1  }
0xe0: {  	[tilespmem:s28], [sflag:$0x3] =	stream.indirect.gather [hbm4b:s5+s13], $0x40, s20, s13, $0xb8;
	[tilespmem:$0x1FCC0] =	vst v63  }
0xe1: {  	_ =	swait.ge [sflag:s0], $0x800  }
0xe2: {  	[sflag:s0] =	ssyncset.done $0x0  }
0xe3: {  	[sflag:s0] =	ssyncadd.s32 $0xFFFFF800  }
0xe4: {  	[spmem:s1] =	stream.indirect.scatter.add.f32 [tilespmem:s28], [sflag:$0x7], $0x40, s14, s13, $0xb8;
	[tilespmem:$0x1FCC0] =	vst v63  }
0xe5: {  	_ =	swait.ge [sflag:s26], $0x800  }
0xe6: {  	s9 =	simm.s32 @!p0 $0x20;
	[sflag:s26] =	ssyncset.done $0x0  }
0xe7: {  	s13 =	simm.s32 @!p0 $0x10800;
	s14 =	simm.s32 @!p0 $0x10840;
	[sflag:s26] =	ssyncadd.s32 $0xFFFFF800  }
0xe8: {  	[spmem:s2] =	stream.indirect.scatter.add.f32 @!p0 [tilespmem:s14], [sflag:$0x7], $0x10, s13, s9, $0xb8;
	[tilespmem:$0x1FCC0] =	vst v63  }
0xe9: {  	s9 =	simm.s32 @!p0 $0x7  }
0xea: {  	_ =	swait.ge @!p0 [sflag:s9], $0x200  }
0xeb: {  	[sflag:s9] =	ssyncset.done @!p0 $0x0  }
0xec: {  	[sflag:s9] =	ssyncadd.s32 @!p0 $0xFFFFFE00  }
0xed: {  	[bflag:$0x0] =	sbarrier.arrive $0xFFFF  }
0xee: {  	s18 =	simm.s32 $0x0;
	s22 =	rddreg [dreg:$0x8]  }
0xef: {  	s19 =	simm.s32 $0x13240;
	s25 =	rddreg [dreg:$0xb];
	s9 =	sor.u32 $0x1C03, s22  }
0xf0: {  	[hbm:s25], [sflag:s9] =	dma.local [spmem:s21], $0x1400  }
.LBB2_8:
0xf1: {  	s9 =	smul.u32 $0xA0, s18;
	_ =	sdelay $0x1  }
0xf2: {  	s9 =	sadd.s32 s10, s9  }
0xf3: {  	s9 =	sshll.u32 s9, $0x4  }
0xf4: {  	s9 =	sand.u32 $0x3FFFFFF0, s9  }
0xf5: {  	s9 =	sadd.s32 s9, s2  }
0xf6: {  	[tilespmem:s16], [sflag:$0x7] =	stream.linear.gather [spmem:s9], $0xA00, $0x38;
	[tilespmem:$0x1FCC0] =	vst v63  }
0xf7: {  	_ =	swait.ge [sflag:s26], $0xA00  }
0xf8: {  	[sflag:s26] =	ssyncset.done $0x0  }
0xf9: {  	s22 =	simm.s32 $0x128C0;
	[sflag:s26] =	ssyncadd.s32 $0xFFFFF600  }
0xfa: {  	v2 =	vld [tilespmem:s22+$0xFFFFFF90]  }
0xfb: {  	v1 =	vmov s19;
	s13 =	simm.s32 $0x40;
	s20 =	simm.s32 $0x0;
	v3 =	vld [tilespmem:s22+$0xFFFFFF80]  }
.LBB2_9:
0xfc: {  	p1 =	sne.s32 s13, $0x240;
	v4 =	vld [tilespmem:s22+$0xFFFFFFA0]  }
0xfd: {  	v5 =	vld [tilespmem:s22+$0xFFFFFFB0]  }
0xfe: {  	v6 =	vld [tilespmem:s22+$0xFFFFFFC0]  }
0xff: {  	v7 =	vld [tilespmem:s22+$0xFFFFFFD0]  }
0x100: {  	v2 =	vsel vm0, v3, v2;
	v3 =	vld [tilespmem:s22+$0xFFFFFFE0]  }
0x101: {  	v2 =	vsel vm1, v2, v4;
	v4 =	vld [tilespmem:s22+$0xFFFFFFF0]  }
0x102: {  	v2 =	vsel vm2, v2, v5;
	v5 =	vld [tilespmem:s22+$0x0]  }
0x103: {  	v2 =	vsel vm3, v2, v6;
	v6 =	vld [tilespmem:s22+$0x10]  }
0x104: {  	v2 =	vsel vm4, v2, v7;
	v7 =	vld [tilespmem:s22+$0x20]  }
0x105: {  	v2 =	vsel vm5, v2, v3;
	v3 =	vld [tilespmem:s22+$0x30]  }
0x106: {  	v2 =	vsel vm6, v2, v4;
	v4 =	vld [tilespmem:s22+$0x40]  }
0x107: {  	v2 =	vsel vm7, v2, v5;
	v5 =	vld [tilespmem:s22+$0x50]  }
0x108: {  	v2 =	vsel vm8, v2, v6;
	v6 =	vld [tilespmem:s22+$0x60]  }
0x109: {  	v2 =	vsel vm9, v2, v7;
	v7 =	vld [tilespmem:s22+$0x70]  }
0x10a: {  	v2 =	vsel vm10, v2, v3  }
0x10b: {  	v2 =	vsel vm11, v2, v4  }
0x10c: {  	v2 =	vsel vm12, v2, v5  }
.Ltmp5:
0x10d: {  	v2 =	vsel vm13, v2, v6;
	(pc) =	sbr.rel @p1 .LBB2_9-.Ltmp5, $4  }
0x10e: {  	s9 =	sshra.s32 s20, $0x2;
	s20 =	smov.u32 s13;
	v2 =	vsel vm14, v2, v7  }
0x10f: {  	s22 =	sadd.s32 $0x100, s22;
	[tilespmem:v1+s9+$0x0 ss:$0x1] =	vst.idx.msk $0xffff, v2  }
0x110: {  	v2 =	vld [tilespmem:s22+$0xFFFFFF90]  }
0x111: {  	s13 =	sadd.s32 $0x40, s13;
	v3 =	vld [tilespmem:s22+$0xFFFFFF80]  }
0x112: {  	v4 =	vld [tilespmem:s22+$0xFFFFFFA0]  }
0x113: {  	v5 =	vld [tilespmem:s22+$0xFFFFFFB0]  }
0x114: {  	v6 =	vld [tilespmem:s22+$0xFFFFFFC0]  }
0x115: {  	v7 =	vld [tilespmem:s22+$0xFFFFFFD0]  }
0x116: {  	v2 =	vsel vm0, v3, v2;
	v3 =	vld [tilespmem:s22+$0xFFFFFFE0]  }
0x117: {  	v56 =	vld [tilespmem:s22+$0xFFFFFFF0];
	v2 =	vsel vm1, v2, v4  }
0x118: {  	v57 =	vld [tilespmem:s22+$0x0];
	v2 =	vsel vm2, v2, v5  }
0x119: {  	v58 =	vld [tilespmem:s22+$0x10];
	v2 =	vsel vm3, v2, v6  }
0x11a: {  	v59 =	vld [tilespmem:s22+$0x20];
	v2 =	vsel vm4, v2, v7  }
0x11b: {  	v2 =	vsel vm5, v2, v3;
	v3 =	vld [tilespmem:s22+$0x30]  }
0x11c: {  	v60 =	vld [tilespmem:s22+$0x40];
	v2 =	vsel vm6, v2, v56  }
0x11d: {  	v61 =	vld [tilespmem:s22+$0x50];
	v2 =	vsel vm7, v2, v57  }
0x11e: {  	v62 =	vld [tilespmem:s22+$0x60];
	v2 =	vsel vm8, v2, v58  }
0x11f: {  	v63 =	vld [tilespmem:s22+$0x70];
	s18 =	sadd.s32 $0x1, s18;
	v2 =	vsel vm9, v2, v59  }
0x120: {  	p1 =	sne.s32 s18, $0x4;
	v2 =	vsel vm10, v2, v3  }
.Ltmp6:
0x121: {  	v2 =	vsel vm11, v2, v60;
	(pc) =	sbr.rel @p1 .LBB2_8-.Ltmp6, $4  }
0x122: {  	v2 =	vsel vm12, v2, v61  }
0x123: {  	v2 =	vsel vm13, v2, v62  }
0x124: {  	s9 =	sshra.s32 s20, $0x2;
	v2 =	vsel vm14, v2, v63  }
0x125: {  	s19 =	sadd.s32 $0xA0, s19;
	[tilespmem:v1+s9+$0x0 ss:$0x1] =	vst.idx.msk $0xffff, v2  }
0x126: {  	s9 =	rddreg [dreg:$0xe];
	s11 =	simm.s32 $0x13240  }
0x127: {  	[hbm4b:s9+s3] =	stream.linear.scatter [tilespmem:s11], [sflag:$0x7], $0x280, $0x38;
	[tilespmem:$0x1FCC0] =	vst v63  }
0x128: {  	_ =	swait.ge [sflag:s26], $0x280  }
0x129: {  	[sflag:s26] =	ssyncset.done $0x0  }
0x12a: {  	[sflag:s26] =	ssyncadd.s32 $0xFFFFFD80  }
0x12b: {  	_ =	swait.ge [sflag:s0], $0x1400  }
0x12c: {  	s17 =	sadd.s32 $0x1, s17;
	s25 =	rddreg [dreg:$0xd]  }
0x12d: {  	p1 =	sne.s32 s17, s25  }
.Ltmp7:
0x12e: {  	_ = 	snop;
	(pc) =	sbr.rel @p1 .LBB2_1-.Ltmp7, $3  }
0x12f: {  	_ =	sdelay $0x1  }
0x130: {  	[sflag:s0] =	ssyncset.done $0x0  }
0x131: {  	[sflag:s0] =	ssyncadd.s32 $0xFFFFEC00  }
0x132: {  	_ =	sfence.sel $0x180000  }
0x133: {  	[bflag:$0x0] =	sbarrier.arrive $0xFFFF  }
0x134: {  	_ =	strace $0x90000047  }
0x135: {  	s0 =	stileid.u32;
	[bflag:$0x2] =	sbarrier.arrive $0xFFFF  }
0x136: {  	p0 =	sne.s32 s0, $0x0;
	s0 =	rddreg [dreg:$0x4]  }
0x137: {  	s0 =	sadd.s32 @!p0 $0x100000, s0  }
0x138: {  	[sflag:s0] =	ssyncadd.tile.s32 @!p0 $0x1;
	_ =	shalt  }
.Lfunc_end2:
_tile_overlayer_lowered:
.L_overlay_start_2:
0x139: {  	(tag) =	ssettag $0x2  }
0x13a: {  	s0 =	rddreg [dreg:$0x0];
	s2 =	stileid.u32  }
0x13b: {  	s1 =	rddreg [dreg:$0x1];
	p0 =	sne.s32 s2, $0x0  }
0x13c: {  	s3 =	rddreg [dreg:$0x2];
	[bflag:$0x3] =	sbarrier.arrive $0xFFFF;
	s2 =	simm.s32 @!p0 $0x1C07  }
0x13d: {  	[timem:s3], [sflag:s2] =	dma.local @!p0 [hbm:s0], s1  }
0x13e: {  	s0 =	simm.s32 @!p0 $0x7  }
0x13f: {  	_ =	swait.ge @!p0 [sflag:s0], s1  }
0x140: {  	s1 =	ssub.s32 @!p0 $0x0, s1;
	[sflag:s0] =	ssyncset.done @!p0 $0x0  }
0x141: {  	[sflag:s0] =	ssyncadd.s32 @!p0 s1  }
0x142: {  	[bflag:$0x3] =	sbarrier.arrive $0xFFFF  }
0x143: {  	_ =	shalt  }

</sc_bundles>
